<compile_context>
chip_gen: v7x
topology: tpu7x:2x2x1
jax: 0.10.2.dev20260603
libtpu: 0.0.44.dev20260713+nightly
codegen_flags: <defaults>
</compile_context>

<pallas_src>
import functools

import jax
import jax.numpy as jnp
from jax import lax
from jax.experimental import pallas as pl
from jax.experimental.pallas import tpu as pltpu, tpu_sc as plsc

_E = 160000
_CH = 128
_NC = 2
_NS = 16
_NW = _NC * _NS
_W = 128
_MLP_B = 1280



def _tc_matmul(x, w):
    def body(x_ref, w_ref, o_ref):
        o_ref[...] = jnp.dot(x_ref[...], w_ref[...],
                             preferred_element_type=jnp.float32)
    return pl.pallas_call(
        body,
        out_shape=jax.ShapeDtypeStruct((x.shape[0], w.shape[1]), jnp.float32),
    )(x, w)


def _tc_combine_relu_matmul(parts, w_pad):
    def body(p_ref, w_ref, o_ref):
        a = jnp.maximum(p_ref[0] + p_ref[1], 0.0)
        o_ref[...] = jnp.dot(a, w_ref[...], preferred_element_type=jnp.float32)
    return pl.pallas_call(
        body,
        out_shape=jax.ShapeDtypeStruct((parts.shape[1], w_pad.shape[1]),
                                       jnp.float32),
    )(parts, w_pad)


def _tc_combine(parts, C):
    def body(p_ref, o_ref):
        o_ref[...] = (p_ref[0] + p_ref[1])[:, :C]
    return pl.pallas_call(
        body,
        out_shape=jax.ShapeDtypeStruct((parts.shape[1], C), jnp.float32),
    )(parts)


def _tc_edge_mlp(f1, f2, vmask3, We1a, We1b, be1, We2, be2, We3p, be3r):
    E = f1.shape[0]
    B = _MLP_B
    grid = E // B

    def body(f1_ref, f2_ref, vm_ref, wa_ref, wb_ref, b1_ref, w2_ref, b2_ref,
             w3_ref, b3_ref, o_ref):
        h = jnp.dot(f1_ref[...], wa_ref[...],
                    preferred_element_type=jnp.float32)
        h = h + jnp.dot(f2_ref[...], wb_ref[...],
                        preferred_element_type=jnp.float32)
        h = jnp.maximum(h + b1_ref[...], 0.0)
        h = jnp.maximum(jnp.dot(h, w2_ref[...],
                                preferred_element_type=jnp.float32)
                        + b2_ref[...], 0.0)
        w = jnp.dot(h, w3_ref[...], preferred_element_type=jnp.float32)
        w = w + b3_ref[...]
        v = jnp.maximum(w[:, 0:1], 0.0)
        vm = jnp.reshape(vm_ref[...], (B, 1))
        o_ref[...] = jnp.broadcast_to(v * vm, (B, _W))

    return pl.pallas_call(
        body,
        grid=(grid,),
        in_specs=[
            pl.BlockSpec((B, _W), lambda i: (i, 0)),
            pl.BlockSpec((B, _W), lambda i: (i, 0)),
            pl.BlockSpec((1, 1, B), lambda i: (i, 0, 0)),
            pl.BlockSpec(We1a.shape, lambda i: (0, 0)),
            pl.BlockSpec(We1b.shape, lambda i: (0, 0)),
            pl.BlockSpec(be1.shape, lambda i: (0, 0)),
            pl.BlockSpec(We2.shape, lambda i: (0, 0)),
            pl.BlockSpec(be2.shape, lambda i: (0, 0)),
            pl.BlockSpec(We3p.shape, lambda i: (0, 0)),
            pl.BlockSpec((1, 128), lambda i: (0, 0)),
        ],
        out_specs=pl.BlockSpec((B, _W), lambda i: (i, 0)),
        out_shape=jax.ShapeDtypeStruct((E, _W), jnp.float32),
    )(f1, f2, vmask3, We1a, We1b, be1, We2, be2, We3p, be3r)



_MESH = plsc.VectorSubcoreMesh(core_axis_name="c", subcore_axis_name="s")


def _sc_spmm(tbl, r_eff, c_idx, vb, zeros, N):
    NP = N + 8
    E = r_eff.shape[0]
    TCH = E // _CH
    NT = (TCH + _NW - 1) // _NW
    scaled = vb is not None

    scratch = [
        pltpu.VMEM((_CH,), jnp.int32),
        pltpu.VMEM((_CH,), jnp.int32),
        pltpu.VMEM((_CH, _W), jnp.float32),
        pltpu.VMEM((_CH, _W), jnp.float32),
        pltpu.VMEM_SHARED((NP, _W), jnp.float32),
        pltpu.SemaphoreType.DMA,
    ]

    def body(*refs):
        if scaled:
            (tbl_ref, r_ref, c_ref, vb_ref, z_ref, out_ref,
             cidx_v, ridx_v, rows_v, vb_v, acc, sem) = refs
        else:
            (tbl_ref, r_ref, c_ref, z_ref, out_ref,
             cidx_v, ridx_v, rows_v, vb_v, acc, sem) = refs
        cid = lax.axis_index("c")
        sid = lax.axis_index("s")
        wid = sid * _NC + cid

        @pl.when(sid == 0)
        def _():
            pltpu.sync_copy(z_ref, acc)
        plsc.subcore_barrier()

        def step(t, carry):
            ch = t * _NW + wid

            @pl.when(ch < TCH)
            def _():
                base = ch * _CH
                pltpu.sync_copy(c_ref.at[pl.ds(base, _CH)], cidx_v)
                pltpu.async_copy(tbl_ref.at[cidx_v], rows_v, sem).wait()
                if scaled:
                    pltpu.sync_copy(vb_ref.at[pl.ds(base, _CH)], vb_v)

                    def mul(i, c2):
                        for off in range(0, _W, 16):
                            rows_v[i, pl.ds(off, 16)] = (
                                rows_v[i, pl.ds(off, 16)]
                                * vb_v[i, pl.ds(off, 16)])
                        return c2
                    lax.fori_loop(0, _CH, mul, 0)
                pltpu.sync_copy(r_ref.at[pl.ds(base, _CH)], ridx_v)
                pltpu.sync_copy(rows_v, acc.at[ridx_v], add=True)
            return carry

        lax.fori_loop(0, NT, step, 0)
        plsc.subcore_barrier()

        @pl.when(sid == 0)
        def _():
            pltpu.sync_copy(acc.at[pl.ds(0, N)], out_ref.at[cid])

    fn = functools.partial(
        pl.kernel, body,
        out_type=jax.ShapeDtypeStruct((2, N, _W), jnp.float32),
        mesh=_MESH,
        scratch_types=scratch,
    )
    if scaled:
        return fn()(tbl, r_eff, c_idx, vb, zeros)
    return fn()(tbl, r_eff, c_idx, zeros)


def _sc_gather2(emb, r_idx, c_idx):
    E = r_idx.shape[0]
    TCH = E // _CH
    NT = (TCH + _NW - 1) // _NW
    N = emb.shape[0]

    def body(emb_ref, r_ref, c_ref, f1_ref, f2_ref, idx_v, rows_v, tbl_sh,
             sem):
        cid = lax.axis_index("c")
        sid = lax.axis_index("s")
        wid = sid * _NC + cid

        @pl.when(sid == 0)
        def _():
            pltpu.sync_copy(emb_ref, tbl_sh)
        plsc.subcore_barrier()

        def step(t, carry):
            ch = t * _NW + wid

            @pl.when(ch < TCH)
            def _():
                base = ch * _CH
                pltpu.sync_copy(r_ref.at[pl.ds(base, _CH)], idx_v)
                pltpu.async_copy(tbl_sh.at[idx_v], rows_v, sem).wait()
                pltpu.sync_copy(rows_v, f1_ref.at[pl.ds(base, _CH)])
                pltpu.sync_copy(c_ref.at[pl.ds(base, _CH)], idx_v)
                pltpu.async_copy(tbl_sh.at[idx_v], rows_v, sem).wait()
                pltpu.sync_copy(rows_v, f2_ref.at[pl.ds(base, _CH)])
            return carry

        lax.fori_loop(0, NT, step, 0)

    return pl.kernel(
        body,
        out_type=(jax.ShapeDtypeStruct((E, _W), jnp.float32),
                  jax.ShapeDtypeStruct((E, _W), jnp.float32)),
        mesh=_MESH,
        scratch_types=[
            pltpu.VMEM((_CH,), jnp.int32),
            pltpu.VMEM((_CH, _W), jnp.float32),
            pltpu.VMEM_SHARED((N, _W), jnp.float32),
            pltpu.SemaphoreType.DMA,
        ],
    )(emb, r_idx, c_idx)



def kernel(x, adj, W1, W2, We1, be1, We2, be2, We3, be3):
    N, D = x.shape
    C = W1.shape[1]

    r, c = jnp.nonzero(adj, size=_E, fill_value=0)
    r = r.astype(jnp.int32)
    c = c.astype(jnp.int32)
    key = r * N + c
    valid = jnp.concatenate(
        [jnp.ones((1,), jnp.bool_), key[1:] > key[:-1]])
    vmask3 = valid.astype(jnp.float32).reshape(_E // _MLP_B, 1, _MLP_B)
    r_eff = jnp.where(valid, r, N)

    zeros = jnp.zeros((N + 8, _W), jnp.float32)

    We1a = jnp.pad(We1[:C], ((0, _W - C), (0, 0)))
    We1b = jnp.pad(We1[C:], ((0, _W - C), (0, 0)))
    be1r = be1.reshape(1, -1)
    be2r = be2.reshape(1, -1)
    We3p = jnp.pad(We3, ((0, 0), (0, 127)))
    be3r = jnp.broadcast_to(be3.reshape(1, 1), (1, 128))
    W2p = jnp.pad(W2, ((0, _W - C), (0, 0)))

    def lane_pad(a):
        a = a.astype(jnp.bfloat16).astype(jnp.float32)
        return jnp.pad(a, ((0, 8), (0, _W - C)))

    xW1 = _tc_matmul(x, W1)
    xW1p = lane_pad(xW1)
    a1p = _sc_spmm(xW1p, r_eff, c, None, zeros, N)
    q1 = _tc_combine_relu_matmul(a1p, W2p)
    embp = _sc_spmm(lane_pad(q1), r_eff, c, None, zeros, N)
    emb = _tc_combine(embp, _W)

    f1, f2 = _sc_gather2(emb, r, c)
    vb = _tc_edge_mlp(f1, f2, vmask3, We1a, We1b, be1r, We2, be2r,
                      We3p, be3r)
    vb = vb.astype(jnp.bfloat16).astype(jnp.float32)

    a2p = _sc_spmm(xW1p, r_eff, c, vb, zeros, N)
    q2 = _tc_combine_relu_matmul(a2p, W2p)
    zp = _sc_spmm(lane_pad(q2), r_eff, c, vb, zeros, N)
    return _tc_combine(zp, C)

# --- scband reference (transcript-rebuilt; emitter-appended) ---
"""Pipeline reference for scband-decisive-edge-3109556322398 (READ-ONLY COPY).

The authoritative reference and input builder live on the scoring server;
editing this copy changes nothing except your own understanding.
"""

import jax, jax.numpy as jnp
import numpy as np

N = 10000
D = 128
E = 160000
C = 32


def _base_model(x, adj, W1, W2):
    # Simple 2-layer GCN surrogate for base_model: emits logits of width C
    h = jax.nn.relu(adj @ (x @ W1))
    return adj @ (h @ W2)


def setup_inputs(seed: int = 0) -> dict:
    key = jax.random.key(seed)
    ks = jax.random.split(key, 12)
    x = jax.random.normal(ks[0], (N, D), dtype=jnp.float32)
    src = jax.random.randint(ks[1], (E,), 0, N)
    dst = jax.random.randint(ks[2], (E,), 0, N)
    adj = jnp.zeros((N, N), dtype=jnp.float32).at[src, dst].set(1.0)

    def lin(k, fan_in, fan_out):
        s = 1.0 / np.sqrt(fan_in)
        return jax.random.uniform(k, (fan_in, fan_out), jnp.float32, -s, s)

    W1 = lin(ks[3], D, C)
    W2 = lin(ks[4], C, C)
    We1 = lin(ks[5], 2 * C, 4 * C)
    be1 = jnp.zeros((4 * C,), jnp.float32)
    We2 = lin(ks[6], 4 * C, 2 * C)
    be2 = jnp.zeros((2 * C,), jnp.float32)
    We3 = lin(ks[7], 2 * C, 1)
    be3 = jnp.zeros((1,), jnp.float32)
    return {"x": x, "adj": adj, "W1": W1, "W2": W2,
            "We1": We1, "be1": be1, "We2": We2, "be2": be2,
            "We3": We3, "be3": be3}


def reference(x, adj, W1, W2, We1, be1, We2, be2, We3, be3):
    # get_weight: emb from frozen base model on the original adjacency
    emb = _base_model(x, adj, W1, W2)
    # dense_to_sparse(adj) -> edge_index (row, col of nonzeros)
    nnz = jnp.count_nonzero(adj)
    r, c = jnp.nonzero(adj, size=E, fill_value=0)
    valid = jnp.arange(E) < nnz
    # torch: col, row = edge_index; f1 = emb[col] (= emb[edge_index[0]]), f2 = emb[row]
    f1 = emb[r]
    f2 = emb[c]
    f12 = jnp.concatenate([f1, f2], axis=-1)
    # extractor MLP (dropout is identity in eval / has no effect on the math here)
    h = jax.nn.relu(f12 @ We1 + be1)
    h = jax.nn.relu(h @ We2 + be2)
    w = (h @ We3 + be3).reshape(-1)
    w = jnp.where(valid, w, jnp.float32(0.0))
    # sparse_coo_tensor(edge_index, w).to_dense().relu()  (coalescing sums duplicates; nonzero indices are unique)
    decisive = jax.nn.relu(jnp.zeros((N, N), jnp.float32).at[r, c].add(w))
    # logits = base_model(x, decisive_adj)
    return _base_model(x, decisive, W1, W2)

if __name__ == "__main__":
    import jax
    _d = setup_inputs()
    print(jax.jit(kernel)(*tuple(_d.values())))

</pallas_src>

<mosaic_0001>
#map = affine_map<(d0, d1) -> (0, 0)>
#map1 = affine_map<(d0, d1) -> (0)>
#map2 = affine_map<(d0, d1) -> (0, 0, 0)>
module attributes {stable_mosaic.version = 14 : i64} {
  func.func @body(%arg0: i32, %arg1: i32, %arg2: memref<10008x128xf32, #tpu.memory_space<hbm>>, %arg3: memref<160000xi32, #tpu.memory_space<hbm>>, %arg4: memref<160000xi32, #tpu.memory_space<hbm>>, %arg5: memref<10008x128xf32, #tpu.memory_space<hbm>>, %arg6: memref<2x10000x128xf32, #tpu.memory_space<hbm>>, %arg7: memref<128xi32, #tpu.memory_space<vmem>>, %arg8: memref<128xi32, #tpu.memory_space<vmem>>, %arg9: memref<128x128xf32, #tpu.memory_space<vmem>>, %arg10: memref<128x128xf32, #tpu.memory_space<vmem>>, %arg11: memref<10008x128xf32, #tpu.memory_space<vmem_shared>>, %arg12: memref<!tpu.dma_semaphore, #tpu.memory_space<semaphore_mem>>) attributes {dimension_semantics = [#tpu.dimension_semantics<core_parallel>, #tpu.dimension_semantics<subcore_parallel>], iteration_bounds = array<i64: 2, 16>, scalar_prefetch = 0 : i64, scratch_operands = 6 : i64, tpu.core_type = #tpu.core_type<sc_vector_subcore>, window_params = [{transform_indices = #map}, {transform_indices = #map1}, {transform_indices = #map1}, {transform_indices = #map}, {transform_indices = #map2}]} {
    %mul3A = arith.constant 2 : i32
    %mul3A_0 = arith.muli %arg1, %mul3A : i32
    %add3A = arith.addi %mul3A_0, %arg0 : i32
    %eq3A = arith.constant 0 : i32
    %eq3A_1 = arith.cmpi eq, %arg1, %eq3A : i32
    %convert_element_type3A = arith.extui %eq3A_1 : i1 to i32
    %cond3A = arith.constant 0 : i32
    %cond3A_2 = arith.cmpi ne, %convert_element_type3A, %cond3A : i32
    scf.if %cond3A_2 {
      "tpu.region"() ({
        %run_scoped3A = tpu.sem_alloc : memref<!tpu.dma_semaphore, #tpu.memory_space<semaphore_mem>>
        tpu.enqueue_dma source(%arg5 : memref<10008x128xf32, #tpu.memory_space<hbm>>) target(%arg11 : memref<10008x128xf32, #tpu.memory_space<vmem_shared>>) target_semaphore(%run_scoped3A : memref<!tpu.dma_semaphore, #tpu.memory_space<semaphore_mem>>)
        tpu.wait_dma2 semaphore(%run_scoped3A : memref<!tpu.dma_semaphore, #tpu.memory_space<semaphore_mem>>) src(%arg5 : memref<10008x128xf32, #tpu.memory_space<hbm>>) dst(%arg11 : memref<10008x128xf32, #tpu.memory_space<vmem_shared>>)
        tpu.yield
      }) : () -> ()
    } else {
    }
    %barrier3A = arith.constant 0 : index
    tpu.barrier barrier_id(%barrier3A)
    %scan3A = arith.constant 0 : i32
    %scan3A_3 = arith.constant 0 : i32
    %scan3A_4 = arith.constant 40 : i32
    %scan3A_5 = arith.addi %scan3A_3, %scan3A_4 : i32
    %scan3A_6 = arith.constant 1 : i32
    scf.for %scan3A_14 = %scan3A_3 to %scan3A_5 step %scan3A_6  : i32 {
      %mul3A_15 = arith.constant 32 : i32
      %mul3A_16 = arith.muli %scan3A_14, %mul3A_15 : i32
      %add3A_17 = arith.addi %mul3A_16, %add3A : i32
      %lt3A = arith.constant 1250 : i32
      %lt3A_18 = arith.cmpi slt, %add3A_17, %lt3A : i32
      %convert_element_type3A_19 = arith.extui %lt3A_18 : i1 to i32
      %cond3A_20 = arith.constant 0 : i32
      %cond3A_21 = arith.cmpi ne, %convert_element_type3A_19, %cond3A_20 : i32
      scf.if %cond3A_21 {
        %mul3A_22 = arith.constant 128 : i32
        %mul3A_23 = arith.muli %add3A_17, %mul3A_22 : i32
        "tpu.region"() ({
          %run_scoped3A = tpu.sem_alloc : memref<!tpu.dma_semaphore, #tpu.memory_space<semaphore_mem>>
          %dma_start3A_28 = tpu.memref_slice %arg4[%mul3A_23] : memref<160000xi32, #tpu.memory_space<hbm>> -> memref<128xi32, #tpu.memory_space<hbm>>
          %dma_start3A_29 = tpu.memref_slice %arg4[%mul3A_23] : memref<160000xi32, #tpu.memory_space<hbm>> -> memref<128xi32, #tpu.memory_space<hbm>>
          tpu.enqueue_dma source(%dma_start3A_29 : memref<128xi32, #tpu.memory_space<hbm>>) target(%arg7 : memref<128xi32, #tpu.memory_space<vmem>>) target_semaphore(%run_scoped3A : memref<!tpu.dma_semaphore, #tpu.memory_space<semaphore_mem>>)
          %dma_wait3A_30 = tpu.memref_slice %arg4[%mul3A_23] : memref<160000xi32, #tpu.memory_space<hbm>> -> memref<128xi32, #tpu.memory_space<hbm>>
          %dma_wait3A_31 = tpu.memref_slice %arg4[%mul3A_23] : memref<160000xi32, #tpu.memory_space<hbm>> -> memref<128xi32, #tpu.memory_space<hbm>>
          tpu.wait_dma2 semaphore(%run_scoped3A : memref<!tpu.dma_semaphore, #tpu.memory_space<semaphore_mem>>) src(%dma_wait3A_31 : memref<128xi32, #tpu.memory_space<hbm>>) dst(%arg7 : memref<128xi32, #tpu.memory_space<vmem>>)
          tpu.yield
        }) : () -> ()
        %dma_start3A = arith.constant 0 : i32
        %dma_start3A_24 = arith.constant 0 : i32
        %dma_start3A_25 = tpu.memref_slice %arg2[%dma_start3A, %dma_start3A_24] : memref<10008x128xf32, #tpu.memory_space<hbm>> -> memref<10008x128xf32, #tpu.memory_space<hbm>>
        tpu.enqueue_indirect_dma source(%dma_start3A_25 : memref<10008x128xf32, #tpu.memory_space<hbm>>) target(%arg9 : memref<128x128xf32, #tpu.memory_space<vmem>>) offsets(%arg7 : memref<128xi32, #tpu.memory_space<vmem>>) semaphore(%arg12 : memref<!tpu.dma_semaphore, #tpu.memory_space<semaphore_mem>>)
        %dma_wait3A = arith.constant 0 : i32
        %dma_wait3A_26 = arith.constant 0 : i32
        %dma_wait3A_27 = tpu.memref_slice %arg2[%dma_wait3A, %dma_wait3A_26] : memref<10008x128xf32, #tpu.memory_space<hbm>> -> memref<10008x128xf32, #tpu.memory_space<hbm>>
        tpu.wait_indirect_dma semaphore(%arg12 : memref<!tpu.dma_semaphore, #tpu.memory_space<semaphore_mem>>) src(%dma_wait3A_27 : memref<10008x128xf32, #tpu.memory_space<hbm>>) dst(%arg9 : memref<128x128xf32, #tpu.memory_space<vmem>>)
        "tpu.region"() ({
          %run_scoped3A = tpu.sem_alloc : memref<!tpu.dma_semaphore, #tpu.memory_space<semaphore_mem>>
          %dma_start3A_28 = tpu.memref_slice %arg3[%mul3A_23] : memref<160000xi32, #tpu.memory_space<hbm>> -> memref<128xi32, #tpu.memory_space<hbm>>
          %dma_start3A_29 = tpu.memref_slice %arg3[%mul3A_23] : memref<160000xi32, #tpu.memory_space<hbm>> -> memref<128xi32, #tpu.memory_space<hbm>>
          tpu.enqueue_dma source(%dma_start3A_29 : memref<128xi32, #tpu.memory_space<hbm>>) target(%arg8 : memref<128xi32, #tpu.memory_space<vmem>>) target_semaphore(%run_scoped3A : memref<!tpu.dma_semaphore, #tpu.memory_space<semaphore_mem>>)
          %dma_wait3A_30 = tpu.memref_slice %arg3[%mul3A_23] : memref<160000xi32, #tpu.memory_space<hbm>> -> memref<128xi32, #tpu.memory_space<hbm>>
          %dma_wait3A_31 = tpu.memref_slice %arg3[%mul3A_23] : memref<160000xi32, #tpu.memory_space<hbm>> -> memref<128xi32, #tpu.memory_space<hbm>>
          tpu.wait_dma2 semaphore(%run_scoped3A : memref<!tpu.dma_semaphore, #tpu.memory_space<semaphore_mem>>) src(%dma_wait3A_31 : memref<128xi32, #tpu.memory_space<hbm>>) dst(%arg8 : memref<128xi32, #tpu.memory_space<vmem>>)
          tpu.yield
        }) : () -> ()
        "tpu.region"() ({
          %run_scoped3A = tpu.sem_alloc : memref<!tpu.dma_semaphore, #tpu.memory_space<semaphore_mem>>
          %dma_start3A_28 = arith.constant 0 : i32
          %dma_start3A_29 = arith.constant 0 : i32
          %dma_start3A_30 = tpu.memref_slice %arg11[%dma_start3A_28, %dma_start3A_29] : memref<10008x128xf32, #tpu.memory_space<vmem_shared>> -> memref<10008x128xf32, #tpu.memory_space<vmem_shared>>
          tpu.enqueue_indirect_dma source(%arg9 : memref<128x128xf32, #tpu.memory_space<vmem>>) target(%dma_start3A_30 : memref<10008x128xf32, #tpu.memory_space<vmem_shared>>) offsets(%arg8 : memref<128xi32, #tpu.memory_space<vmem>>) semaphore(%run_scoped3A : memref<!tpu.dma_semaphore, #tpu.memory_space<semaphore_mem>>) {add = true}
          %dma_wait3A_31 = arith.constant 0 : i32
          %dma_wait3A_32 = arith.constant 0 : i32
          %dma_wait3A_33 = tpu.memref_slice %arg11[%dma_wait3A_31, %dma_wait3A_32] : memref<10008x128xf32, #tpu.memory_space<vmem_shared>> -> memref<10008x128xf32, #tpu.memory_space<vmem_shared>>
          tpu.wait_indirect_dma semaphore(%run_scoped3A : memref<!tpu.dma_semaphore, #tpu.memory_space<semaphore_mem>>) src(%arg9 : memref<128x128xf32, #tpu.memory_space<vmem>>) dst(%dma_wait3A_33 : memref<10008x128xf32, #tpu.memory_space<vmem_shared>>)
          tpu.yield
        }) : () -> ()
      } else {
      }
    }
    %scan3A_7 = arith.constant 40 : i32
    %barrier3A_8 = arith.constant 0 : index
    tpu.barrier barrier_id(%barrier3A_8)
    %eq3A_9 = arith.constant 0 : i32
    %eq3A_10 = arith.cmpi eq, %arg1, %eq3A_9 : i32
    %convert_element_type3A_11 = arith.extui %eq3A_10 : i1 to i32
    %cond3A_12 = arith.constant 0 : i32
    %cond3A_13 = arith.cmpi ne, %convert_element_type3A_11, %cond3A_12 : i32
    scf.if %cond3A_13 {
      "tpu.region"() ({
        %run_scoped3A = tpu.sem_alloc : memref<!tpu.dma_semaphore, #tpu.memory_space<semaphore_mem>>
        %dma_start3A = arith.constant 0 : i32
        %dma_start3A_14 = arith.constant 0 : i32
        %dma_start3A_15 = tpu.memref_slice %arg6[%arg0, %dma_start3A, %dma_start3A_14] : memref<2x10000x128xf32, #tpu.memory_space<hbm>> -> memref<1x10000x128xf32, #tpu.memory_space<hbm>>
        %dma_start3A_16 = tpu.memref_squeeze %dma_start3A_15 : memref<1x10000x128xf32, #tpu.memory_space<hbm>> -> memref<10000x128xf32, #tpu.memory_space<hbm>>
        %dma_start3A_17 = arith.constant 0 : i32
        %dma_start3A_18 = arith.constant 0 : i32
        %dma_start3A_19 = tpu.memref_slice %arg11[%dma_start3A_17, %dma_start3A_18] : memref<10008x128xf32, #tpu.memory_space<vmem_shared>> -> memref<10000x128xf32, #tpu.memory_space<vmem_shared>>
        tpu.enqueue_dma source(%dma_start3A_19 : memref<10000x128xf32, #tpu.memory_space<vmem_shared>>) target(%dma_start3A_16 : memref<10000x128xf32, #tpu.memory_space<hbm>>) target_semaphore(%run_scoped3A : memref<!tpu.dma_semaphore, #tpu.memory_space<semaphore_mem>>)
        %dma_wait3A = arith.constant 0 : i32
        %dma_wait3A_20 = arith.constant 0 : i32
        %dma_wait3A_21 = tpu.memref_slice %arg6[%arg0, %dma_wait3A, %dma_wait3A_20] : memref<2x10000x128xf32, #tpu.memory_space<hbm>> -> memref<1x10000x128xf32, #tpu.memory_space<hbm>>
        %dma_wait3A_22 = tpu.memref_squeeze %dma_wait3A_21 : memref<1x10000x128xf32, #tpu.memory_space<hbm>> -> memref<10000x128xf32, #tpu.memory_space<hbm>>
        %dma_wait3A_23 = arith.constant 0 : i32
        %dma_wait3A_24 = arith.constant 0 : i32
        %dma_wait3A_25 = tpu.memref_slice %arg11[%dma_wait3A_23, %dma_wait3A_24] : memref<10008x128xf32, #tpu.memory_space<vmem_shared>> -> memref<10000x128xf32, #tpu.memory_space<vmem_shared>>
        tpu.wait_dma2 semaphore(%run_scoped3A : memref<!tpu.dma_semaphore, #tpu.memory_space<semaphore_mem>>) src(%dma_wait3A_25 : memref<10000x128xf32, #tpu.memory_space<vmem_shared>>) dst(%dma_wait3A_22 : memref<10000x128xf32, #tpu.memory_space<hbm>>)
        tpu.yield
      }) : () -> ()
    } else {
    }
    return
  }
}

#map = affine_map<(d0, d1) -> (0, 0)>
#map1 = affine_map<(d0, d1) -> (0)>
#map2 = affine_map<(d0, d1) -> (0, 0, 0)>
module attributes {stable_mosaic.version = 14 : i64} {
  func.func @body(%arg0: i32, %arg1: i32, %arg2: memref<10008x128xf32, #tpu.memory_space<hbm>>, %arg3: memref<160000xi32, #tpu.memory_space<hbm>>, %arg4: memref<160000xi32, #tpu.memory_space<hbm>>, %arg5: memref<10008x128xf32, #tpu.memory_space<hbm>>, %arg6: memref<2x10000x128xf32, #tpu.memory_space<hbm>>, %arg7: memref<128xi32, #tpu.memory_space<vmem>>, %arg8: memref<128xi32, #tpu.memory_space<vmem>>, %arg9: memref<128x128xf32, #tpu.memory_space<vmem>>, %arg10: memref<128x128xf32, #tpu.memory_space<vmem>>, %arg11: memref<10008x128xf32, #tpu.memory_space<vmem_shared>>, %arg12: memref<!tpu.dma_semaphore, #tpu.memory_space<semaphore_mem>>) attributes {dimension_semantics = [#tpu.dimension_semantics<core_parallel>, #tpu.dimension_semantics<subcore_parallel>], iteration_bounds = array<i64: 2, 16>, scalar_prefetch = 0 : i64, scratch_operands = 6 : i64, tpu.core_type = #tpu.core_type<sc_vector_subcore>, window_params = [{transform_indices = #map}, {transform_indices = #map1}, {transform_indices = #map1}, {transform_indices = #map}, {transform_indices = #map2}]} {
    %mul3A = arith.constant 2 : i32
    %mul3A_0 = arith.muli %arg1, %mul3A : i32
    %add3A = arith.addi %mul3A_0, %arg0 : i32
    %eq3A = arith.constant 0 : i32
    %eq3A_1 = arith.cmpi eq, %arg1, %eq3A : i32
    %convert_element_type3A = arith.extui %eq3A_1 : i1 to i32
    %cond3A = arith.constant 0 : i32
    %cond3A_2 = arith.cmpi ne, %convert_element_type3A, %cond3A : i32
    scf.if %cond3A_2 {
      "tpu.region"() ({
        %run_scoped3A = tpu.sem_alloc : memref<!tpu.dma_semaphore, #tpu.memory_space<semaphore_mem>>
        tpu.enqueue_dma source(%arg5 : memref<10008x128xf32, #tpu.memory_space<hbm>>) target(%arg11 : memref<10008x128xf32, #tpu.memory_space<vmem_shared>>) target_semaphore(%run_scoped3A : memref<!tpu.dma_semaphore, #tpu.memory_space<semaphore_mem>>)
        tpu.wait_dma2 semaphore(%run_scoped3A : memref<!tpu.dma_semaphore, #tpu.memory_space<semaphore_mem>>) src(%arg5 : memref<10008x128xf32, #tpu.memory_space<hbm>>) dst(%arg11 : memref<10008x128xf32, #tpu.memory_space<vmem_shared>>)
        tpu.yield
      }) : () -> ()
    } else {
    }
    %barrier3A = arith.constant 0 : index
    tpu.barrier barrier_id(%barrier3A)
    %scan3A = arith.constant 0 : i32
    %scan3A_3 = arith.constant 0 : i32
    %scan3A_4 = arith.constant 40 : i32
    %scan3A_5 = arith.addi %scan3A_3, %scan3A_4 : i32
    %scan3A_6 = arith.constant 1 : i32
    scf.for %scan3A_14 = %scan3A_3 to %scan3A_5 step %scan3A_6  : i32 {
      %mul3A_15 = arith.constant 32 : i32
      %mul3A_16 = arith.muli %scan3A_14, %mul3A_15 : i32
      %add3A_17 = arith.addi %mul3A_16, %add3A : i32
      %lt3A = arith.constant 1250 : i32
      %lt3A_18 = arith.cmpi slt, %add3A_17, %lt3A : i32
      %convert_element_type3A_19 = arith.extui %lt3A_18 : i1 to i32
      %cond3A_20 = arith.constant 0 : i32
      %cond3A_21 = arith.cmpi ne, %convert_element_type3A_19, %cond3A_20 : i32
      scf.if %cond3A_21 {
        %mul3A_22 = arith.constant 128 : i32
        %mul3A_23 = arith.muli %add3A_17, %mul3A_22 : i32
        "tpu.region"() ({
          %run_scoped3A = tpu.sem_alloc : memref<!tpu.dma_semaphore, #tpu.memory_space<semaphore_mem>>
          %dma_start3A_28 = tpu.memref_slice %arg4[%mul3A_23] : memref<160000xi32, #tpu.memory_space<hbm>> -> memref<128xi32, #tpu.memory_space<hbm>>
          %dma_start3A_29 = tpu.memref_slice %arg4[%mul3A_23] : memref<160000xi32, #tpu.memory_space<hbm>> -> memref<128xi32, #tpu.memory_space<hbm>>
          tpu.enqueue_dma source(%dma_start3A_29 : memref<128xi32, #tpu.memory_space<hbm>>) target(%arg7 : memref<128xi32, #tpu.memory_space<vmem>>) target_semaphore(%run_scoped3A : memref<!tpu.dma_semaphore, #tpu.memory_space<semaphore_mem>>)
          %dma_wait3A_30 = tpu.memref_slice %arg4[%mul3A_23] : memref<160000xi32, #tpu.memory_space<hbm>> -> memref<128xi32, #tpu.memory_space<hbm>>
          %dma_wait3A_31 = tpu.memref_slice %arg4[%mul3A_23] : memref<160000xi32, #tpu.memory_space<hbm>> -> memref<128xi32, #tpu.memory_space<hbm>>
          tpu.wait_dma2 semaphore(%run_scoped3A : memref<!tpu.dma_semaphore, #tpu.memory_space<semaphore_mem>>) src(%dma_wait3A_31 : memref<128xi32, #tpu.memory_space<hbm>>) dst(%arg7 : memref<128xi32, #tpu.memory_space<vmem>>)
          tpu.yield
        }) : () -> ()
        %dma_start3A = arith.constant 0 : i32
        %dma_start3A_24 = arith.constant 0 : i32
        %dma_start3A_25 = tpu.memref_slice %arg2[%dma_start3A, %dma_start3A_24] : memref<10008x128xf32, #tpu.memory_space<hbm>> -> memref<10008x128xf32, #tpu.memory_space<hbm>>
        tpu.enqueue_indirect_dma source(%dma_start3A_25 : memref<10008x128xf32, #tpu.memory_space<hbm>>) target(%arg9 : memref<128x128xf32, #tpu.memory_space<vmem>>) offsets(%arg7 : memref<128xi32, #tpu.memory_space<vmem>>) semaphore(%arg12 : memref<!tpu.dma_semaphore, #tpu.memory_space<semaphore_mem>>)
        %dma_wait3A = arith.constant 0 : i32
        %dma_wait3A_26 = arith.constant 0 : i32
        %dma_wait3A_27 = tpu.memref_slice %arg2[%dma_wait3A, %dma_wait3A_26] : memref<10008x128xf32, #tpu.memory_space<hbm>> -> memref<10008x128xf32, #tpu.memory_space<hbm>>
        tpu.wait_indirect_dma semaphore(%arg12 : memref<!tpu.dma_semaphore, #tpu.memory_space<semaphore_mem>>) src(%dma_wait3A_27 : memref<10008x128xf32, #tpu.memory_space<hbm>>) dst(%arg9 : memref<128x128xf32, #tpu.memory_space<vmem>>)
        "tpu.region"() ({
          %run_scoped3A = tpu.sem_alloc : memref<!tpu.dma_semaphore, #tpu.memory_space<semaphore_mem>>
          %dma_start3A_28 = tpu.memref_slice %arg3[%mul3A_23] : memref<160000xi32, #tpu.memory_space<hbm>> -> memref<128xi32, #tpu.memory_space<hbm>>
          %dma_start3A_29 = tpu.memref_slice %arg3[%mul3A_23] : memref<160000xi32, #tpu.memory_space<hbm>> -> memref<128xi32, #tpu.memory_space<hbm>>
          tpu.enqueue_dma source(%dma_start3A_29 : memref<128xi32, #tpu.memory_space<hbm>>) target(%arg8 : memref<128xi32, #tpu.memory_space<vmem>>) target_semaphore(%run_scoped3A : memref<!tpu.dma_semaphore, #tpu.memory_space<semaphore_mem>>)
          %dma_wait3A_30 = tpu.memref_slice %arg3[%mul3A_23] : memref<160000xi32, #tpu.memory_space<hbm>> -> memref<128xi32, #tpu.memory_space<hbm>>
          %dma_wait3A_31 = tpu.memref_slice %arg3[%mul3A_23] : memref<160000xi32, #tpu.memory_space<hbm>> -> memref<128xi32, #tpu.memory_space<hbm>>
          tpu.wait_dma2 semaphore(%run_scoped3A : memref<!tpu.dma_semaphore, #tpu.memory_space<semaphore_mem>>) src(%dma_wait3A_31 : memref<128xi32, #tpu.memory_space<hbm>>) dst(%arg8 : memref<128xi32, #tpu.memory_space<vmem>>)
          tpu.yield
        }) : () -> ()
        "tpu.region"() ({
          %run_scoped3A = tpu.sem_alloc : memref<!tpu.dma_semaphore, #tpu.memory_space<semaphore_mem>>
          %dma_start3A_28 = arith.constant 0 : i32
          %dma_start3A_29 = arith.constant 0 : i32
          %dma_start3A_30 = tpu.memref_slice %arg11[%dma_start3A_28, %dma_start3A_29] : memref<10008x128xf32, #tpu.memory_space<vmem_shared>> -> memref<10008x128xf32, #tpu.memory_space<vmem_shared>>
          tpu.enqueue_indirect_dma source(%arg9 : memref<128x128xf32, #tpu.memory_space<vmem>>) target(%dma_start3A_30 : memref<10008x128xf32, #tpu.memory_space<vmem_shared>>) offsets(%arg8 : memref<128xi32, #tpu.memory_space<vmem>>) semaphore(%run_scoped3A : memref<!tpu.dma_semaphore, #tpu.memory_space<semaphore_mem>>) {add = true}
          %dma_wait3A_31 = arith.constant 0 : i32
          %dma_wait3A_32 = arith.constant 0 : i32
          %dma_wait3A_33 = tpu.memref_slice %arg11[%dma_wait3A_31, %dma_wait3A_32] : memref<10008x128xf32, #tpu.memory_space<vmem_shared>> -> memref<10008x128xf32, #tpu.memory_space<vmem_shared>>
          tpu.wait_indirect_dma semaphore(%run_scoped3A : memref<!tpu.dma_semaphore, #tpu.memory_space<semaphore_mem>>) src(%arg9 : memref<128x128xf32, #tpu.memory_space<vmem>>) dst(%dma_wait3A_33 : memref<10008x128xf32, #tpu.memory_space<vmem_shared>>)
          tpu.yield
        }) : () -> ()
      } else {
      }
    }
    %scan3A_7 = arith.constant 40 : i32
    %barrier3A_8 = arith.constant 0 : index
    tpu.barrier barrier_id(%barrier3A_8)
    %eq3A_9 = arith.constant 0 : i32
    %eq3A_10 = arith.cmpi eq, %arg1, %eq3A_9 : i32
    %convert_element_type3A_11 = arith.extui %eq3A_10 : i1 to i32
    %cond3A_12 = arith.constant 0 : i32
    %cond3A_13 = arith.cmpi ne, %convert_element_type3A_11, %cond3A_12 : i32
    scf.if %cond3A_13 {
      "tpu.region"() ({
        %run_scoped3A = tpu.sem_alloc : memref<!tpu.dma_semaphore, #tpu.memory_space<semaphore_mem>>
        %dma_start3A = arith.constant 0 : i32
        %dma_start3A_14 = arith.constant 0 : i32
        %dma_start3A_15 = tpu.memref_slice %arg6[%arg0, %dma_start3A, %dma_start3A_14] : memref<2x10000x128xf32, #tpu.memory_space<hbm>> -> memref<1x10000x128xf32, #tpu.memory_space<hbm>>
        %dma_start3A_16 = tpu.memref_squeeze %dma_start3A_15 : memref<1x10000x128xf32, #tpu.memory_space<hbm>> -> memref<10000x128xf32, #tpu.memory_space<hbm>>
        %dma_start3A_17 = arith.constant 0 : i32
        %dma_start3A_18 = arith.constant 0 : i32
        %dma_start3A_19 = tpu.memref_slice %arg11[%dma_start3A_17, %dma_start3A_18] : memref<10008x128xf32, #tpu.memory_space<vmem_shared>> -> memref<10000x128xf32, #tpu.memory_space<vmem_shared>>
        tpu.enqueue_dma source(%dma_start3A_19 : memref<10000x128xf32, #tpu.memory_space<vmem_shared>>) target(%dma_start3A_16 : memref<10000x128xf32, #tpu.memory_space<hbm>>) target_semaphore(%run_scoped3A : memref<!tpu.dma_semaphore, #tpu.memory_space<semaphore_mem>>)
        %dma_wait3A = arith.constant 0 : i32
        %dma_wait3A_20 = arith.constant 0 : i32
        %dma_wait3A_21 = tpu.memref_slice %arg6[%arg0, %dma_wait3A, %dma_wait3A_20] : memref<2x10000x128xf32, #tpu.memory_space<hbm>> -> memref<1x10000x128xf32, #tpu.memory_space<hbm>>
        %dma_wait3A_22 = tpu.memref_squeeze %dma_wait3A_21 : memref<1x10000x128xf32, #tpu.memory_space<hbm>> -> memref<10000x128xf32, #tpu.memory_space<hbm>>
        %dma_wait3A_23 = arith.constant 0 : i32
        %dma_wait3A_24 = arith.constant 0 : i32
        %dma_wait3A_25 = tpu.memref_slice %arg11[%dma_wait3A_23, %dma_wait3A_24] : memref<10008x128xf32, #tpu.memory_space<vmem_shared>> -> memref<10000x128xf32, #tpu.memory_space<vmem_shared>>
        tpu.wait_dma2 semaphore(%run_scoped3A : memref<!tpu.dma_semaphore, #tpu.memory_space<semaphore_mem>>) src(%dma_wait3A_25 : memref<10000x128xf32, #tpu.memory_space<vmem_shared>>) dst(%dma_wait3A_22 : memref<10000x128xf32, #tpu.memory_space<hbm>>)
        tpu.yield
      }) : () -> ()
    } else {
    }
    return
  }
}

#map = affine_map<(d0, d1) -> (0, 0)>
#map1 = affine_map<(d0, d1) -> (0)>
module attributes {stable_mosaic.version = 14 : i64} {
  func.func @body(%arg0: i32, %arg1: i32, %arg2: memref<10000x128xf32, #tpu.memory_space<hbm>>, %arg3: memref<160000xi32, #tpu.memory_space<hbm>>, %arg4: memref<160000xi32, #tpu.memory_space<hbm>>, %arg5: memref<160000x128xf32, #tpu.memory_space<hbm>>, %arg6: memref<160000x128xf32, #tpu.memory_space<hbm>>, %arg7: memref<128xi32, #tpu.memory_space<vmem>>, %arg8: memref<128x128xf32, #tpu.memory_space<vmem>>, %arg9: memref<10000x128xf32, #tpu.memory_space<vmem_shared>>, %arg10: memref<!tpu.dma_semaphore, #tpu.memory_space<semaphore_mem>>) attributes {dimension_semantics = [#tpu.dimension_semantics<core_parallel>, #tpu.dimension_semantics<subcore_parallel>], iteration_bounds = array<i64: 2, 16>, scalar_prefetch = 0 : i64, scratch_operands = 4 : i64, tpu.core_type = #tpu.core_type<sc_vector_subcore>, window_params = [{transform_indices = #map}, {transform_indices = #map1}, {transform_indices = #map1}, {transform_indices = #map}, {transform_indices = #map}]} {
    %mul3A = arith.constant 2 : i32
    %mul3A_0 = arith.muli %arg1, %mul3A : i32
    %add3A = arith.addi %mul3A_0, %arg0 : i32
    %eq3A = arith.constant 0 : i32
    %eq3A_1 = arith.cmpi eq, %arg1, %eq3A : i32
    %convert_element_type3A = arith.extui %eq3A_1 : i1 to i32
    %cond3A = arith.constant 0 : i32
    %cond3A_2 = arith.cmpi ne, %convert_element_type3A, %cond3A : i32
    scf.if %cond3A_2 {
      "tpu.region"() ({
        %run_scoped3A = tpu.sem_alloc : memref<!tpu.dma_semaphore, #tpu.memory_space<semaphore_mem>>
        tpu.enqueue_dma source(%arg2 : memref<10000x128xf32, #tpu.memory_space<hbm>>) target(%arg9 : memref<10000x128xf32, #tpu.memory_space<vmem_shared>>) target_semaphore(%run_scoped3A : memref<!tpu.dma_semaphore, #tpu.memory_space<semaphore_mem>>)
        tpu.wait_dma2 semaphore(%run_scoped3A : memref<!tpu.dma_semaphore, #tpu.memory_space<semaphore_mem>>) src(%arg2 : memref<10000x128xf32, #tpu.memory_space<hbm>>) dst(%arg9 : memref<10000x128xf32, #tpu.memory_space<vmem_shared>>)
        tpu.yield
      }) : () -> ()
    } else {
    }
    %barrier3A = arith.constant 0 : index
    tpu.barrier barrier_id(%barrier3A)
    %scan3A = arith.constant 0 : i32
    %scan3A_3 = arith.constant 0 : i32
    %scan3A_4 = arith.constant 40 : i32
    %scan3A_5 = arith.addi %scan3A_3, %scan3A_4 : i32
    %scan3A_6 = arith.constant 1 : i32
    scf.for %scan3A_8 = %scan3A_3 to %scan3A_5 step %scan3A_6  : i32 {
      %mul3A_9 = arith.constant 32 : i32
      %mul3A_10 = arith.muli %scan3A_8, %mul3A_9 : i32
      %add3A_11 = arith.addi %mul3A_10, %add3A : i32
      %lt3A = arith.constant 1250 : i32
      %lt3A_12 = arith.cmpi slt, %add3A_11, %lt3A : i32
      %convert_element_type3A_13 = arith.extui %lt3A_12 : i1 to i32
      %cond3A_14 = arith.constant 0 : i32
      %cond3A_15 = arith.cmpi ne, %convert_element_type3A_13, %cond3A_14 : i32
      scf.if %cond3A_15 {
        %mul3A_16 = arith.constant 128 : i32
        %mul3A_17 = arith.muli %add3A_11, %mul3A_16 : i32
        "tpu.region"() ({
          %run_scoped3A = tpu.sem_alloc : memref<!tpu.dma_semaphore, #tpu.memory_space<semaphore_mem>>
          %dma_start3A_28 = tpu.memref_slice %arg3[%mul3A_17] : memref<160000xi32, #tpu.memory_space<hbm>> -> memref<128xi32, #tpu.memory_space<hbm>>
          %dma_start3A_29 = tpu.memref_slice %arg3[%mul3A_17] : memref<160000xi32, #tpu.memory_space<hbm>> -> memref<128xi32, #tpu.memory_space<hbm>>
          tpu.enqueue_dma source(%dma_start3A_29 : memref<128xi32, #tpu.memory_space<hbm>>) target(%arg7 : memref<128xi32, #tpu.memory_space<vmem>>) target_semaphore(%run_scoped3A : memref<!tpu.dma_semaphore, #tpu.memory_space<semaphore_mem>>)
          %dma_wait3A_30 = tpu.memref_slice %arg3[%mul3A_17] : memref<160000xi32, #tpu.memory_space<hbm>> -> memref<128xi32, #tpu.memory_space<hbm>>
          %dma_wait3A_31 = tpu.memref_slice %arg3[%mul3A_17] : memref<160000xi32, #tpu.memory_space<hbm>> -> memref<128xi32, #tpu.memory_space<hbm>>
          tpu.wait_dma2 semaphore(%run_scoped3A : memref<!tpu.dma_semaphore, #tpu.memory_space<semaphore_mem>>) src(%dma_wait3A_31 : memref<128xi32, #tpu.memory_space<hbm>>) dst(%arg7 : memref<128xi32, #tpu.memory_space<vmem>>)
          tpu.yield
        }) : () -> ()
        %dma_start3A = arith.constant 0 : i32
        %dma_start3A_18 = arith.constant 0 : i32
        %dma_start3A_19 = tpu.memref_slice %arg9[%dma_start3A, %dma_start3A_18] : memref<10000x128xf32, #tpu.memory_space<vmem_shared>> -> memref<10000x128xf32, #tpu.memory_space<vmem_shared>>
        tpu.enqueue_indirect_dma source(%dma_start3A_19 : memref<10000x128xf32, #tpu.memory_space<vmem_shared>>) target(%arg8 : memref<128x128xf32, #tpu.memory_space<vmem>>) offsets(%arg7 : memref<128xi32, #tpu.memory_space<vmem>>) semaphore(%arg10 : memref<!tpu.dma_semaphore, #tpu.memory_space<semaphore_mem>>)
        %dma_wait3A = arith.constant 0 : i32
        %dma_wait3A_20 = arith.constant 0 : i32
        %dma_wait3A_21 = tpu.memref_slice %arg9[%dma_wait3A, %dma_wait3A_20] : memref<10000x128xf32, #tpu.memory_space<vmem_shared>> -> memref<10000x128xf32, #tpu.memory_space<vmem_shared>>
        tpu.wait_indirect_dma semaphore(%arg10 : memref<!tpu.dma_semaphore, #tpu.memory_space<semaphore_mem>>) src(%dma_wait3A_21 : memref<10000x128xf32, #tpu.memory_space<vmem_shared>>) dst(%arg8 : memref<128x128xf32, #tpu.memory_space<vmem>>)
        "tpu.region"() ({
          %run_scoped3A = tpu.sem_alloc : memref<!tpu.dma_semaphore, #tpu.memory_space<semaphore_mem>>
          %dma_start3A_28 = arith.constant 0 : i32
          %dma_start3A_29 = tpu.memref_slice %arg5[%mul3A_17, %dma_start3A_28] : memref<160000x128xf32, #tpu.memory_space<hbm>> -> memref<128x128xf32, #tpu.memory_space<hbm>>
          %dma_start3A_30 = arith.constant 0 : i32
          %dma_start3A_31 = tpu.memref_slice %arg5[%mul3A_17, %dma_start3A_30] : memref<160000x128xf32, #tpu.memory_space<hbm>> -> memref<128x128xf32, #tpu.memory_space<hbm>>
          tpu.enqueue_dma source(%arg8 : memref<128x128xf32, #tpu.memory_space<vmem>>) target(%dma_start3A_31 : memref<128x128xf32, #tpu.memory_space<hbm>>) target_semaphore(%run_scoped3A : memref<!tpu.dma_semaphore, #tpu.memory_space<semaphore_mem>>)
          %dma_wait3A_32 = arith.constant 0 : i32
          %dma_wait3A_33 = tpu.memref_slice %arg5[%mul3A_17, %dma_wait3A_32] : memref<160000x128xf32, #tpu.memory_space<hbm>> -> memref<128x128xf32, #tpu.memory_space<hbm>>
          %dma_wait3A_34 = arith.constant 0 : i32
          %dma_wait3A_35 = tpu.memref_slice %arg5[%mul3A_17, %dma_wait3A_34] : memref<160000x128xf32, #tpu.memory_space<hbm>> -> memref<128x128xf32, #tpu.memory_space<hbm>>
          tpu.wait_dma2 semaphore(%run_scoped3A : memref<!tpu.dma_semaphore, #tpu.memory_space<semaphore_mem>>) src(%arg8 : memref<128x128xf32, #tpu.memory_space<vmem>>) dst(%dma_wait3A_35 : memref<128x128xf32, #tpu.memory_space<hbm>>)
          tpu.yield
        }) : () -> ()
        "tpu.region"() ({
          %run_scoped3A = tpu.sem_alloc : memref<!tpu.dma_semaphore, #tpu.memory_space<semaphore_mem>>
          %dma_start3A_28 = tpu.memref_slice %arg4[%mul3A_17] : memref<160000xi32, #tpu.memory_space<hbm>> -> memref<128xi32, #tpu.memory_space<hbm>>
          %dma_start3A_29 = tpu.memref_slice %arg4[%mul3A_17] : memref<160000xi32, #tpu.memory_space<hbm>> -> memref<128xi32, #tpu.memory_space<hbm>>
          tpu.enqueue_dma source(%dma_start3A_29 : memref<128xi32, #tpu.memory_space<hbm>>) target(%arg7 : memref<128xi32, #tpu.memory_space<vmem>>) target_semaphore(%run_scoped3A : memref<!tpu.dma_semaphore, #tpu.memory_space<semaphore_mem>>)
          %dma_wait3A_30 = tpu.memref_slice %arg4[%mul3A_17] : memref<160000xi32, #tpu.memory_space<hbm>> -> memref<128xi32, #tpu.memory_space<hbm>>
          %dma_wait3A_31 = tpu.memref_slice %arg4[%mul3A_17] : memref<160000xi32, #tpu.memory_space<hbm>> -> memref<128xi32, #tpu.memory_space<hbm>>
          tpu.wait_dma2 semaphore(%run_scoped3A : memref<!tpu.dma_semaphore, #tpu.memory_space<semaphore_mem>>) src(%dma_wait3A_31 : memref<128xi32, #tpu.memory_space<hbm>>) dst(%arg7 : memref<128xi32, #tpu.memory_space<vmem>>)
          tpu.yield
        }) : () -> ()
        %dma_start3A_22 = arith.constant 0 : i32
        %dma_start3A_23 = arith.constant 0 : i32
        %dma_start3A_24 = tpu.memref_slice %arg9[%dma_start3A_22, %dma_start3A_23] : memref<10000x128xf32, #tpu.memory_space<vmem_shared>> -> memref<10000x128xf32, #tpu.memory_space<vmem_shared>>
        tpu.enqueue_indirect_dma source(%dma_start3A_24 : memref<10000x128xf32, #tpu.memory_space<vmem_shared>>) target(%arg8 : memref<128x128xf32, #tpu.memory_space<vmem>>) offsets(%arg7 : memref<128xi32, #tpu.memory_space<vmem>>) semaphore(%arg10 : memref<!tpu.dma_semaphore, #tpu.memory_space<semaphore_mem>>)
        %dma_wait3A_25 = arith.constant 0 : i32
        %dma_wait3A_26 = arith.constant 0 : i32
        %dma_wait3A_27 = tpu.memref_slice %arg9[%dma_wait3A_25, %dma_wait3A_26] : memref<10000x128xf32, #tpu.memory_space<vmem_shared>> -> memref<10000x128xf32, #tpu.memory_space<vmem_shared>>
        tpu.wait_indirect_dma semaphore(%arg10 : memref<!tpu.dma_semaphore, #tpu.memory_space<semaphore_mem>>) src(%dma_wait3A_27 : memref<10000x128xf32, #tpu.memory_space<vmem_shared>>) dst(%arg8 : memref<128x128xf32, #tpu.memory_space<vmem>>)
        "tpu.region"() ({
          %run_scoped3A = tpu.sem_alloc : memref<!tpu.dma_semaphore, #tpu.memory_space<semaphore_mem>>
          %dma_start3A_28 = arith.constant 0 : i32
          %dma_start3A_29 = tpu.memref_slice %arg6[%mul3A_17, %dma_start3A_28] : memref<160000x128xf32, #tpu.memory_space<hbm>> -> memref<128x128xf32, #tpu.memory_space<hbm>>
          %dma_start3A_30 = arith.constant 0 : i32
          %dma_start3A_31 = tpu.memref_slice %arg6[%mul3A_17, %dma_start3A_30] : memref<160000x128xf32, #tpu.memory_space<hbm>> -> memref<128x128xf32, #tpu.memory_space<hbm>>
          tpu.enqueue_dma source(%arg8 : memref<128x128xf32, #tpu.memory_space<vmem>>) target(%dma_start3A_31 : memref<128x128xf32, #tpu.memory_space<hbm>>) target_semaphore(%run_scoped3A : memref<!tpu.dma_semaphore, #tpu.memory_space<semaphore_mem>>)
          %dma_wait3A_32 = arith.constant 0 : i32
          %dma_wait3A_33 = tpu.memref_slice %arg6[%mul3A_17, %dma_wait3A_32] : memref<160000x128xf32, #tpu.memory_space<hbm>> -> memref<128x128xf32, #tpu.memory_space<hbm>>
          %dma_wait3A_34 = arith.constant 0 : i32
          %dma_wait3A_35 = tpu.memref_slice %arg6[%mul3A_17, %dma_wait3A_34] : memref<160000x128xf32, #tpu.memory_space<hbm>> -> memref<128x128xf32, #tpu.memory_space<hbm>>
          tpu.wait_dma2 semaphore(%run_scoped3A : memref<!tpu.dma_semaphore, #tpu.memory_space<semaphore_mem>>) src(%arg8 : memref<128x128xf32, #tpu.memory_space<vmem>>) dst(%dma_wait3A_35 : memref<128x128xf32, #tpu.memory_space<hbm>>)
          tpu.yield
        }) : () -> ()
      } else {
      }
    }
    %scan3A_7 = arith.constant 40 : i32
    return
  }
}

#map = affine_map<(d0, d1) -> (0, 0)>
#map1 = affine_map<(d0, d1) -> (0)>
#map2 = affine_map<(d0, d1) -> (0, 0, 0)>
module attributes {stable_mosaic.version = 14 : i64} {
  func.func @body(%arg0: i32, %arg1: i32, %arg2: memref<10008x128xf32, #tpu.memory_space<hbm>>, %arg3: memref<160000xi32, #tpu.memory_space<hbm>>, %arg4: memref<160000xi32, #tpu.memory_space<hbm>>, %arg5: memref<160000x128xf32, #tpu.memory_space<hbm>>, %arg6: memref<10008x128xf32, #tpu.memory_space<hbm>>, %arg7: memref<2x10000x128xf32, #tpu.memory_space<hbm>>, %arg8: memref<128xi32, #tpu.memory_space<vmem>>, %arg9: memref<128xi32, #tpu.memory_space<vmem>>, %arg10: memref<128x128xf32, #tpu.memory_space<vmem>>, %arg11: memref<128x128xf32, #tpu.memory_space<vmem>>, %arg12: memref<10008x128xf32, #tpu.memory_space<vmem_shared>>, %arg13: memref<!tpu.dma_semaphore, #tpu.memory_space<semaphore_mem>>) attributes {dimension_semantics = [#tpu.dimension_semantics<core_parallel>, #tpu.dimension_semantics<subcore_parallel>], iteration_bounds = array<i64: 2, 16>, scalar_prefetch = 0 : i64, scratch_operands = 6 : i64, tpu.core_type = #tpu.core_type<sc_vector_subcore>, window_params = [{transform_indices = #map}, {transform_indices = #map1}, {transform_indices = #map1}, {transform_indices = #map}, {transform_indices = #map}, {transform_indices = #map2}]} {
    %mul3A = arith.constant 2 : i32
    %mul3A_0 = arith.muli %arg1, %mul3A : i32
    %add3A = arith.addi %mul3A_0, %arg0 : i32
    %eq3A = arith.constant 0 : i32
    %eq3A_1 = arith.cmpi eq, %arg1, %eq3A : i32
    %convert_element_type3A = arith.extui %eq3A_1 : i1 to i32
    %cond3A = arith.constant 0 : i32
    %cond3A_2 = arith.cmpi ne, %convert_element_type3A, %cond3A : i32
    scf.if %cond3A_2 {
      "tpu.region"() ({
        %run_scoped3A = tpu.sem_alloc : memref<!tpu.dma_semaphore, #tpu.memory_space<semaphore_mem>>
        tpu.enqueue_dma source(%arg6 : memref<10008x128xf32, #tpu.memory_space<hbm>>) target(%arg12 : memref<10008x128xf32, #tpu.memory_space<vmem_shared>>) target_semaphore(%run_scoped3A : memref<!tpu.dma_semaphore, #tpu.memory_space<semaphore_mem>>)
        tpu.wait_dma2 semaphore(%run_scoped3A : memref<!tpu.dma_semaphore, #tpu.memory_space<semaphore_mem>>) src(%arg6 : memref<10008x128xf32, #tpu.memory_space<hbm>>) dst(%arg12 : memref<10008x128xf32, #tpu.memory_space<vmem_shared>>)
        tpu.yield
      }) : () -> ()
    } else {
    }
    %barrier3A = arith.constant 0 : index
    tpu.barrier barrier_id(%barrier3A)
    %scan3A = arith.constant 0 : i32
    %scan3A_3 = arith.constant 0 : i32
    %scan3A_4 = arith.constant 40 : i32
    %scan3A_5 = arith.addi %scan3A_3, %scan3A_4 : i32
    %scan3A_6 = arith.constant 1 : i32
    scf.for %scan3A_14 = %scan3A_3 to %scan3A_5 step %scan3A_6  : i32 {
      %mul3A_15 = arith.constant 32 : i32
      %mul3A_16 = arith.muli %scan3A_14, %mul3A_15 : i32
      %add3A_17 = arith.addi %mul3A_16, %add3A : i32
      %lt3A = arith.constant 1250 : i32
      %lt3A_18 = arith.cmpi slt, %add3A_17, %lt3A : i32
      %convert_element_type3A_19 = arith.extui %lt3A_18 : i1 to i32
      %cond3A_20 = arith.constant 0 : i32
      %cond3A_21 = arith.cmpi ne, %convert_element_type3A_19, %cond3A_20 : i32
      scf.if %cond3A_21 {
        %mul3A_22 = arith.constant 128 : i32
        %mul3A_23 = arith.muli %add3A_17, %mul3A_22 : i32
        "tpu.region"() ({
          %run_scoped3A = tpu.sem_alloc : memref<!tpu.dma_semaphore, #tpu.memory_space<semaphore_mem>>
          %dma_start3A_34 = tpu.memref_slice %arg4[%mul3A_23] : memref<160000xi32, #tpu.memory_space<hbm>> -> memref<128xi32, #tpu.memory_space<hbm>>
          %dma_start3A_35 = tpu.memref_slice %arg4[%mul3A_23] : memref<160000xi32, #tpu.memory_space<hbm>> -> memref<128xi32, #tpu.memory_space<hbm>>
          tpu.enqueue_dma source(%dma_start3A_35 : memref<128xi32, #tpu.memory_space<hbm>>) target(%arg8 : memref<128xi32, #tpu.memory_space<vmem>>) target_semaphore(%run_scoped3A : memref<!tpu.dma_semaphore, #tpu.memory_space<semaphore_mem>>)
          %dma_wait3A_36 = tpu.memref_slice %arg4[%mul3A_23] : memref<160000xi32, #tpu.memory_space<hbm>> -> memref<128xi32, #tpu.memory_space<hbm>>
          %dma_wait3A_37 = tpu.memref_slice %arg4[%mul3A_23] : memref<160000xi32, #tpu.memory_space<hbm>> -> memref<128xi32, #tpu.memory_space<hbm>>
          tpu.wait_dma2 semaphore(%run_scoped3A : memref<!tpu.dma_semaphore, #tpu.memory_space<semaphore_mem>>) src(%dma_wait3A_37 : memref<128xi32, #tpu.memory_space<hbm>>) dst(%arg8 : memref<128xi32, #tpu.memory_space<vmem>>)
          tpu.yield
        }) : () -> ()
        %dma_start3A = arith.constant 0 : i32
        %dma_start3A_24 = arith.constant 0 : i32
        %dma_start3A_25 = tpu.memref_slice %arg2[%dma_start3A, %dma_start3A_24] : memref<10008x128xf32, #tpu.memory_space<hbm>> -> memref<10008x128xf32, #tpu.memory_space<hbm>>
        tpu.enqueue_indirect_dma source(%dma_start3A_25 : memref<10008x128xf32, #tpu.memory_space<hbm>>) target(%arg10 : memref<128x128xf32, #tpu.memory_space<vmem>>) offsets(%arg8 : memref<128xi32, #tpu.memory_space<vmem>>) semaphore(%arg13 : memref<!tpu.dma_semaphore, #tpu.memory_space<semaphore_mem>>)
        %dma_wait3A = arith.constant 0 : i32
        %dma_wait3A_26 = arith.constant 0 : i32
        %dma_wait3A_27 = tpu.memref_slice %arg2[%dma_wait3A, %dma_wait3A_26] : memref<10008x128xf32, #tpu.memory_space<hbm>> -> memref<10008x128xf32, #tpu.memory_space<hbm>>
        tpu.wait_indirect_dma semaphore(%arg13 : memref<!tpu.dma_semaphore, #tpu.memory_space<semaphore_mem>>) src(%dma_wait3A_27 : memref<10008x128xf32, #tpu.memory_space<hbm>>) dst(%arg10 : memref<128x128xf32, #tpu.memory_space<vmem>>)
        "tpu.region"() ({
          %run_scoped3A = tpu.sem_alloc : memref<!tpu.dma_semaphore, #tpu.memory_space<semaphore_mem>>
          %dma_start3A_34 = arith.constant 0 : i32
          %dma_start3A_35 = tpu.memref_slice %arg5[%mul3A_23, %dma_start3A_34] : memref<160000x128xf32, #tpu.memory_space<hbm>> -> memref<128x128xf32, #tpu.memory_space<hbm>>
          %dma_start3A_36 = arith.constant 0 : i32
          %dma_start3A_37 = tpu.memref_slice %arg5[%mul3A_23, %dma_start3A_36] : memref<160000x128xf32, #tpu.memory_space<hbm>> -> memref<128x128xf32, #tpu.memory_space<hbm>>
          tpu.enqueue_dma source(%dma_start3A_37 : memref<128x128xf32, #tpu.memory_space<hbm>>) target(%arg11 : memref<128x128xf32, #tpu.memory_space<vmem>>) target_semaphore(%run_scoped3A : memref<!tpu.dma_semaphore, #tpu.memory_space<semaphore_mem>>)
          %dma_wait3A_38 = arith.constant 0 : i32
          %dma_wait3A_39 = tpu.memref_slice %arg5[%mul3A_23, %dma_wait3A_38] : memref<160000x128xf32, #tpu.memory_space<hbm>> -> memref<128x128xf32, #tpu.memory_space<hbm>>
          %dma_wait3A_40 = arith.constant 0 : i32
          %dma_wait3A_41 = tpu.memref_slice %arg5[%mul3A_23, %dma_wait3A_40] : memref<160000x128xf32, #tpu.memory_space<hbm>> -> memref<128x128xf32, #tpu.memory_space<hbm>>
          tpu.wait_dma2 semaphore(%run_scoped3A : memref<!tpu.dma_semaphore, #tpu.memory_space<semaphore_mem>>) src(%dma_wait3A_41 : memref<128x128xf32, #tpu.memory_space<hbm>>) dst(%arg11 : memref<128x128xf32, #tpu.memory_space<vmem>>)
          tpu.yield
        }) : () -> ()
        %scan3A_28 = arith.constant 0 : i32
        %scan3A_29 = arith.constant 0 : i32
        %scan3A_30 = arith.constant 128 : i32
        %scan3A_31 = arith.addi %scan3A_29, %scan3A_30 : i32
        %scan3A_32 = arith.constant 1 : i32
        scf.for %scan3A_34 = %scan3A_29 to %scan3A_31 step %scan3A_32  : i32 {
          %get3A = arith.index_cast %scan3A_34 : i32 to index
          %get3A_35 = arith.constant 0 : index
          %get3A_36 = tpu.vector_load %arg10[%get3A, %get3A_35] {strides = array<i32>} : memref<128x128xf32, #tpu.memory_space<vmem>>, vector<1x16xf32>,
          %get3A_37 = vector.shape_cast %get3A_36 : vector<1x16xf32> to vector<16xf32>
          %get3A_38 = arith.index_cast %scan3A_34 : i32 to index
          %get3A_39 = arith.constant 0 : index
          %get3A_40 = tpu.vector_load %arg11[%get3A_38, %get3A_39] {strides = array<i32>} : memref<128x128xf32, #tpu.memory_space<vmem>>, vector<1x16xf32>,
          %get3A_41 = vector.shape_cast %get3A_40 : vector<1x16xf32> to vector<16xf32>
          %mul3A_42 = arith.mulf %get3A_37, %get3A_41 : vector<16xf32>
          %swap3A = arith.index_cast %scan3A_34 : i32 to index
          %swap3A_43 = arith.constant 0 : index
          %swap3A_44 = tpu.vector_load %arg10[%swap3A, %swap3A_43] {strides = array<i32>} : memref<128x128xf32, #tpu.memory_space<vmem>>, vector<1x16xf32>,
          %swap3A_45 = vector.shape_cast %swap3A_44 : vector<1x16xf32> to vector<16xf32>
          %swap3A_46 = vector.shape_cast %mul3A_42 : vector<16xf32> to vector<1x16xf32>
          tpu.vector_store %arg10[%swap3A, %swap3A_43], %swap3A_46 {strides = array<i32>} : memref<128x128xf32, #tpu.memory_space<vmem>>, vector<1x16xf32>,
          %get3A_47 = arith.index_cast %scan3A_34 : i32 to index
          %get3A_48 = arith.constant 16 : index
          %get3A_49 = tpu.vector_load %arg10[%get3A_47, %get3A_48] {strides = array<i32>} : memref<128x128xf32, #tpu.memory_space<vmem>>, vector<1x16xf32>,
          %get3A_50 = vector.shape_cast %get3A_49 : vector<1x16xf32> to vector<16xf32>
          %get3A_51 = arith.index_cast %scan3A_34 : i32 to index
          %get3A_52 = arith.constant 16 : index
          %get3A_53 = tpu.vector_load %arg11[%get3A_51, %get3A_52] {strides = array<i32>} : memref<128x128xf32, #tpu.memory_space<vmem>>, vector<1x16xf32>,
          %get3A_54 = vector.shape_cast %get3A_53 : vector<1x16xf32> to vector<16xf32>
          %mul3A_55 = arith.mulf %get3A_50, %get3A_54 : vector<16xf32>
          %swap3A_56 = arith.index_cast %scan3A_34 : i32 to index
          %swap3A_57 = arith.constant 16 : index
          %swap3A_58 = tpu.vector_load %arg10[%swap3A_56, %swap3A_57] {strides = array<i32>} : memref<128x128xf32, #tpu.memory_space<vmem>>, vector<1x16xf32>,
          %swap3A_59 = vector.shape_cast %swap3A_58 : vector<1x16xf32> to vector<16xf32>
          %swap3A_60 = vector.shape_cast %mul3A_55 : vector<16xf32> to vector<1x16xf32>
          tpu.vector_store %arg10[%swap3A_56, %swap3A_57], %swap3A_60 {strides = array<i32>} : memref<128x128xf32, #tpu.memory_space<vmem>>, vector<1x16xf32>,
          %get3A_61 = arith.index_cast %scan3A_34 : i32 to index
          %get3A_62 = arith.constant 32 : index
          %get3A_63 = tpu.vector_load %arg10[%get3A_61, %get3A_62] {strides = array<i32>} : memref<128x128xf32, #tpu.memory_space<vmem>>, vector<1x16xf32>,
          %get3A_64 = vector.shape_cast %get3A_63 : vector<1x16xf32> to vector<16xf32>
          %get3A_65 = arith.index_cast %scan3A_34 : i32 to index
          %get3A_66 = arith.constant 32 : index
          %get3A_67 = tpu.vector_load %arg11[%get3A_65, %get3A_66] {strides = array<i32>} : memref<128x128xf32, #tpu.memory_space<vmem>>, vector<1x16xf32>,
          %get3A_68 = vector.shape_cast %get3A_67 : vector<1x16xf32> to vector<16xf32>
          %mul3A_69 = arith.mulf %get3A_64, %get3A_68 : vector<16xf32>
          %swap3A_70 = arith.index_cast %scan3A_34 : i32 to index
          %swap3A_71 = arith.constant 32 : index
          %swap3A_72 = tpu.vector_load %arg10[%swap3A_70, %swap3A_71] {strides = array<i32>} : memref<128x128xf32, #tpu.memory_space<vmem>>, vector<1x16xf32>,
          %swap3A_73 = vector.shape_cast %swap3A_72 : vector<1x16xf32> to vector<16xf32>
          %swap3A_74 = vector.shape_cast %mul3A_69 : vector<16xf32> to vector<1x16xf32>
          tpu.vector_store %arg10[%swap3A_70, %swap3A_71], %swap3A_74 {strides = array<i32>} : memref<128x128xf32, #tpu.memory_space<vmem>>, vector<1x16xf32>,
          %get3A_75 = arith.index_cast %scan3A_34 : i32 to index
          %get3A_76 = arith.constant 48 : index
          %get3A_77 = tpu.vector_load %arg10[%get3A_75, %get3A_76] {strides = array<i32>} : memref<128x128xf32, #tpu.memory_space<vmem>>, vector<1x16xf32>,
          %get3A_78 = vector.shape_cast %get3A_77 : vector<1x16xf32> to vector<16xf32>
          %get3A_79 = arith.index_cast %scan3A_34 : i32 to index
          %get3A_80 = arith.constant 48 : index
          %get3A_81 = tpu.vector_load %arg11[%get3A_79, %get3A_80] {strides = array<i32>} : memref<128x128xf32, #tpu.memory_space<vmem>>, vector<1x16xf32>,
          %get3A_82 = vector.shape_cast %get3A_81 : vector<1x16xf32> to vector<16xf32>
          %mul3A_83 = arith.mulf %get3A_78, %get3A_82 : vector<16xf32>
          %swap3A_84 = arith.index_cast %scan3A_34 : i32 to index
          %swap3A_85 = arith.constant 48 : index
          %swap3A_86 = tpu.vector_load %arg10[%swap3A_84, %swap3A_85] {strides = array<i32>} : memref<128x128xf32, #tpu.memory_space<vmem>>, vector<1x16xf32>,
          %swap3A_87 = vector.shape_cast %swap3A_86 : vector<1x16xf32> to vector<16xf32>
          %swap3A_88 = vector.shape_cast %mul3A_83 : vector<16xf32> to vector<1x16xf32>
          tpu.vector_store %arg10[%swap3A_84, %swap3A_85], %swap3A_88 {strides = array<i32>} : memref<128x128xf32, #tpu.memory_space<vmem>>, vector<1x16xf32>,
          %get3A_89 = arith.index_cast %scan3A_34 : i32 to index
          %get3A_90 = arith.constant 64 : index
          %get3A_91 = tpu.vector_load %arg10[%get3A_89, %get3A_90] {strides = array<i32>} : memref<128x128xf32, #tpu.memory_space<vmem>>, vector<1x16xf32>,
          %get3A_92 = vector.shape_cast %get3A_91 : vector<1x16xf32> to vector<16xf32>
          %get3A_93 = arith.index_cast %scan3A_34 : i32 to index
          %get3A_94 = arith.constant 64 : index
          %get3A_95 = tpu.vector_load %arg11[%get3A_93, %get3A_94] {strides = array<i32>} : memref<128x128xf32, #tpu.memory_space<vmem>>, vector<1x16xf32>,
          %get3A_96 = vector.shape_cast %get3A_95 : vector<1x16xf32> to vector<16xf32>
          %mul3A_97 = arith.mulf %get3A_92, %get3A_96 : vector<16xf32>
          %swap3A_98 = arith.index_cast %scan3A_34 : i32 to index
          %swap3A_99 = arith.constant 64 : index
          %swap3A_100 = tpu.vector_load %arg10[%swap3A_98, %swap3A_99] {strides = array<i32>} : memref<128x128xf32, #tpu.memory_space<vmem>>, vector<1x16xf32>,
          %swap3A_101 = vector.shape_cast %swap3A_100 : vector<1x16xf32> to vector<16xf32>
          %swap3A_102 = vector.shape_cast %mul3A_97 : vector<16xf32> to vector<1x16xf32>
          tpu.vector_store %arg10[%swap3A_98, %swap3A_99], %swap3A_102 {strides = array<i32>} : memref<128x128xf32, #tpu.memory_space<vmem>>, vector<1x16xf32>,
          %get3A_103 = arith.index_cast %scan3A_34 : i32 to index
          %get3A_104 = arith.constant 80 : index
          %get3A_105 = tpu.vector_load %arg10[%get3A_103, %get3A_104] {strides = array<i32>} : memref<128x128xf32, #tpu.memory_space<vmem>>, vector<1x16xf32>,
          %get3A_106 = vector.shape_cast %get3A_105 : vector<1x16xf32> to vector<16xf32>
          %get3A_107 = arith.index_cast %scan3A_34 : i32 to index
          %get3A_108 = arith.constant 80 : index
          %get3A_109 = tpu.vector_load %arg11[%get3A_107, %get3A_108] {strides = array<i32>} : memref<128x128xf32, #tpu.memory_space<vmem>>, vector<1x16xf32>,
          %get3A_110 = vector.shape_cast %get3A_109 : vector<1x16xf32> to vector<16xf32>
          %mul3A_111 = arith.mulf %get3A_106, %get3A_110 : vector<16xf32>
          %swap3A_112 = arith.index_cast %scan3A_34 : i32 to index
          %swap3A_113 = arith.constant 80 : index
          %swap3A_114 = tpu.vector_load %arg10[%swap3A_112, %swap3A_113] {strides = array<i32>} : memref<128x128xf32, #tpu.memory_space<vmem>>, vector<1x16xf32>,
          %swap3A_115 = vector.shape_cast %swap3A_114 : vector<1x16xf32> to vector<16xf32>
          %swap3A_116 = vector.shape_cast %mul3A_111 : vector<16xf32> to vector<1x16xf32>
          tpu.vector_store %arg10[%swap3A_112, %swap3A_113], %swap3A_116 {strides = array<i32>} : memref<128x128xf32, #tpu.memory_space<vmem>>, vector<1x16xf32>,
          %get3A_117 = arith.index_cast %scan3A_34 : i32 to index
          %get3A_118 = arith.constant 96 : index
          %get3A_119 = tpu.vector_load %arg10[%get3A_117, %get3A_118] {strides = array<i32>} : memref<128x128xf32, #tpu.memory_space<vmem>>, vector<1x16xf32>,
          %get3A_120 = vector.shape_cast %get3A_119 : vector<1x16xf32> to vector<16xf32>
          %get3A_121 = arith.index_cast %scan3A_34 : i32 to index
          %get3A_122 = arith.constant 96 : index
          %get3A_123 = tpu.vector_load %arg11[%get3A_121, %get3A_122] {strides = array<i32>} : memref<128x128xf32, #tpu.memory_space<vmem>>, vector<1x16xf32>,
          %get3A_124 = vector.shape_cast %get3A_123 : vector<1x16xf32> to vector<16xf32>
          %mul3A_125 = arith.mulf %get3A_120, %get3A_124 : vector<16xf32>
          %swap3A_126 = arith.index_cast %scan3A_34 : i32 to index
          %swap3A_127 = arith.constant 96 : index
          %swap3A_128 = tpu.vector_load %arg10[%swap3A_126, %swap3A_127] {strides = array<i32>} : memref<128x128xf32, #tpu.memory_space<vmem>>, vector<1x16xf32>,
          %swap3A_129 = vector.shape_cast %swap3A_128 : vector<1x16xf32> to vector<16xf32>
          %swap3A_130 = vector.shape_cast %mul3A_125 : vector<16xf32> to vector<1x16xf32>
          tpu.vector_store %arg10[%swap3A_126, %swap3A_127], %swap3A_130 {strides = array<i32>} : memref<128x128xf32, #tpu.memory_space<vmem>>, vector<1x16xf32>,
          %get3A_131 = arith.index_cast %scan3A_34 : i32 to index
          %get3A_132 = arith.constant 112 : index
          %get3A_133 = tpu.vector_load %arg10[%get3A_131, %get3A_132] {strides = array<i32>} : memref<128x128xf32, #tpu.memory_space<vmem>>, vector<1x16xf32>,
          %get3A_134 = vector.shape_cast %get3A_133 : vector<1x16xf32> to vector<16xf32>
          %get3A_135 = arith.index_cast %scan3A_34 : i32 to index
          %get3A_136 = arith.constant 112 : index
          %get3A_137 = tpu.vector_load %arg11[%get3A_135, %get3A_136] {strides = array<i32>} : memref<128x128xf32, #tpu.memory_space<vmem>>, vector<1x16xf32>,
          %get3A_138 = vector.shape_cast %get3A_137 : vector<1x16xf32> to vector<16xf32>
          %mul3A_139 = arith.mulf %get3A_134, %get3A_138 : vector<16xf32>
          %swap3A_140 = arith.index_cast %scan3A_34 : i32 to index
          %swap3A_141 = arith.constant 112 : index
          %swap3A_142 = tpu.vector_load %arg10[%swap3A_140, %swap3A_141] {strides = array<i32>} : memref<128x128xf32, #tpu.memory_space<vmem>>, vector<1x16xf32>,
          %swap3A_143 = vector.shape_cast %swap3A_142 : vector<1x16xf32> to vector<16xf32>
          %swap3A_144 = vector.shape_cast %mul3A_139 : vector<16xf32> to vector<1x16xf32>
          tpu.vector_store %arg10[%swap3A_140, %swap3A_141], %swap3A_144 {strides = array<i32>} : memref<128x128xf32, #tpu.memory_space<vmem>>, vector<1x16xf32>,
        }
        %scan3A_33 = arith.constant 128 : i32
        "tpu.region"() ({
          %run_scoped3A = tpu.sem_alloc : memref<!tpu.dma_semaphore, #tpu.memory_space<semaphore_mem>>
          %dma_start3A_34 = tpu.memref_slice %arg3[%mul3A_23] : memref<160000xi32, #tpu.memory_space<hbm>> -> memref<128xi32, #tpu.memory_space<hbm>>
          %dma_start3A_35 = tpu.memref_slice %arg3[%mul3A_23] : memref<160000xi32, #tpu.memory_space<hbm>> -> memref<128xi32, #tpu.memory_space<hbm>>
          tpu.enqueue_dma source(%dma_start3A_35 : memref<128xi32, #tpu.memory_space<hbm>>) target(%arg9 : memref<128xi32, #tpu.memory_space<vmem>>) target_semaphore(%run_scoped3A : memref<!tpu.dma_semaphore, #tpu.memory_space<semaphore_mem>>)
          %dma_wait3A_36 = tpu.memref_slice %arg3[%mul3A_23] : memref<160000xi32, #tpu.memory_space<hbm>> -> memref<128xi32, #tpu.memory_space<hbm>>
          %dma_wait3A_37 = tpu.memref_slice %arg3[%mul3A_23] : memref<160000xi32, #tpu.memory_space<hbm>> -> memref<128xi32, #tpu.memory_space<hbm>>
          tpu.wait_dma2 semaphore(%run_scoped3A : memref<!tpu.dma_semaphore, #tpu.memory_space<semaphore_mem>>) src(%dma_wait3A_37 : memref<128xi32, #tpu.memory_space<hbm>>) dst(%arg9 : memref<128xi32, #tpu.memory_space<vmem>>)
          tpu.yield
        }) : () -> ()
        "tpu.region"() ({
          %run_scoped3A = tpu.sem_alloc : memref<!tpu.dma_semaphore, #tpu.memory_space<semaphore_mem>>
          %dma_start3A_34 = arith.constant 0 : i32
          %dma_start3A_35 = arith.constant 0 : i32
          %dma_start3A_36 = tpu.memref_slice %arg12[%dma_start3A_34, %dma_start3A_35] : memref<10008x128xf32, #tpu.memory_space<vmem_shared>> -> memref<10008x128xf32, #tpu.memory_space<vmem_shared>>
          tpu.enqueue_indirect_dma source(%arg10 : memref<128x128xf32, #tpu.memory_space<vmem>>) target(%dma_start3A_36 : memref<10008x128xf32, #tpu.memory_space<vmem_shared>>) offsets(%arg9 : memref<128xi32, #tpu.memory_space<vmem>>) semaphore(%run_scoped3A : memref<!tpu.dma_semaphore, #tpu.memory_space<semaphore_mem>>) {add = true}
          %dma_wait3A_37 = arith.constant 0 : i32
          %dma_wait3A_38 = arith.constant 0 : i32
          %dma_wait3A_39 = tpu.memref_slice %arg12[%dma_wait3A_37, %dma_wait3A_38] : memref<10008x128xf32, #tpu.memory_space<vmem_shared>> -> memref<10008x128xf32, #tpu.memory_space<vmem_shared>>
          tpu.wait_indirect_dma semaphore(%run_scoped3A : memref<!tpu.dma_semaphore, #tpu.memory_space<semaphore_mem>>) src(%arg10 : memref<128x128xf32, #tpu.memory_space<vmem>>) dst(%dma_wait3A_39 : memref<10008x128xf32, #tpu.memory_space<vmem_shared>>)
          tpu.yield
        }) : () -> ()
      } else {
      }
    }
    %scan3A_7 = arith.constant 40 : i32
    %barrier3A_8 = arith.constant 0 : index
    tpu.barrier barrier_id(%barrier3A_8)
    %eq3A_9 = arith.constant 0 : i32
    %eq3A_10 = arith.cmpi eq, %arg1, %eq3A_9 : i32
    %convert_element_type3A_11 = arith.extui %eq3A_10 : i1 to i32
    %cond3A_12 = arith.constant 0 : i32
    %cond3A_13 = arith.cmpi ne, %convert_element_type3A_11, %cond3A_12 : i32
    scf.if %cond3A_13 {
      "tpu.region"() ({
        %run_scoped3A = tpu.sem_alloc : memref<!tpu.dma_semaphore, #tpu.memory_space<semaphore_mem>>
        %dma_start3A = arith.constant 0 : i32
        %dma_start3A_14 = arith.constant 0 : i32
        %dma_start3A_15 = tpu.memref_slice %arg7[%arg0, %dma_start3A, %dma_start3A_14] : memref<2x10000x128xf32, #tpu.memory_space<hbm>> -> memref<1x10000x128xf32, #tpu.memory_space<hbm>>
        %dma_start3A_16 = tpu.memref_squeeze %dma_start3A_15 : memref<1x10000x128xf32, #tpu.memory_space<hbm>> -> memref<10000x128xf32, #tpu.memory_space<hbm>>
        %dma_start3A_17 = arith.constant 0 : i32
        %dma_start3A_18 = arith.constant 0 : i32
        %dma_start3A_19 = tpu.memref_slice %arg12[%dma_start3A_17, %dma_start3A_18] : memref<10008x128xf32, #tpu.memory_space<vmem_shared>> -> memref<10000x128xf32, #tpu.memory_space<vmem_shared>>
        tpu.enqueue_dma source(%dma_start3A_19 : memref<10000x128xf32, #tpu.memory_space<vmem_shared>>) target(%dma_start3A_16 : memref<10000x128xf32, #tpu.memory_space<hbm>>) target_semaphore(%run_scoped3A : memref<!tpu.dma_semaphore, #tpu.memory_space<semaphore_mem>>)
        %dma_wait3A = arith.constant 0 : i32
        %dma_wait3A_20 = arith.constant 0 : i32
        %dma_wait3A_21 = tpu.memref_slice %arg7[%arg0, %dma_wait3A, %dma_wait3A_20] : memref<2x10000x128xf32, #tpu.memory_space<hbm>> -> memref<1x10000x128xf32, #tpu.memory_space<hbm>>
        %dma_wait3A_22 = tpu.memref_squeeze %dma_wait3A_21 : memref<1x10000x128xf32, #tpu.memory_space<hbm>> -> memref<10000x128xf32, #tpu.memory_space<hbm>>
        %dma_wait3A_23 = arith.constant 0 : i32
        %dma_wait3A_24 = arith.constant 0 : i32
        %dma_wait3A_25 = tpu.memref_slice %arg12[%dma_wait3A_23, %dma_wait3A_24] : memref<10008x128xf32, #tpu.memory_space<vmem_shared>> -> memref<10000x128xf32, #tpu.memory_space<vmem_shared>>
        tpu.wait_dma2 semaphore(%run_scoped3A : memref<!tpu.dma_semaphore, #tpu.memory_space<semaphore_mem>>) src(%dma_wait3A_25 : memref<10000x128xf32, #tpu.memory_space<vmem_shared>>) dst(%dma_wait3A_22 : memref<10000x128xf32, #tpu.memory_space<hbm>>)
        tpu.yield
      }) : () -> ()
    } else {
    }
    return
  }
}

#map = affine_map<(d0, d1) -> (0, 0)>
#map1 = affine_map<(d0, d1) -> (0)>
#map2 = affine_map<(d0, d1) -> (0, 0, 0)>
module attributes {stable_mosaic.version = 14 : i64} {
  func.func @body(%arg0: i32, %arg1: i32, %arg2: memref<10008x128xf32, #tpu.memory_space<hbm>>, %arg3: memref<160000xi32, #tpu.memory_space<hbm>>, %arg4: memref<160000xi32, #tpu.memory_space<hbm>>, %arg5: memref<160000x128xf32, #tpu.memory_space<hbm>>, %arg6: memref<10008x128xf32, #tpu.memory_space<hbm>>, %arg7: memref<2x10000x128xf32, #tpu.memory_space<hbm>>, %arg8: memref<128xi32, #tpu.memory_space<vmem>>, %arg9: memref<128xi32, #tpu.memory_space<vmem>>, %arg10: memref<128x128xf32, #tpu.memory_space<vmem>>, %arg11: memref<128x128xf32, #tpu.memory_space<vmem>>, %arg12: memref<10008x128xf32, #tpu.memory_space<vmem_shared>>, %arg13: memref<!tpu.dma_semaphore, #tpu.memory_space<semaphore_mem>>) attributes {dimension_semantics = [#tpu.dimension_semantics<core_parallel>, #tpu.dimension_semantics<subcore_parallel>], iteration_bounds = array<i64: 2, 16>, scalar_prefetch = 0 : i64, scratch_operands = 6 : i64, tpu.core_type = #tpu.core_type<sc_vector_subcore>, window_params = [{transform_indices = #map}, {transform_indices = #map1}, {transform_indices = #map1}, {transform_indices = #map}, {transform_indices = #map}, {transform_indices = #map2}]} {
    %mul3A = arith.constant 2 : i32
    %mul3A_0 = arith.muli %arg1, %mul3A : i32
    %add3A = arith.addi %mul3A_0, %arg0 : i32
    %eq3A = arith.constant 0 : i32
    %eq3A_1 = arith.cmpi eq, %arg1, %eq3A : i32
    %convert_element_type3A = arith.extui %eq3A_1 : i1 to i32
    %cond3A = arith.constant 0 : i32
    %cond3A_2 = arith.cmpi ne, %convert_element_type3A, %cond3A : i32
    scf.if %cond3A_2 {
      "tpu.region"() ({
        %run_scoped3A = tpu.sem_alloc : memref<!tpu.dma_semaphore, #tpu.memory_space<semaphore_mem>>
        tpu.enqueue_dma source(%arg6 : memref<10008x128xf32, #tpu.memory_space<hbm>>) target(%arg12 : memref<10008x128xf32, #tpu.memory_space<vmem_shared>>) target_semaphore(%run_scoped3A : memref<!tpu.dma_semaphore, #tpu.memory_space<semaphore_mem>>)
        tpu.wait_dma2 semaphore(%run_scoped3A : memref<!tpu.dma_semaphore, #tpu.memory_space<semaphore_mem>>) src(%arg6 : memref<10008x128xf32, #tpu.memory_space<hbm>>) dst(%arg12 : memref<10008x128xf32, #tpu.memory_space<vmem_shared>>)
        tpu.yield
      }) : () -> ()
    } else {
    }
    %barrier3A = arith.constant 0 : index
    tpu.barrier barrier_id(%barrier3A)
    %scan3A = arith.constant 0 : i32
    %scan3A_3 = arith.constant 0 : i32
    %scan3A_4 = arith.constant 40 : i32
    %scan3A_5 = arith.addi %scan3A_3, %scan3A_4 : i32
    %scan3A_6 = arith.constant 1 : i32
    scf.for %scan3A_14 = %scan3A_3 to %scan3A_5 step %scan3A_6  : i32 {
      %mul3A_15 = arith.constant 32 : i32
      %mul3A_16 = arith.muli %scan3A_14, %mul3A_15 : i32
      %add3A_17 = arith.addi %mul3A_16, %add3A : i32
      %lt3A = arith.constant 1250 : i32
      %lt3A_18 = arith.cmpi slt, %add3A_17, %lt3A : i32
      %convert_element_type3A_19 = arith.extui %lt3A_18 : i1 to i32
      %cond3A_20 = arith.constant 0 : i32
      %cond3A_21 = arith.cmpi ne, %convert_element_type3A_19, %cond3A_20 : i32
      scf.if %cond3A_21 {
        %mul3A_22 = arith.constant 128 : i32
        %mul3A_23 = arith.muli %add3A_17, %mul3A_22 : i32
        "tpu.region"() ({
          %run_scoped3A = tpu.sem_alloc : memref<!tpu.dma_semaphore, #tpu.memory_space<semaphore_mem>>
          %dma_start3A_34 = tpu.memref_slice %arg4[%mul3A_23] : memref<160000xi32, #tpu.memory_space<hbm>> -> memref<128xi32, #tpu.memory_space<hbm>>
          %dma_start3A_35 = tpu.memref_slice %arg4[%mul3A_23] : memref<160000xi32, #tpu.memory_space<hbm>> -> memref<128xi32, #tpu.memory_space<hbm>>
          tpu.enqueue_dma source(%dma_start3A_35 : memref<128xi32, #tpu.memory_space<hbm>>) target(%arg8 : memref<128xi32, #tpu.memory_space<vmem>>) target_semaphore(%run_scoped3A : memref<!tpu.dma_semaphore, #tpu.memory_space<semaphore_mem>>)
          %dma_wait3A_36 = tpu.memref_slice %arg4[%mul3A_23] : memref<160000xi32, #tpu.memory_space<hbm>> -> memref<128xi32, #tpu.memory_space<hbm>>
          %dma_wait3A_37 = tpu.memref_slice %arg4[%mul3A_23] : memref<160000xi32, #tpu.memory_space<hbm>> -> memref<128xi32, #tpu.memory_space<hbm>>
          tpu.wait_dma2 semaphore(%run_scoped3A : memref<!tpu.dma_semaphore, #tpu.memory_space<semaphore_mem>>) src(%dma_wait3A_37 : memref<128xi32, #tpu.memory_space<hbm>>) dst(%arg8 : memref<128xi32, #tpu.memory_space<vmem>>)
          tpu.yield
        }) : () -> ()
        %dma_start3A = arith.constant 0 : i32
        %dma_start3A_24 = arith.constant 0 : i32
        %dma_start3A_25 = tpu.memref_slice %arg2[%dma_start3A, %dma_start3A_24] : memref<10008x128xf32, #tpu.memory_space<hbm>> -> memref<10008x128xf32, #tpu.memory_space<hbm>>
        tpu.enqueue_indirect_dma source(%dma_start3A_25 : memref<10008x128xf32, #tpu.memory_space<hbm>>) target(%arg10 : memref<128x128xf32, #tpu.memory_space<vmem>>) offsets(%arg8 : memref<128xi32, #tpu.memory_space<vmem>>) semaphore(%arg13 : memref<!tpu.dma_semaphore, #tpu.memory_space<semaphore_mem>>)
        %dma_wait3A = arith.constant 0 : i32
        %dma_wait3A_26 = arith.constant 0 : i32
        %dma_wait3A_27 = tpu.memref_slice %arg2[%dma_wait3A, %dma_wait3A_26] : memref<10008x128xf32, #tpu.memory_space<hbm>> -> memref<10008x128xf32, #tpu.memory_space<hbm>>
        tpu.wait_indirect_dma semaphore(%arg13 : memref<!tpu.dma_semaphore, #tpu.memory_space<semaphore_mem>>) src(%dma_wait3A_27 : memref<10008x128xf32, #tpu.memory_space<hbm>>) dst(%arg10 : memref<128x128xf32, #tpu.memory_space<vmem>>)
        "tpu.region"() ({
          %run_scoped3A = tpu.sem_alloc : memref<!tpu.dma_semaphore, #tpu.memory_space<semaphore_mem>>
          %dma_start3A_34 = arith.constant 0 : i32
          %dma_start3A_35 = tpu.memref_slice %arg5[%mul3A_23, %dma_start3A_34] : memref<160000x128xf32, #tpu.memory_space<hbm>> -> memref<128x128xf32, #tpu.memory_space<hbm>>
          %dma_start3A_36 = arith.constant 0 : i32
          %dma_start3A_37 = tpu.memref_slice %arg5[%mul3A_23, %dma_start3A_36] : memref<160000x128xf32, #tpu.memory_space<hbm>> -> memref<128x128xf32, #tpu.memory_space<hbm>>
          tpu.enqueue_dma source(%dma_start3A_37 : memref<128x128xf32, #tpu.memory_space<hbm>>) target(%arg11 : memref<128x128xf32, #tpu.memory_space<vmem>>) target_semaphore(%run_scoped3A : memref<!tpu.dma_semaphore, #tpu.memory_space<semaphore_mem>>)
          %dma_wait3A_38 = arith.constant 0 : i32
          %dma_wait3A_39 = tpu.memref_slice %arg5[%mul3A_23, %dma_wait3A_38] : memref<160000x128xf32, #tpu.memory_space<hbm>> -> memref<128x128xf32, #tpu.memory_space<hbm>>
          %dma_wait3A_40 = arith.constant 0 : i32
          %dma_wait3A_41 = tpu.memref_slice %arg5[%mul3A_23, %dma_wait3A_40] : memref<160000x128xf32, #tpu.memory_space<hbm>> -> memref<128x128xf32, #tpu.memory_space<hbm>>
          tpu.wait_dma2 semaphore(%run_scoped3A : memref<!tpu.dma_semaphore, #tpu.memory_space<semaphore_mem>>) src(%dma_wait3A_41 : memref<128x128xf32, #tpu.memory_space<hbm>>) dst(%arg11 : memref<128x128xf32, #tpu.memory_space<vmem>>)
          tpu.yield
        }) : () -> ()
        %scan3A_28 = arith.constant 0 : i32
        %scan3A_29 = arith.constant 0 : i32
        %scan3A_30 = arith.constant 128 : i32
        %scan3A_31 = arith.addi %scan3A_29, %scan3A_30 : i32
        %scan3A_32 = arith.constant 1 : i32
        scf.for %scan3A_34 = %scan3A_29 to %scan3A_31 step %scan3A_32  : i32 {
          %get3A = arith.index_cast %scan3A_34 : i32 to index
          %get3A_35 = arith.constant 0 : index
          %get3A_36 = tpu.vector_load %arg10[%get3A, %get3A_35] {strides = array<i32>} : memref<128x128xf32, #tpu.memory_space<vmem>>, vector<1x16xf32>,
          %get3A_37 = vector.shape_cast %get3A_36 : vector<1x16xf32> to vector<16xf32>
          %get3A_38 = arith.index_cast %scan3A_34 : i32 to index
          %get3A_39 = arith.constant 0 : index
          %get3A_40 = tpu.vector_load %arg11[%get3A_38, %get3A_39] {strides = array<i32>} : memref<128x128xf32, #tpu.memory_space<vmem>>, vector<1x16xf32>,
          %get3A_41 = vector.shape_cast %get3A_40 : vector<1x16xf32> to vector<16xf32>
          %mul3A_42 = arith.mulf %get3A_37, %get3A_41 : vector<16xf32>
          %swap3A = arith.index_cast %scan3A_34 : i32 to index
          %swap3A_43 = arith.constant 0 : index
          %swap3A_44 = tpu.vector_load %arg10[%swap3A, %swap3A_43] {strides = array<i32>} : memref<128x128xf32, #tpu.memory_space<vmem>>, vector<1x16xf32>,
          %swap3A_45 = vector.shape_cast %swap3A_44 : vector<1x16xf32> to vector<16xf32>
          %swap3A_46 = vector.shape_cast %mul3A_42 : vector<16xf32> to vector<1x16xf32>
          tpu.vector_store %arg10[%swap3A, %swap3A_43], %swap3A_46 {strides = array<i32>} : memref<128x128xf32, #tpu.memory_space<vmem>>, vector<1x16xf32>,
          %get3A_47 = arith.index_cast %scan3A_34 : i32 to index
          %get3A_48 = arith.constant 16 : index
          %get3A_49 = tpu.vector_load %arg10[%get3A_47, %get3A_48] {strides = array<i32>} : memref<128x128xf32, #tpu.memory_space<vmem>>, vector<1x16xf32>,
          %get3A_50 = vector.shape_cast %get3A_49 : vector<1x16xf32> to vector<16xf32>
          %get3A_51 = arith.index_cast %scan3A_34 : i32 to index
          %get3A_52 = arith.constant 16 : index
          %get3A_53 = tpu.vector_load %arg11[%get3A_51, %get3A_52] {strides = array<i32>} : memref<128x128xf32, #tpu.memory_space<vmem>>, vector<1x16xf32>,
          %get3A_54 = vector.shape_cast %get3A_53 : vector<1x16xf32> to vector<16xf32>
          %mul3A_55 = arith.mulf %get3A_50, %get3A_54 : vector<16xf32>
          %swap3A_56 = arith.index_cast %scan3A_34 : i32 to index
          %swap3A_57 = arith.constant 16 : index
          %swap3A_58 = tpu.vector_load %arg10[%swap3A_56, %swap3A_57] {strides = array<i32>} : memref<128x128xf32, #tpu.memory_space<vmem>>, vector<1x16xf32>,
          %swap3A_59 = vector.shape_cast %swap3A_58 : vector<1x16xf32> to vector<16xf32>
          %swap3A_60 = vector.shape_cast %mul3A_55 : vector<16xf32> to vector<1x16xf32>
          tpu.vector_store %arg10[%swap3A_56, %swap3A_57], %swap3A_60 {strides = array<i32>} : memref<128x128xf32, #tpu.memory_space<vmem>>, vector<1x16xf32>,
          %get3A_61 = arith.index_cast %scan3A_34 : i32 to index
          %get3A_62 = arith.constant 32 : index
          %get3A_63 = tpu.vector_load %arg10[%get3A_61, %get3A_62] {strides = array<i32>} : memref<128x128xf32, #tpu.memory_space<vmem>>, vector<1x16xf32>,
          %get3A_64 = vector.shape_cast %get3A_63 : vector<1x16xf32> to vector<16xf32>
          %get3A_65 = arith.index_cast %scan3A_34 : i32 to index
          %get3A_66 = arith.constant 32 : index
          %get3A_67 = tpu.vector_load %arg11[%get3A_65, %get3A_66] {strides = array<i32>} : memref<128x128xf32, #tpu.memory_space<vmem>>, vector<1x16xf32>,
          %get3A_68 = vector.shape_cast %get3A_67 : vector<1x16xf32> to vector<16xf32>
          %mul3A_69 = arith.mulf %get3A_64, %get3A_68 : vector<16xf32>
          %swap3A_70 = arith.index_cast %scan3A_34 : i32 to index
          %swap3A_71 = arith.constant 32 : index
          %swap3A_72 = tpu.vector_load %arg10[%swap3A_70, %swap3A_71] {strides = array<i32>} : memref<128x128xf32, #tpu.memory_space<vmem>>, vector<1x16xf32>,
          %swap3A_73 = vector.shape_cast %swap3A_72 : vector<1x16xf32> to vector<16xf32>
          %swap3A_74 = vector.shape_cast %mul3A_69 : vector<16xf32> to vector<1x16xf32>
          tpu.vector_store %arg10[%swap3A_70, %swap3A_71], %swap3A_74 {strides = array<i32>} : memref<128x128xf32, #tpu.memory_space<vmem>>, vector<1x16xf32>,
          %get3A_75 = arith.index_cast %scan3A_34 : i32 to index
          %get3A_76 = arith.constant 48 : index
          %get3A_77 = tpu.vector_load %arg10[%get3A_75, %get3A_76] {strides = array<i32>} : memref<128x128xf32, #tpu.memory_space<vmem>>, vector<1x16xf32>,
          %get3A_78 = vector.shape_cast %get3A_77 : vector<1x16xf32> to vector<16xf32>
          %get3A_79 = arith.index_cast %scan3A_34 : i32 to index
          %get3A_80 = arith.constant 48 : index
          %get3A_81 = tpu.vector_load %arg11[%get3A_79, %get3A_80] {strides = array<i32>} : memref<128x128xf32, #tpu.memory_space<vmem>>, vector<1x16xf32>,
          %get3A_82 = vector.shape_cast %get3A_81 : vector<1x16xf32> to vector<16xf32>
          %mul3A_83 = arith.mulf %get3A_78, %get3A_82 : vector<16xf32>
          %swap3A_84 = arith.index_cast %scan3A_34 : i32 to index
          %swap3A_85 = arith.constant 48 : index
          %swap3A_86 = tpu.vector_load %arg10[%swap3A_84, %swap3A_85] {strides = array<i32>} : memref<128x128xf32, #tpu.memory_space<vmem>>, vector<1x16xf32>,
          %swap3A_87 = vector.shape_cast %swap3A_86 : vector<1x16xf32> to vector<16xf32>
          %swap3A_88 = vector.shape_cast %mul3A_83 : vector<16xf32> to vector<1x16xf32>
          tpu.vector_store %arg10[%swap3A_84, %swap3A_85], %swap3A_88 {strides = array<i32>} : memref<128x128xf32, #tpu.memory_space<vmem>>, vector<1x16xf32>,
          %get3A_89 = arith.index_cast %scan3A_34 : i32 to index
          %get3A_90 = arith.constant 64 : index
          %get3A_91 = tpu.vector_load %arg10[%get3A_89, %get3A_90] {strides = array<i32>} : memref<128x128xf32, #tpu.memory_space<vmem>>, vector<1x16xf32>,
          %get3A_92 = vector.shape_cast %get3A_91 : vector<1x16xf32> to vector<16xf32>
          %get3A_93 = arith.index_cast %scan3A_34 : i32 to index
          %get3A_94 = arith.constant 64 : index
          %get3A_95 = tpu.vector_load %arg11[%get3A_93, %get3A_94] {strides = array<i32>} : memref<128x128xf32, #tpu.memory_space<vmem>>, vector<1x16xf32>,
          %get3A_96 = vector.shape_cast %get3A_95 : vector<1x16xf32> to vector<16xf32>
          %mul3A_97 = arith.mulf %get3A_92, %get3A_96 : vector<16xf32>
          %swap3A_98 = arith.index_cast %scan3A_34 : i32 to index
          %swap3A_99 = arith.constant 64 : index
          %swap3A_100 = tpu.vector_load %arg10[%swap3A_98, %swap3A_99] {strides = array<i32>} : memref<128x128xf32, #tpu.memory_space<vmem>>, vector<1x16xf32>,
          %swap3A_101 = vector.shape_cast %swap3A_100 : vector<1x16xf32> to vector<16xf32>
          %swap3A_102 = vector.shape_cast %mul3A_97 : vector<16xf32> to vector<1x16xf32>
          tpu.vector_store %arg10[%swap3A_98, %swap3A_99], %swap3A_102 {strides = array<i32>} : memref<128x128xf32, #tpu.memory_space<vmem>>, vector<1x16xf32>,
          %get3A_103 = arith.index_cast %scan3A_34 : i32 to index
          %get3A_104 = arith.constant 80 : index
          %get3A_105 = tpu.vector_load %arg10[%get3A_103, %get3A_104] {strides = array<i32>} : memref<128x128xf32, #tpu.memory_space<vmem>>, vector<1x16xf32>,
          %get3A_106 = vector.shape_cast %get3A_105 : vector<1x16xf32> to vector<16xf32>
          %get3A_107 = arith.index_cast %scan3A_34 : i32 to index
          %get3A_108 = arith.constant 80 : index
          %get3A_109 = tpu.vector_load %arg11[%get3A_107, %get3A_108] {strides = array<i32>} : memref<128x128xf32, #tpu.memory_space<vmem>>, vector<1x16xf32>,
          %get3A_110 = vector.shape_cast %get3A_109 : vector<1x16xf32> to vector<16xf32>
          %mul3A_111 = arith.mulf %get3A_106, %get3A_110 : vector<16xf32>
          %swap3A_112 = arith.index_cast %scan3A_34 : i32 to index
          %swap3A_113 = arith.constant 80 : index
          %swap3A_114 = tpu.vector_load %arg10[%swap3A_112, %swap3A_113] {strides = array<i32>} : memref<128x128xf32, #tpu.memory_space<vmem>>, vector<1x16xf32>,
          %swap3A_115 = vector.shape_cast %swap3A_114 : vector<1x16xf32> to vector<16xf32>
          %swap3A_116 = vector.shape_cast %mul3A_111 : vector<16xf32> to vector<1x16xf32>
          tpu.vector_store %arg10[%swap3A_112, %swap3A_113], %swap3A_116 {strides = array<i32>} : memref<128x128xf32, #tpu.memory_space<vmem>>, vector<1x16xf32>,
          %get3A_117 = arith.index_cast %scan3A_34 : i32 to index
          %get3A_118 = arith.constant 96 : index
          %get3A_119 = tpu.vector_load %arg10[%get3A_117, %get3A_118] {strides = array<i32>} : memref<128x128xf32, #tpu.memory_space<vmem>>, vector<1x16xf32>,
          %get3A_120 = vector.shape_cast %get3A_119 : vector<1x16xf32> to vector<16xf32>
          %get3A_121 = arith.index_cast %scan3A_34 : i32 to index
          %get3A_122 = arith.constant 96 : index
          %get3A_123 = tpu.vector_load %arg11[%get3A_121, %get3A_122] {strides = array<i32>} : memref<128x128xf32, #tpu.memory_space<vmem>>, vector<1x16xf32>,
          %get3A_124 = vector.shape_cast %get3A_123 : vector<1x16xf32> to vector<16xf32>
          %mul3A_125 = arith.mulf %get3A_120, %get3A_124 : vector<16xf32>
          %swap3A_126 = arith.index_cast %scan3A_34 : i32 to index
          %swap3A_127 = arith.constant 96 : index
          %swap3A_128 = tpu.vector_load %arg10[%swap3A_126, %swap3A_127] {strides = array<i32>} : memref<128x128xf32, #tpu.memory_space<vmem>>, vector<1x16xf32>,
          %swap3A_129 = vector.shape_cast %swap3A_128 : vector<1x16xf32> to vector<16xf32>
          %swap3A_130 = vector.shape_cast %mul3A_125 : vector<16xf32> to vector<1x16xf32>
          tpu.vector_store %arg10[%swap3A_126, %swap3A_127], %swap3A_130 {strides = array<i32>} : memref<128x128xf32, #tpu.memory_space<vmem>>, vector<1x16xf32>,
          %get3A_131 = arith.index_cast %scan3A_34 : i32 to index
          %get3A_132 = arith.constant 112 : index
          %get3A_133 = tpu.vector_load %arg10[%get3A_131, %get3A_132] {strides = array<i32>} : memref<128x128xf32, #tpu.memory_space<vmem>>, vector<1x16xf32>,
          %get3A_134 = vector.shape_cast %get3A_133 : vector<1x16xf32> to vector<16xf32>
          %get3A_135 = arith.index_cast %scan3A_34 : i32 to index
          %get3A_136 = arith.constant 112 : index
          %get3A_137 = tpu.vector_load %arg11[%get3A_135, %get3A_136] {strides = array<i32>} : memref<128x128xf32, #tpu.memory_space<vmem>>, vector<1x16xf32>,
          %get3A_138 = vector.shape_cast %get3A_137 : vector<1x16xf32> to vector<16xf32>
          %mul3A_139 = arith.mulf %get3A_134, %get3A_138 : vector<16xf32>
          %swap3A_140 = arith.index_cast %scan3A_34 : i32 to index
          %swap3A_141 = arith.constant 112 : index
          %swap3A_142 = tpu.vector_load %arg10[%swap3A_140, %swap3A_141] {strides = array<i32>} : memref<128x128xf32, #tpu.memory_space<vmem>>, vector<1x16xf32>,
          %swap3A_143 = vector.shape_cast %swap3A_142 : vector<1x16xf32> to vector<16xf32>
          %swap3A_144 = vector.shape_cast %mul3A_139 : vector<16xf32> to vector<1x16xf32>
          tpu.vector_store %arg10[%swap3A_140, %swap3A_141], %swap3A_144 {strides = array<i32>} : memref<128x128xf32, #tpu.memory_space<vmem>>, vector<1x16xf32>,
        }
        %scan3A_33 = arith.constant 128 : i32
        "tpu.region"() ({
          %run_scoped3A = tpu.sem_alloc : memref<!tpu.dma_semaphore, #tpu.memory_space<semaphore_mem>>
          %dma_start3A_34 = tpu.memref_slice %arg3[%mul3A_23] : memref<160000xi32, #tpu.memory_space<hbm>> -> memref<128xi32, #tpu.memory_space<hbm>>
          %dma_start3A_35 = tpu.memref_slice %arg3[%mul3A_23] : memref<160000xi32, #tpu.memory_space<hbm>> -> memref<128xi32, #tpu.memory_space<hbm>>
          tpu.enqueue_dma source(%dma_start3A_35 : memref<128xi32, #tpu.memory_space<hbm>>) target(%arg9 : memref<128xi32, #tpu.memory_space<vmem>>) target_semaphore(%run_scoped3A : memref<!tpu.dma_semaphore, #tpu.memory_space<semaphore_mem>>)
          %dma_wait3A_36 = tpu.memref_slice %arg3[%mul3A_23] : memref<160000xi32, #tpu.memory_space<hbm>> -> memref<128xi32, #tpu.memory_space<hbm>>
          %dma_wait3A_37 = tpu.memref_slice %arg3[%mul3A_23] : memref<160000xi32, #tpu.memory_space<hbm>> -> memref<128xi32, #tpu.memory_space<hbm>>
          tpu.wait_dma2 semaphore(%run_scoped3A : memref<!tpu.dma_semaphore, #tpu.memory_space<semaphore_mem>>) src(%dma_wait3A_37 : memref<128xi32, #tpu.memory_space<hbm>>) dst(%arg9 : memref<128xi32, #tpu.memory_space<vmem>>)
          tpu.yield
        }) : () -> ()
        "tpu.region"() ({
          %run_scoped3A = tpu.sem_alloc : memref<!tpu.dma_semaphore, #tpu.memory_space<semaphore_mem>>
          %dma_start3A_34 = arith.constant 0 : i32
          %dma_start3A_35 = arith.constant 0 : i32
          %dma_start3A_36 = tpu.memref_slice %arg12[%dma_start3A_34, %dma_start3A_35] : memref<10008x128xf32, #tpu.memory_space<vmem_shared>> -> memref<10008x128xf32, #tpu.memory_space<vmem_shared>>
          tpu.enqueue_indirect_dma source(%arg10 : memref<128x128xf32, #tpu.memory_space<vmem>>) target(%dma_start3A_36 : memref<10008x128xf32, #tpu.memory_space<vmem_shared>>) offsets(%arg9 : memref<128xi32, #tpu.memory_space<vmem>>) semaphore(%run_scoped3A : memref<!tpu.dma_semaphore, #tpu.memory_space<semaphore_mem>>) {add = true}
          %dma_wait3A_37 = arith.constant 0 : i32
          %dma_wait3A_38 = arith.constant 0 : i32
          %dma_wait3A_39 = tpu.memref_slice %arg12[%dma_wait3A_37, %dma_wait3A_38] : memref<10008x128xf32, #tpu.memory_space<vmem_shared>> -> memref<10008x128xf32, #tpu.memory_space<vmem_shared>>
          tpu.wait_indirect_dma semaphore(%run_scoped3A : memref<!tpu.dma_semaphore, #tpu.memory_space<semaphore_mem>>) src(%arg10 : memref<128x128xf32, #tpu.memory_space<vmem>>) dst(%dma_wait3A_39 : memref<10008x128xf32, #tpu.memory_space<vmem_shared>>)
          tpu.yield
        }) : () -> ()
      } else {
      }
    }
    %scan3A_7 = arith.constant 40 : i32
    %barrier3A_8 = arith.constant 0 : index
    tpu.barrier barrier_id(%barrier3A_8)
    %eq3A_9 = arith.constant 0 : i32
    %eq3A_10 = arith.cmpi eq, %arg1, %eq3A_9 : i32
    %convert_element_type3A_11 = arith.extui %eq3A_10 : i1 to i32
    %cond3A_12 = arith.constant 0 : i32
    %cond3A_13 = arith.cmpi ne, %convert_element_type3A_11, %cond3A_12 : i32
    scf.if %cond3A_13 {
      "tpu.region"() ({
        %run_scoped3A = tpu.sem_alloc : memref<!tpu.dma_semaphore, #tpu.memory_space<semaphore_mem>>
        %dma_start3A = arith.constant 0 : i32
        %dma_start3A_14 = arith.constant 0 : i32
        %dma_start3A_15 = tpu.memref_slice %arg7[%arg0, %dma_start3A, %dma_start3A_14] : memref<2x10000x128xf32, #tpu.memory_space<hbm>> -> memref<1x10000x128xf32, #tpu.memory_space<hbm>>
        %dma_start3A_16 = tpu.memref_squeeze %dma_start3A_15 : memref<1x10000x128xf32, #tpu.memory_space<hbm>> -> memref<10000x128xf32, #tpu.memory_space<hbm>>
        %dma_start3A_17 = arith.constant 0 : i32
        %dma_start3A_18 = arith.constant 0 : i32
        %dma_start3A_19 = tpu.memref_slice %arg12[%dma_start3A_17, %dma_start3A_18] : memref<10008x128xf32, #tpu.memory_space<vmem_shared>> -> memref<10000x128xf32, #tpu.memory_space<vmem_shared>>
        tpu.enqueue_dma source(%dma_start3A_19 : memref<10000x128xf32, #tpu.memory_space<vmem_shared>>) target(%dma_start3A_16 : memref<10000x128xf32, #tpu.memory_space<hbm>>) target_semaphore(%run_scoped3A : memref<!tpu.dma_semaphore, #tpu.memory_space<semaphore_mem>>)
        %dma_wait3A = arith.constant 0 : i32
        %dma_wait3A_20 = arith.constant 0 : i32
        %dma_wait3A_21 = tpu.memref_slice %arg7[%arg0, %dma_wait3A, %dma_wait3A_20] : memref<2x10000x128xf32, #tpu.memory_space<hbm>> -> memref<1x10000x128xf32, #tpu.memory_space<hbm>>
        %dma_wait3A_22 = tpu.memref_squeeze %dma_wait3A_21 : memref<1x10000x128xf32, #tpu.memory_space<hbm>> -> memref<10000x128xf32, #tpu.memory_space<hbm>>
        %dma_wait3A_23 = arith.constant 0 : i32
        %dma_wait3A_24 = arith.constant 0 : i32
        %dma_wait3A_25 = tpu.memref_slice %arg12[%dma_wait3A_23, %dma_wait3A_24] : memref<10008x128xf32, #tpu.memory_space<vmem_shared>> -> memref<10000x128xf32, #tpu.memory_space<vmem_shared>>
        tpu.wait_dma2 semaphore(%run_scoped3A : memref<!tpu.dma_semaphore, #tpu.memory_space<semaphore_mem>>) src(%dma_wait3A_25 : memref<10000x128xf32, #tpu.memory_space<vmem_shared>>) dst(%dma_wait3A_22 : memref<10000x128xf32, #tpu.memory_space<hbm>>)
        tpu.yield
      }) : () -> ()
    } else {
    }
    return
  }
}

module attributes {stable_mosaic.version = 14 : i64} {
  func.func @body(%arg0: memref<10000x128xf32, #tpu.memory_space<vmem>>, %arg1: memref<128x32xf32, #tpu.memory_space<vmem>>, %arg2: memref<10000x32xf32, #tpu.memory_space<vmem>>) attributes {dimension_semantics = [], scalar_prefetch = 0 : i64, scratch_operands = 0 : i64, tpu.core_type = #tpu.core_type<tc>} {
    %get3A = arith.constant 0 : index
    %get3A_0 = arith.constant 0 : index
    %get3A_1 = vector.load %arg0[%get3A, %get3A_0] : memref<10000x128xf32, #tpu.memory_space<vmem>>, vector<10000x128xf32>
    %get3A_2 = arith.constant 0 : index
    %get3A_3 = arith.constant 0 : index
    %get3A_4 = vector.load %arg1[%get3A_2, %get3A_3] : memref<128x32xf32, #tpu.memory_space<vmem>>, vector<128x32xf32>
    %dot_general3A = arith.constant dense<0.000000e+00> : vector<10000x32xf32>
    %dot_general3A_5 = tpu.matmul %get3A_1, %get3A_4, %dot_general3A {dimension_numbers = #tpu.dot_dimension_numbers<[1], [0], [0], [1], [0, 0, 1, 1], [], []>, transpose_lhs_hint = false} : vector<10000x128xf32>, vector<128x32xf32>, vector<10000x32xf32> -> vector<10000x32xf32>
    %swap3A = arith.constant 0 : index
    %swap3A_6 = arith.constant 0 : index
    %swap3A_7 = vector.load %arg2[%swap3A, %swap3A_6] : memref<10000x32xf32, #tpu.memory_space<vmem>>, vector<10000x32xf32>
    tpu.vector_store %arg2[%swap3A, %swap3A_6], %dot_general3A_5 {strides = array<i32>} : memref<10000x32xf32, #tpu.memory_space<vmem>>, vector<10000x32xf32>,
    return
  }
}

module attributes {stable_mosaic.version = 14 : i64} {
  func.func @body(%arg0: memref<2x10000x128xf32, #tpu.memory_space<vmem>>, %arg1: memref<128x32xf32, #tpu.memory_space<vmem>>, %arg2: memref<10000x32xf32, #tpu.memory_space<vmem>>) attributes {dimension_semantics = [], scalar_prefetch = 0 : i64, scratch_operands = 0 : i64, tpu.core_type = #tpu.core_type<tc>} {
    %get3A = arith.constant 0 : index
    %get3A_0 = arith.constant 0 : index
    %get3A_1 = arith.constant 0 : index
    %get3A_2 = vector.load %arg0[%get3A, %get3A_0, %get3A_1] : memref<2x10000x128xf32, #tpu.memory_space<vmem>>, vector<1x10000x128xf32>
    %get3A_3 = vector.shape_cast %get3A_2 : vector<1x10000x128xf32> to vector<10000x128xf32>
    %get3A_4 = arith.constant 1 : index
    %get3A_5 = arith.constant 0 : index
    %get3A_6 = arith.constant 0 : index
    %get3A_7 = vector.load %arg0[%get3A_4, %get3A_5, %get3A_6] : memref<2x10000x128xf32, #tpu.memory_space<vmem>>, vector<1x10000x128xf32>
    %get3A_8 = vector.shape_cast %get3A_7 : vector<1x10000x128xf32> to vector<10000x128xf32>
    %add3A = arith.addf %get3A_3, %get3A_8 : vector<10000x128xf32>
    %max3A = arith.constant 0.000000e+00 : f32
    %max3A_9 = vector.broadcast %max3A : f32 to vector<10000x128xf32>
    %max3A_10 = arith.maximumf %add3A, %max3A_9 : vector<10000x128xf32>
    %get3A_11 = arith.constant 0 : index
    %get3A_12 = arith.constant 0 : index
    %get3A_13 = vector.load %arg1[%get3A_11, %get3A_12] : memref<128x32xf32, #tpu.memory_space<vmem>>, vector<128x32xf32>
    %dot_general3A = arith.constant dense<0.000000e+00> : vector<10000x32xf32>
    %dot_general3A_14 = tpu.matmul %max3A_10, %get3A_13, %dot_general3A {dimension_numbers = #tpu.dot_dimension_numbers<[1], [0], [0], [1], [0, 0, 1, 1], [], []>, transpose_lhs_hint = false} : vector<10000x128xf32>, vector<128x32xf32>, vector<10000x32xf32> -> vector<10000x32xf32>
    %swap3A = arith.constant 0 : index
    %swap3A_15 = arith.constant 0 : index
    %swap3A_16 = vector.load %arg2[%swap3A, %swap3A_15] : memref<10000x32xf32, #tpu.memory_space<vmem>>, vector<10000x32xf32>
    tpu.vector_store %arg2[%swap3A, %swap3A_15], %dot_general3A_14 {strides = array<i32>} : memref<10000x32xf32, #tpu.memory_space<vmem>>, vector<10000x32xf32>,
    return
  }
}

module attributes {stable_mosaic.version = 14 : i64} {
  func.func @body(%arg0: memref<2x10000x128xf32, #tpu.memory_space<vmem>>, %arg1: memref<10000x128xf32, #tpu.memory_space<vmem>>) attributes {dimension_semantics = [], scalar_prefetch = 0 : i64, scratch_operands = 0 : i64, tpu.core_type = #tpu.core_type<tc>} {
    %get3A = arith.constant 0 : index
    %get3A_0 = arith.constant 0 : index
    %get3A_1 = arith.constant 0 : index
    %get3A_2 = vector.load %arg0[%get3A, %get3A_0, %get3A_1] : memref<2x10000x128xf32, #tpu.memory_space<vmem>>, vector<1x10000x128xf32>
    %get3A_3 = vector.shape_cast %get3A_2 : vector<1x10000x128xf32> to vector<10000x128xf32>
    %get3A_4 = arith.constant 1 : index
    %get3A_5 = arith.constant 0 : index
    %get3A_6 = arith.constant 0 : index
    %get3A_7 = vector.load %arg0[%get3A_4, %get3A_5, %get3A_6] : memref<2x10000x128xf32, #tpu.memory_space<vmem>>, vector<1x10000x128xf32>
    %get3A_8 = vector.shape_cast %get3A_7 : vector<1x10000x128xf32> to vector<10000x128xf32>
    %add3A = arith.addf %get3A_3, %get3A_8 : vector<10000x128xf32>
    %swap3A = arith.constant 0 : index
    %swap3A_9 = arith.constant 0 : index
    %swap3A_10 = vector.load %arg1[%swap3A, %swap3A_9] : memref<10000x128xf32, #tpu.memory_space<vmem>>, vector<10000x128xf32>
    tpu.vector_store %arg1[%swap3A, %swap3A_9], %add3A {strides = array<i32>} : memref<10000x128xf32, #tpu.memory_space<vmem>>, vector<10000x128xf32>,
    return
  }
}

module attributes {stable_mosaic.version = 14 : i64} {
  func.func @body(%arg0: i32, %arg1: memref<1280x128xf32, #tpu.memory_space<vmem>>, %arg2: memref<1280x128xf32, #tpu.memory_space<vmem>>, %arg3: memref<1x1x1280xf32, #tpu.memory_space<vmem>>, %arg4: memref<128x128xf32, #tpu.memory_space<vmem>>, %arg5: memref<128x128xf32, #tpu.memory_space<vmem>>, %arg6: memref<1x128xf32, #tpu.memory_space<vmem>>, %arg7: memref<128x64xf32, #tpu.memory_space<vmem>>, %arg8: memref<1x64xf32, #tpu.memory_space<vmem>>, %arg9: memref<64x128xf32, #tpu.memory_space<vmem>>, %arg10: memref<1x128xf32, #tpu.memory_space<vmem>>, %arg11: memref<1280x128xf32, #tpu.memory_space<vmem>>) attributes {dimension_semantics = [#tpu.dimension_semantics<arbitrary>], iteration_bounds = array<i64: 125>, scalar_prefetch = 0 : i64, scratch_operands = 0 : i64, tpu.core_type = #tpu.core_type<tc>, window_params = [{transform_indices = @transform_0, window_bounds = array<i64: 1280, 128>}, {transform_indices = @transform_1, window_bounds = array<i64: 1280, 128>}, {transform_indices = @transform_2, window_bounds = array<i64: 1, 1, 1280>}, {pipeline_mode = #tpu.pipeline_mode<synchronous>, transform_indices = @transform_3, window_bounds = array<i64: 128, 128>}, {pipeline_mode = #tpu.pipeline_mode<synchronous>, transform_indices = @transform_4, window_bounds = array<i64: 128, 128>}, {pipeline_mode = #tpu.pipeline_mode<synchronous>, transform_indices = @transform_5, window_bounds = array<i64: 1, 128>}, {pipeline_mode = #tpu.pipeline_mode<synchronous>, transform_indices = @transform_6, window_bounds = array<i64: 128, 64>}, {pipeline_mode = #tpu.pipeline_mode<synchronous>, transform_indices = @transform_7, window_bounds = array<i64: 1, 64>}, {pipeline_mode = #tpu.pipeline_mode<synchronous>, transform_indices = @transform_8, window_bounds = array<i64: 64, 128>}, {pipeline_mode = #tpu.pipeline_mode<synchronous>, transform_indices = @transform_9, window_bounds = array<i64: 1, 128>}, {transform_indices = @transform_10, window_bounds = array<i64: 1280, 128>}]} {
    %get3A = arith.constant 0 : index
    %get3A_0 = arith.constant 0 : index
    %get3A_1 = vector.load %arg1[%get3A, %get3A_0] : memref<1280x128xf32, #tpu.memory_space<vmem>>, vector<1280x128xf32>
    %get3A_2 = arith.constant 0 : index
    %get3A_3 = arith.constant 0 : index
    %get3A_4 = vector.load %arg4[%get3A_2, %get3A_3] : memref<128x128xf32, #tpu.memory_space<vmem>>, vector<128x128xf32>
    %dot_general3A = arith.constant dense<0.000000e+00> : vector<1280x128xf32>
    %dot_general3A_5 = tpu.matmul %get3A_1, %get3A_4, %dot_general3A {dimension_numbers = #tpu.dot_dimension_numbers<[1], [0], [0], [1], [0, 0, 1, 1], [], []>, transpose_lhs_hint = false} : vector<1280x128xf32>, vector<128x128xf32>, vector<1280x128xf32> -> vector<1280x128xf32>
    %get3A_6 = arith.constant 0 : index
    %get3A_7 = arith.constant 0 : index
    %get3A_8 = vector.load %arg2[%get3A_6, %get3A_7] : memref<1280x128xf32, #tpu.memory_space<vmem>>, vector<1280x128xf32>
    %get3A_9 = arith.constant 0 : index
    %get3A_10 = arith.constant 0 : index
    %get3A_11 = vector.load %arg5[%get3A_9, %get3A_10] : memref<128x128xf32, #tpu.memory_space<vmem>>, vector<128x128xf32>
    %dot_general3A_12 = arith.constant dense<0.000000e+00> : vector<1280x128xf32>
    %dot_general3A_13 = tpu.matmul %get3A_8, %get3A_11, %dot_general3A_12 {dimension_numbers = #tpu.dot_dimension_numbers<[1], [0], [0], [1], [0, 0, 1, 1], [], []>, transpose_lhs_hint = false} : vector<1280x128xf32>, vector<128x128xf32>, vector<1280x128xf32> -> vector<1280x128xf32>
    %add3A = arith.addf %dot_general3A_5, %dot_general3A_13 : vector<1280x128xf32>
    %get3A_14 = arith.constant 0 : index
    %get3A_15 = arith.constant 0 : index
    %get3A_16 = vector.load %arg6[%get3A_14, %get3A_15] : memref<1x128xf32, #tpu.memory_space<vmem>>, vector<1x128xf32>
    %add3A_17 = vector.broadcast %get3A_16 : vector<1x128xf32> to vector<1280x128xf32>
    %add3A_18 = arith.addf %add3A, %add3A_17 : vector<1280x128xf32>
    %max3A = arith.constant 0.000000e+00 : f32
    %max3A_19 = vector.broadcast %max3A : f32 to vector<1280x128xf32>
    %max3A_20 = arith.maximumf %add3A_18, %max3A_19 : vector<1280x128xf32>
    %get3A_21 = arith.constant 0 : index
    %get3A_22 = arith.constant 0 : index
    %get3A_23 = vector.load %arg7[%get3A_21, %get3A_22] : memref<128x64xf32, #tpu.memory_space<vmem>>, vector<128x64xf32>
    %dot_general3A_24 = arith.constant dense<0.000000e+00> : vector<1280x64xf32>
    %dot_general3A_25 = tpu.matmul %max3A_20, %get3A_23, %dot_general3A_24 {dimension_numbers = #tpu.dot_dimension_numbers<[1], [0], [0], [1], [0, 0, 1, 1], [], []>, transpose_lhs_hint = false} : vector<1280x128xf32>, vector<128x64xf32>, vector<1280x64xf32> -> vector<1280x64xf32>
    %get3A_26 = arith.constant 0 : index
    %get3A_27 = arith.constant 0 : index
    %get3A_28 = vector.load %arg8[%get3A_26, %get3A_27] : memref<1x64xf32, #tpu.memory_space<vmem>>, vector<1x64xf32>
    %add3A_29 = vector.broadcast %get3A_28 : vector<1x64xf32> to vector<1280x64xf32>
    %add3A_30 = arith.addf %dot_general3A_25, %add3A_29 : vector<1280x64xf32>
    %max3A_31 = arith.constant 0.000000e+00 : f32
    %max3A_32 = vector.broadcast %max3A_31 : f32 to vector<1280x64xf32>
    %max3A_33 = arith.maximumf %add3A_30, %max3A_32 : vector<1280x64xf32>
    %get3A_34 = arith.constant 0 : index
    %get3A_35 = arith.constant 0 : index
    %get3A_36 = vector.load %arg9[%get3A_34, %get3A_35] : memref<64x128xf32, #tpu.memory_space<vmem>>, vector<64x128xf32>
    %dot_general3A_37 = arith.constant dense<0.000000e+00> : vector<1280x128xf32>
    %dot_general3A_38 = tpu.matmul %max3A_33, %get3A_36, %dot_general3A_37 {dimension_numbers = #tpu.dot_dimension_numbers<[1], [0], [0], [1], [0, 0, 1, 1], [], []>, transpose_lhs_hint = false} : vector<1280x64xf32>, vector<64x128xf32>, vector<1280x128xf32> -> vector<1280x128xf32>
    %get3A_39 = arith.constant 0 : index
    %get3A_40 = arith.constant 0 : index
    %get3A_41 = vector.load %arg10[%get3A_39, %get3A_40] : memref<1x128xf32, #tpu.memory_space<vmem>>, vector<1x128xf32>
    %add3A_42 = vector.broadcast %get3A_41 : vector<1x128xf32> to vector<1280x128xf32>
    %add3A_43 = arith.addf %dot_general3A_38, %add3A_42 : vector<1280x128xf32>
    %slice3A = vector.extract_strided_slice %add3A_43 {offsets = [0, 0], sizes = [1280, 1], strides = [1, 1]} : vector<1280x128xf32> to vector<1280x1xf32>
    %max3A_44 = arith.constant 0.000000e+00 : f32
    %max3A_45 = vector.broadcast %max3A_44 : f32 to vector<1280x1xf32>
    %max3A_46 = arith.maximumf %slice3A, %max3A_45 : vector<1280x1xf32>
    %get3A_47 = arith.constant 0 : index
    %get3A_48 = arith.constant 0 : index
    %get3A_49 = arith.constant 0 : index
    %get3A_50 = vector.load %arg3[%get3A_47, %get3A_48, %get3A_49] : memref<1x1x1280xf32, #tpu.memory_space<vmem>>, vector<1x1x1280xf32>
    %reshape3A = vector.shape_cast %get3A_50 : vector<1x1x1280xf32> to vector<1280x1xf32>
    %mul3A = arith.mulf %max3A_46, %reshape3A : vector<1280x1xf32>
    %broadcast_in_dim3A = vector.shape_cast %mul3A : vector<1280x1xf32> to vector<1280x1xf32>
    %broadcast_in_dim3A_51 = vector.broadcast %broadcast_in_dim3A : vector<1280x1xf32> to vector<1280x128xf32>
    %swap3A = arith.constant 0 : index
    %swap3A_52 = arith.constant 0 : index
    %swap3A_53 = vector.load %arg11[%swap3A, %swap3A_52] : memref<1280x128xf32, #tpu.memory_space<vmem>>, vector<1280x128xf32>
    tpu.vector_store %arg11[%swap3A, %swap3A_52], %broadcast_in_dim3A_51 {strides = array<i32>} : memref<1280x128xf32, #tpu.memory_space<vmem>>, vector<1280x128xf32>,
    return
  }
  func.func @transform_0(%arg0: i32) -> (i32, i32) {
    %c0_i32 = arith.constant 0 : i32
    %c0_i32_0 = arith.constant 0 : i32
    return %arg0, %c0_i32 : i32, i32
  }
  func.func @transform_1(%arg0: i32) -> (i32, i32) {
    %c0_i32 = arith.constant 0 : i32
    %c0_i32_0 = arith.constant 0 : i32
    return %arg0, %c0_i32 : i32, i32
  }
  func.func @transform_2(%arg0: i32) -> (i32, i32, i32) {
    %c0_i32 = arith.constant 0 : i32
    %c0_i32_0 = arith.constant 0 : i32
    %c0_i32_1 = arith.constant 0 : i32
    return %arg0, %c0_i32, %c0_i32_0 : i32, i32, i32
  }
  func.func @transform_3(%arg0: i32) -> (i32, i32) {
    %c0_i32 = arith.constant 0 : i32
    %c0_i32_0 = arith.constant 0 : i32
    %c0_i32_1 = arith.constant 0 : i32
    return %c0_i32, %c0_i32_0 : i32, i32
  }
  func.func @transform_4(%arg0: i32) -> (i32, i32) {
    %c0_i32 = arith.constant 0 : i32
    %c0_i32_0 = arith.constant 0 : i32
    %c0_i32_1 = arith.constant 0 : i32
    return %c0_i32, %c0_i32_0 : i32, i32
  }
  func.func @transform_5(%arg0: i32) -> (i32, i32) {
    %c0_i32 = arith.constant 0 : i32
    %c0_i32_0 = arith.constant 0 : i32
    %c0_i32_1 = arith.constant 0 : i32
    return %c0_i32, %c0_i32_0 : i32, i32
  }
  func.func @transform_6(%arg0: i32) -> (i32, i32) {
    %c0_i32 = arith.constant 0 : i32
    %c0_i32_0 = arith.constant 0 : i32
    %c0_i32_1 = arith.constant 0 : i32
    return %c0_i32, %c0_i32_0 : i32, i32
  }
  func.func @transform_7(%arg0: i32) -> (i32, i32) {
    %c0_i32 = arith.constant 0 : i32
    %c0_i32_0 = arith.constant 0 : i32
    %c0_i32_1 = arith.constant 0 : i32
    return %c0_i32, %c0_i32_0 : i32, i32
  }
  func.func @transform_8(%arg0: i32) -> (i32, i32) {
    %c0_i32 = arith.constant 0 : i32
    %c0_i32_0 = arith.constant 0 : i32
    %c0_i32_1 = arith.constant 0 : i32
    return %c0_i32, %c0_i32_0 : i32, i32
  }
  func.func @transform_9(%arg0: i32) -> (i32, i32) {
    %c0_i32 = arith.constant 0 : i32
    %c0_i32_0 = arith.constant 0 : i32
    %c0_i32_1 = arith.constant 0 : i32
    return %c0_i32, %c0_i32_0 : i32, i32
  }
  func.func @transform_10(%arg0: i32) -> (i32, i32) {
    %c0_i32 = arith.constant 0 : i32
    %c0_i32_0 = arith.constant 0 : i32
    return %arg0, %c0_i32 : i32, i32
  }
}

module attributes {stable_mosaic.version = 14 : i64} {
  func.func @body(%arg0: memref<2x10000x128xf32, #tpu.memory_space<vmem>>, %arg1: memref<10000x32xf32, #tpu.memory_space<vmem>>) attributes {dimension_semantics = [], scalar_prefetch = 0 : i64, scratch_operands = 0 : i64, tpu.core_type = #tpu.core_type<tc>} {
    %get3A = arith.constant 0 : index
    %get3A_0 = arith.constant 0 : index
    %get3A_1 = arith.constant 0 : index
    %get3A_2 = vector.load %arg0[%get3A, %get3A_0, %get3A_1] : memref<2x10000x128xf32, #tpu.memory_space<vmem>>, vector<1x10000x128xf32>
    %get3A_3 = vector.shape_cast %get3A_2 : vector<1x10000x128xf32> to vector<10000x128xf32>
    %get3A_4 = arith.constant 1 : index
    %get3A_5 = arith.constant 0 : index
    %get3A_6 = arith.constant 0 : index
    %get3A_7 = vector.load %arg0[%get3A_4, %get3A_5, %get3A_6] : memref<2x10000x128xf32, #tpu.memory_space<vmem>>, vector<1x10000x128xf32>
    %get3A_8 = vector.shape_cast %get3A_7 : vector<1x10000x128xf32> to vector<10000x128xf32>
    %add3A = arith.addf %get3A_3, %get3A_8 : vector<10000x128xf32>
    %slice3A = vector.extract_strided_slice %add3A {offsets = [0, 0], sizes = [10000, 32], strides = [1, 1]} : vector<10000x128xf32> to vector<10000x32xf32>
    %swap3A = arith.constant 0 : index
    %swap3A_9 = arith.constant 0 : index
    %swap3A_10 = vector.load %arg1[%swap3A, %swap3A_9] : memref<10000x32xf32, #tpu.memory_space<vmem>>, vector<10000x32xf32>
    tpu.vector_store %arg1[%swap3A, %swap3A_9], %slice3A {strides = array<i32>} : memref<10000x32xf32, #tpu.memory_space<vmem>>, vector<10000x32xf32>,
    return
  }
}

</mosaic_0001>

<sc_bundles>
// kernel: kernel.13.cloned.1.call-start
scs
__scs_entry_jumppad:
0x0: {  	(pc) =	sbr.rel $0x88, $3  }
0x1: {  	(tag) =	ssettag $0x0;
	lr =	simm.s32 $0x1  }
0x2: {  	[smem:$0x3F97] =	sst lr;
	_ =	strace $0xD0000000  }
0x3: {  	_ = 	snop  }
0x4: {  	_ = 	snop  }
0x5: {  	_ = 	snop  }
0x6: {  	_ = 	snop  }
0x7: {  	_ = 	snop  }
__scs_overlays_trampoline_lowered:
0x8: {  	[smem:$0x3FA6] =	sst s0  }
0x9: {  	[smem:$0x3FA7] =	sst s1  }
0xa: {  	[smem:$0x3FA8] =	sst s2  }
0xb: {  	[smem:$0x3FA9] =	sst s3  }
0xc: {  	[smem:$0x3FAA] =	sst s4  }
0xd: {  	[smem:$0x3FAB] =	sst s5  }
0xe: {  	[smem:$0x3FAC] =	sst s6  }
0xf: {  	[smem:$0x3FAD] =	sst s7  }
0x10: {  	[smem:$0x3FAE] =	sst s8  }
0x11: {  	[smem:$0x3FAF] =	sst s9;
	s0 =	simm.s32 @!p0 $0x0  }
0x12: {  	s1 =	sld [smem:$0x3F95];
	s0 =	simm.s32 @p0 $0x1  }
0x13: {  	[smem:$0x3FB0] =	sst s0;
	s0 =	simm.s32 @!p1 $0x0  }
0x14: {  	s2 =	sld [smem:$0x3F94];
	s0 =	simm.s32 @p1 $0x1  }
0x15: {  	[smem:$0x3FB1] =	sst s0;
	s0 =	simm.s32 @!p2 $0x0  }
0x16: {  	s3 =	sld [smem:$0x3FDB];
	s0 =	simm.s32 @p2 $0x1  }
0x17: {  	s4 =	simm.s32 $0x1BF5;
	[smem:$0x3FB3] =	sst s0  }
0x18: {  	s0 =	sld [smem:$0x3F96];
	_ =	swait.ge [sflag:s4], $0x0  }
0x19: {  	s7 =	sld [smem:$0x3F97]  }
0x1a: {  	s8 =	sadd.s32 $0xFFFFE003, lr  }
0x1b: {  	s9 =	sadd.s32 $0xFFFFFEF7, lr;
	s5 =	simm.s32 $0xFFFFFFFF;
	p2 =	slt.u32 s8, $0xFFFFF086  }
0x1c: {  	p1 =	slt.u32 s9, $0xF7A;
	s5 =	simm.s32 @!p2 $0x0  }
0x1d: {  	s5 =	simm.s32 @p1 $0x1;
	p0 =	seq.s32 s7, s2  }
0x1e: {  	s7 =	smul.u32 @!p0 $0xF7A, s2;
	p2 =	seq.s32 @!p0 s5, $0x0  }
0x1f: {  	s9 =	smul.u32 $0xF7A, s1;
	s8 =	simm.s32 @!p0 $0x1BF5;
	p2 =	por !p2, p0  }
0x20: {  	[sflag:s8] =	ssyncset.s32 @!p0 $0xFFFFF086;
	s6 =	sadd.s32 @!p0 s3, s7;
	s7 =	simm.s32 @!p0 $0x108  }
0x21: {  	s3 =	sadd.s32 s3, s9;
	s6 =	sadd.s32 @!p0 $0x88, s6;
	s7 =	simm.s32 @p2 $0x1082  }
0x22: {  	[simem:s7], [sflag:s8] =	dma.local @!p0 [hbm:s6], $0xF7A  }
0x23: {  	s9 =	sor.u32 $0xD0000000, s2;
	s6 =	simm.s32 $0x108;
	_ =	swait.ge @!p0 [sflag:s8], $0x0  }
0x24: {  	s3 =	sadd.s32 $0x88, s3;
	s6 =	simm.s32 @!p1 $0x1082;
	[sflag:s4] =	ssyncset.s32 $0xFFFFF086  }
0x25: {  	[simem:s6], [sflag:s4] =	dma.local [hbm:s3], $0xF7A  }
0x26: {  	[smem:$0x3F97] =	sst s1;
	(tag) =	ssettag s2;
	_ =	strace s9  }
0x27: {  	s1 =	sld [smem:$0x3FA7]  }
0x28: {  	s2 =	sld [smem:$0x3FA8]  }
0x29: {  	s4 =	sld [smem:$0x3FAA]  }
0x2a: {  	p0 =	seq.s32 s5, $0x0;
	s5 =	sld [smem:$0x3FAB]  }
0x2b: {  	s6 =	sld [smem:$0x3FAC]  }
0x2c: {  	s7 =	sld [smem:$0x3FAD]  }
0x2d: {  	s3 =	simm.s32 $0x108;
	s8 =	sld [smem:$0x3FAE]  }
0x2e: {  	s3 =	simm.s32 @!p0 $0x1082;
	s9 =	sld [smem:$0x3FAF]  }
0x2f: {  	lr =	sadd.s32 s0, s3;
	s0 =	sld [smem:$0x3FA6]  }
0x30: {  	s3 =	sld [smem:$0x3FA9]  }
0x31: {  	[smem:$0x3FB2] =	sst s10  }
0x32: {  	s10 =	sld [smem:$0x3FB0];
	_ =	sdelay $0x3  }
0x33: {  	p0 =	seq.s32 s10, $0x1;
	s10 =	sld [smem:$0x3FB2];
	_ =	sdelay $0x3  }
0x34: {  	[smem:$0x3FB2] =	sst s10  }
0x35: {  	s10 =	sld [smem:$0x3FB1];
	_ =	sdelay $0x3  }
0x36: {  	p1 =	seq.s32 s10, $0x1;
	s10 =	sld [smem:$0x3FB2];
	_ =	sdelay $0x3  }
0x37: {  	[smem:$0x3FB2] =	sst s10  }
0x38: {  	s10 =	sld [smem:$0x3FB3]  }
0x39: {  	_ = 	snop;
	(pc) =	sbr.ind lr, $3  }
0x3a: {  	_ = 	snop  }
0x3b: {  	_ = 	snop  }
0x3c: {  	p2 =	seq.s32 s10, $0x1;
	s10 =	sld [smem:$0x3FB2]  }
0x3d: {  	_ =	shalt  }
0x3e: {  	_ =	shalt  }
0x3f: {  	_ =	shalt  }
0x40: {  	_ =	shalt  }
0x41: {  	_ =	shalt  }
0x42: {  	_ =	shalt  }
0x43: {  	_ =	shalt  }
0x44: {  	_ =	shalt  }
0x45: {  	_ =	shalt  }
0x46: {  	_ =	shalt  }
0x47: {  	_ =	shalt  }
0x48: {  	_ =	shalt  }
0x49: {  	_ =	shalt  }
0x4a: {  	_ =	shalt  }
0x4b: {  	_ =	shalt  }
0x4c: {  	_ =	shalt  }
0x4d: {  	_ =	shalt  }
0x4e: {  	_ =	shalt  }
0x4f: {  	_ =	shalt  }
0x50: {  	_ =	shalt  }
0x51: {  	_ =	shalt  }
0x52: {  	_ =	shalt  }
0x53: {  	_ =	shalt  }
0x54: {  	_ =	shalt  }
0x55: {  	_ =	shalt  }
0x56: {  	_ =	shalt  }
0x57: {  	_ =	shalt  }
0x58: {  	_ =	shalt  }
0x59: {  	_ =	shalt  }
0x5a: {  	_ =	shalt  }
0x5b: {  	_ =	shalt  }
0x5c: {  	_ =	shalt  }
0x5d: {  	_ =	shalt  }
0x5e: {  	_ =	shalt  }
0x5f: {  	_ =	shalt  }
0x60: {  	_ =	shalt  }
0x61: {  	_ =	shalt  }
0x62: {  	_ =	shalt  }
0x63: {  	_ =	shalt  }
0x64: {  	_ =	shalt  }
0x65: {  	_ =	shalt  }
0x66: {  	_ =	shalt  }
0x67: {  	_ =	shalt  }
0x68: {  	_ =	shalt  }
0x69: {  	_ =	shalt  }
0x6a: {  	_ =	shalt  }
0x6b: {  	_ =	shalt  }
0x6c: {  	_ =	shalt  }
0x6d: {  	_ =	shalt  }
0x6e: {  	_ =	shalt  }
0x6f: {  	_ =	shalt  }
0x70: {  	_ =	shalt  }
0x71: {  	_ =	shalt  }
0x72: {  	_ =	shalt  }
0x73: {  	_ =	shalt  }
0x74: {  	_ =	shalt  }
0x75: {  	_ =	shalt  }
0x76: {  	_ =	shalt  }
0x77: {  	_ =	shalt  }
0x78: {  	_ =	shalt  }
0x79: {  	_ =	shalt  }
0x7a: {  	_ =	shalt  }
0x7b: {  	_ =	shalt  }
0x7c: {  	_ =	shalt  }
0x7d: {  	_ =	shalt  }
0x7e: {  	_ =	shalt  }
0x7f: {  	_ =	shalt  }
0x80: {  	_ =	shalt  }
0x81: {  	_ =	shalt  }
0x82: {  	_ =	shalt  }
0x83: {  	_ =	shalt  }
0x84: {  	_ =	shalt  }
0x85: {  	_ =	shalt  }
0x86: {  	_ =	shalt  }
0x87: {  	_ =	shalt  }
.Lfunc_end0:
.L_simem_size_0:
called_computation.3_lowered:
.L_overlay_start_0:
0x88: {  	s2 =	sld [smem:$0x3FD9]  }
0x89: {  	s3 =	sld [smem:$0x3FFE];
	_ =	sdelay $0x1  }
0x8a: {  	s1 =	srdreg.scid  }
0x8b: {  	s0 =	sand.u32 $0x1, s1  }
0x8c: {  	s17 =	sshll.u32 s0, $0xA;
	s2 =	sadd.s32 s3, s2  }
0x8d: {  	s2 =	sadd.s32 s2, s17  }
0x8e: {  	[smem:$0x3FBE] =	sst s2  }
0x8f: {  	_ = 	snop  }
0x90: {  	s2 =	sld [smem:$0x3FD0];
	(tm) =	ssettm $0x1  }
0x91: {  	s18 =	sld [smem:$0x3FFB];
	_ =	sdelay $0x3  }
0x92: {  	_ =	strace s18  }
0x93: {  	s3 =	sld [smem:$0x3FFC];
	_ =	sdelay $0x3  }
0x94: {  	_ =	strace s3  }
0x95: {  	s3 =	sld [smem:$0x3FFD];
	_ =	sdelay $0x3  }
0x96: {  	_ =	strace s3  }
0x97: {  	_ =	strace $0x8FFFFFFF  }
0x98: {  	s19 =	sld [smem:$0x3FDB];
	_ =	sdelay $0x1  }
0x99: {  	s4 =	simm.s32 $_scs_section_size  }
0x9a: {  	s5 =	simm.s32 $_size__tile_overlayer_lowered;
	s6 =	simm.s32 $_tile_overlayer_lowered  }
0x9b: {  	s22 =	simm.s32 $0x1BFF;
	s21 =	sshll.u32 s6, $0x1;
	s3 =	sadd.s32 s4, s19  }
0x9c: {  	s7 =	simm.s32 $0x0;
	s20 =	sshll.u32 s5, $0x1;
	s5 =	sadd.s32 s21, s3  }
0x9d: {  	[timem:s7], [sflag:s22] =	dma.local [hbm:s5], s20  }
0x9e: {  	_ =	swait.ge [sflag:s22], s20  }
0x9f: {  	s4 =	ssub.s32 $0x0, s20;
	[sflag:s22] =	ssyncset.done $0x0  }
0xa0: {  	[sflag:s22] =	ssyncadd.s32 s4;
	_ =	sdelay $0x1  }
0xa1: {  	s23 =	simm.s32 $0x1B8B  }
0xa2: {  	_ =	swait.ge [sflag:s23], $0x1  }
0xa3: {  	[sflag:s23] =	ssyncset.done $0x0  }
0xa4: {  	s25 =	simm.s32 $0x1B8E;
	s24 =	sld [smem:$0x3FFE];
	[sflag:s23] =	ssyncadd.s32 $0xFFFFFFFF  }
0xa5: {  	s26 =	simm.s32 $execute0_lowered;
	[smem:$0x3FD2] =	sst s25  }
0xa6: {  	s5 =	sshll.u32 s26, $0x1;
	_ =	strace $0x8000004F;
	[dreg:$0x1] =	wrdreg $0xFFFFFFFF  }
0xa7: {  	s28 =	simm.s32 $_size_execute0_lowered;
	s3 =	sadd.s32 s3, s5;
	[dreg:$0x0] =	wrdreg $0x0  }
0xa8: {  	s5 =	sshll.u32 s28, $0x1;
	[dreg:$0x2] =	wrdreg s3  }
0xa9: {  	[dreg:$0x3] =	wrdreg s5  }
0xaa: {  	[dreg:$0x4] =	wrdreg $0xC0  }
0xab: {  	_ =	task [dreg:s7], $0x5FFFF  }
0xac: {  	[dreg:$0x1] =	wrdreg $0xFFFFFFFF  }
0xad: {  	[dreg:$0x0] =	wrdreg $0x60  }
0xae: {  	[dreg:$0x2] =	wrdreg s24  }
0xaf: {  	[dreg:$0x3] =	wrdreg s2  }
0xb0: {  	[dreg:$0x4] =	wrdreg $0x41000  }
0xb1: {  	[dreg:$0x5] =	wrdreg $0x9  }
0xb2: {  	_ =	task.clear_ibuf [dreg:s7], $0x6FFFF;
	_ =	strace $0x9000004F  }
0xb3: {  	s29 =	simm.s32 $0x9;
	_ =	strace $0x80000051  }
0xb4: {  	_ =	swait.ge [sflag:s29], $0x1  }
0xb5: {  	[sflag:s29] =	ssyncadd.s32 $0xFFFFFFFF  }
0xb6: {  	_ =	strace $0x90000051  }
0xb7: {  	_ =	sfence  }
0xb8: {  	s30 =	sld [smem:$0x0];
	_ =	sdelay $0x2  }
0xb9: {  	s31 =	sshll.u32 s1, $0xD;
	s1 =	sshrl.u32 s1, $0x2  }
0xba: {  	s3 =	sand.u32 $0x4000, s31;
	s1 =	sadd.s32 s1, s30  }
0xbb: {  	s0 =	sor.u32 s3, s0;
	s1 =	sshll.u32 s1, $0x11  }
0xbc: {  	s0 =	sor.u32 s1, s0  }
0xbd: {  	s0 =	sadd.s32 $0x8F2B, s0  }
0xbe: {  	[sflag:s0] =	ssyncadd.remote.s32 $0x1  }
0xbf: {  	_ =	sfence.sel $0xFFFF  }
0xc0: {  	[dreg:$0x0] =	wrdreg $0xFFFFFFFF;
	(pc) =	sbr.abs _section_cstart, $3  }
0xc1: {  	[dreg:$0x1] =	wrdreg $0xFFFFFFFF  }
0xc2: {  	_ =	task.clear_ibuf [dreg:s7], $0x2FFFF;
	_ =	strace $0x9FFFFFFF  }
0xc3: {  	(tm) =	ssettm $0x7FFFFFFF  }
tec
execute0_lowered:
.L_overlay_start_1:
0x0: {  	(tag) =	ssettag $0x1  }
0x1: {  	s4 =	rddreg [dreg:$0x0]  }
0x2: {  	s8 =	rddreg [dreg:$0x1]  }
0x3: {  	s1 =	rddreg [dreg:$0x2]  }
0x4: {  	s0 =	rddreg [dreg:$0x3];
	s2 =	simm.s32 $0x0;
	s3 =	srdreg.scid  }
0x5: {  	s10 =	stileid.u32;
	[smem:$0x7FF] =	sst s2  }
0x6: {  	s9 =	sand.u32 $0x1, s3;
	s3 =	sadd.s32 $0x17D8400, s4;
	s11 =	sshll.u32 s10, $0x5  }
0x7: {  	p0 =	sne.s32 s10, $0x0;
	_ =	strace $0x80000050;
	s5 =	smul.u32 $0x27100, s9  }
0x8: {  	s6 =	ssub.s32 $0x2, s9;
	s12 =	sadd.s32 s11, s4;
	s9 =	sshll.u32 s9, $0x4  }
0x9: {  	s11 =	sadd.s32 s11, s8;
	s31 =	sshrl.u32 s6, $0x1;
	s12 =	sadd.s32 s9, s12  }
0xa: {  	s9 =	sadd.s32 s9, s11;
	s7 =	sadd.s32 s5, s4;
	s4 =	sadd.s32 $0xA400, s4  }
0xb: {  	s13 =	ssub.s32 s6, s31;
	s5 =	sshll.u32 s10, $0x1;
	s8 =	sadd.s32 $0x5400, s12  }
0xc: {  	s10 =	sshrl.u32 @!p0 s1, $0x3;
	s6 =	sadd.s32 $0x31600, s7;
	s7 =	smax.u32 s13, $0x1  }
.LBB2_1:
0xd: {  	s11 =	simm.s32 @!p0 $0x1C02  }
0xe: {  	[spmem:s10], [sflag:s11] =	dma.local @!p0 [hbm:s4], $0x27180  }
0xf: {  	s11 =	simm.s32 @!p0 $0x2  }
0x10: {  	_ =	swait.ge @!p0 [sflag:s11], $0x27180  }
0x11: {  	p1 =	sgt.u32 s5, $0x4E1;
	[sflag:s11] =	ssyncset.done @!p0 $0x0  }
0x12: {  	s12 =	simm.s32 @!p1 $0x0;
	[sflag:s11] =	ssyncadd.s32 @!p0 $0xFFFD8E80  }
0x13: {  	s13 =	simm.s32 @!p1 $0x3;
	s11 =	sadd.s32 @!p1 $0x0, s9;
	[bflag:$0x0] =	sbarrier.arrive $0xFFFF  }
0x14: {  	[tilespmem:s12], [sflag:$0x3] =	stream.linear.gather @!p1 [hbm4b:s11+s12], $0x80, $0x38;
	[tilespmem:$0x179C0] =	vst v63  }
0x15: {  	_ =	swait.ge @!p1 [sflag:s13], $0x80;
	p1 =	por p1, p1  }
0x16: {  	[sflag:s13] =	ssyncset.done @!p1 $0x0;
	s11 =	simm.s32 @!p1 $0x1  }
0x17: {  	s14 =	simm.s32 @!p1 $0x80;
	s15 =	simm.s32 @!p1 $0x100;
	[sflag:s13] =	ssyncadd.s32 @!p1 $0xFFFFFF80  }
0x18: {  	[tilespmem:s15], [sflag:$0x1] =	stream.indirect.gather @!p1 [hbm4b:s3+s14], $0x80, s12, s14, $0xb8;
	[tilespmem:$0x179C0] =	vst v63  }
0x19: {  	_ =	swait.ge @!p1 [sflag:s11], $0x4000  }
0x1a: {  	[sflag:s11] =	ssyncset.done @!p1 $0x0  }
0x1b: {  	[sflag:s11] =	ssyncadd.s32 @!p1 $0xFFFFC000;
	s11 =	sadd.s32 @!p1 $0x0, s8  }
0x1c: {  	[tilespmem:s14], [sflag:$0x3] =	stream.linear.gather @!p1 [hbm4b:s11+s12], $0x80, $0x38;
	[tilespmem:$0x179C0] =	vst v63  }
0x1d: {  	_ =	swait.ge @!p1 [sflag:s13], $0x80  }
0x1e: {  	[sflag:s13] =	ssyncset.done @!p1 $0x0  }
0x1f: {  	[sflag:s13] =	ssyncadd.s32 @!p1 $0xFFFFFF80  }
0x20: {  	[spmem:s1] =	stream.indirect.scatter.add.f32 @!p1 [tilespmem:s15], [sflag:$0x2], $0x80, s14, s14, $0xb8;
	[tilespmem:$0x179C0] =	vst v63  }
0x21: {  	s11 =	simm.s32 $0x200;
	s12 =	sadd.s32 $0x20, s5;
	s14 =	simm.s32 @!p1 $0x2  }
0x22: {  	p3 =	sgt.u32 s12, $0x4E1;
	s13 =	simm.s32 $0x400;
	_ =	swait.ge @!p1 [sflag:s14], $0x4000  }
.LBB2_2:
0x23: {  	s15 =	sadd.s32 @!p3 s11, s9  }
0x24: {  	s16 =	simm.s32 @!p3 $0x0;
	[sflag:s14] =	ssyncset.done @!p1 $0x0;
	s17 =	smov.u32 s13  }
0x25: {  	s13 =	sadd.s32 $0x200, s13;
	s18 =	simm.s32 @!p3 $0x3;
	[sflag:s14] =	ssyncadd.s32 @!p1 $0xFFFFC000  }
0x26: {  	[tilespmem:s16], [sflag:$0x3] =	stream.linear.gather @!p3 [hbm4b:s15+s16], $0x80, $0x38;
	[tilespmem:$0x179C0] =	vst v63  }
0x27: {  	p2 =	sne.s32 s13, $0x5000;
	p1 =	por p3, p3;
	_ =	swait.ge @!p3 [sflag:s18], $0x80  }
0x28: {  	s14 =	simm.s32 @!p1 $0x1;
	[sflag:s18] =	ssyncset.done @!p1 $0x0  }
0x29: {  	s15 =	simm.s32 @!p1 $0x80;
	s19 =	simm.s32 @!p1 $0x100;
	[sflag:s18] =	ssyncadd.s32 @!p1 $0xFFFFFF80  }
0x2a: {  	[tilespmem:s19], [sflag:$0x1] =	stream.indirect.gather @!p1 [hbm4b:s3+s15], $0x80, s16, s15, $0xb8;
	[tilespmem:$0x179C0] =	vst v63  }
0x2b: {  	_ =	swait.ge @!p1 [sflag:s14], $0x4000  }
0x2c: {  	[sflag:s14] =	ssyncset.done @!p1 $0x0  }
0x2d: {  	[sflag:s14] =	ssyncadd.s32 @!p1 $0xFFFFC000;
	s14 =	sadd.s32 @!p1 s11, s8;
	s11 =	smov.u32 s17  }
0x2e: {  	[tilespmem:s15], [sflag:$0x3] =	stream.linear.gather @!p1 [hbm4b:s14+s16], $0x80, $0x38;
	[tilespmem:$0x179C0] =	vst v63  }
.Ltmp0:
0x2f: {  	_ =	swait.ge @!p1 [sflag:s18], $0x80;
	(pc) =	sbr.rel @p2 .LBB2_2-.Ltmp0, $4  }
0x30: {  	[sflag:s18] =	ssyncset.done @!p1 $0x0  }
0x31: {  	s12 =	sadd.s32 $0x20, s12;
	s14 =	simm.s32 @!p1 $0x2;
	[sflag:s18] =	ssyncadd.s32 @!p1 $0xFFFFFF80  }
0x32: {  	[spmem:s1] =	stream.indirect.scatter.add.f32 @!p1 [tilespmem:s19], [sflag:$0x2], $0x80, s15, s15, $0xb8;
	[tilespmem:$0x179C0] =	vst v63  }
0x33: {  	p3 =	sgt.u32 s12, $0x4E1;
	_ =	swait.ge @!p1 [sflag:s14], $0x4000  }
0x34: {  	s12 =	sadd.s32 @!p3 s11, s9;
	[sflag:s14] =	ssyncset.done @!p1 $0x0  }
0x35: {  	s13 =	simm.s32 @!p3 $0x0;
	s15 =	simm.s32 @!p3 $0x3;
	[sflag:s14] =	ssyncadd.s32 @!p1 $0xFFFFC000  }
0x36: {  	[tilespmem:s13], [sflag:$0x3] =	stream.linear.gather @!p3 [hbm4b:s12+s13], $0x80, $0x38;
	[tilespmem:$0x179C0] =	vst v63  }
0x37: {  	p1 =	por p3, p3;
	_ =	swait.ge @!p3 [sflag:s15], $0x80  }
0x38: {  	s12 =	simm.s32 @!p1 $0x1;
	[sflag:s15] =	ssyncset.done @!p1 $0x0  }
0x39: {  	s14 =	simm.s32 @!p1 $0x80;
	s16 =	simm.s32 @!p1 $0x100;
	[sflag:s15] =	ssyncadd.s32 @!p1 $0xFFFFFF80  }
0x3a: {  	[tilespmem:s16], [sflag:$0x1] =	stream.indirect.gather @!p1 [hbm4b:s3+s14], $0x80, s13, s14, $0xb8;
	[tilespmem:$0x179C0] =	vst v63  }
0x3b: {  	_ =	swait.ge @!p1 [sflag:s12], $0x4000  }
0x3c: {  	[sflag:s12] =	ssyncset.done @!p1 $0x0  }
0x3d: {  	s11 =	sadd.s32 @!p1 s11, s8;
	[sflag:s12] =	ssyncadd.s32 @!p1 $0xFFFFC000  }
0x3e: {  	[tilespmem:s14], [sflag:$0x3] =	stream.linear.gather @!p1 [hbm4b:s11+s13], $0x80, $0x38;
	[tilespmem:$0x179C0] =	vst v63  }
0x3f: {  	_ =	swait.ge @!p1 [sflag:s15], $0x80  }
0x40: {  	[sflag:s15] =	ssyncset.done @!p1 $0x0  }
0x41: {  	s11 =	simm.s32 @!p1 $0x2;
	[sflag:s15] =	ssyncadd.s32 @!p1 $0xFFFFFF80  }
0x42: {  	[spmem:s1] =	stream.indirect.scatter.add.f32 @!p1 [tilespmem:s16], [sflag:$0x2], $0x80, s14, s14, $0xb8;
	[tilespmem:$0x179C0] =	vst v63  }
0x43: {  	_ =	swait.ge @!p1 [sflag:s11], $0x4000  }
0x44: {  	[sflag:s11] =	ssyncset.done @!p1 $0x0  }
0x45: {  	s2 =	sadd.s32 $0x1, s2;
	[sflag:s11] =	ssyncadd.s32 @!p1 $0xFFFFC000  }
0x46: {  	s11 =	simm.s32 @!p0 $0x1C02;
	p1 =	sne.s32 s2, s7;
	[bflag:$0x0] =	sbarrier.arrive $0xFFFF  }
0x47: {  	[hbm:s6], [sflag:s11] =	dma.local @!p0 [spmem:s10], $0x27100  }
.Ltmp1:
0x48: {  	_ = 	snop;
	(pc) =	sbr.rel @p1 .LBB2_1-.Ltmp1, $4  }
0x49: {  	s11 =	simm.s32 @!p0 $0x2  }
0x4a: {  	_ =	swait.ge @!p0 [sflag:s11], $0x27100  }
0x4b: {  	[sflag:s11] =	ssyncset.done @!p0 $0x0  }
0x4c: {  	[sflag:s11] =	ssyncadd.s32 @!p0 $0xFFFD8F00  }
0x4d: {  	_ =	sfence.sel $0x180000  }
0x4e: {  	[bflag:$0x0] =	sbarrier.arrive $0xFFFF  }
0x4f: {  	_ =	strace $0x90000050  }
0x50: {  	s0 =	sadd.s32 @!p0 $0x100000, s0;
	[bflag:$0x2] =	sbarrier.arrive $0xFFFF  }
0x51: {  	[sflag:s0] =	ssyncadd.tile.s32 @!p0 $0x1;
	_ =	shalt  }
.Lfunc_end2:
_tile_overlayer_lowered:
.L_overlay_start_2:
0x52: {  	(tag) =	ssettag $0x2  }
0x53: {  	s0 =	rddreg [dreg:$0x0];
	s2 =	stileid.u32  }
0x54: {  	s1 =	rddreg [dreg:$0x1];
	p0 =	sne.s32 s2, $0x0  }
0x55: {  	s3 =	rddreg [dreg:$0x2];
	[bflag:$0x3] =	sbarrier.arrive $0xFFFF;
	s2 =	simm.s32 @!p0 $0x1C02  }
0x56: {  	[timem:s3], [sflag:s2] =	dma.local @!p0 [hbm:s0], s1  }
0x57: {  	s0 =	simm.s32 @!p0 $0x2  }
0x58: {  	_ =	swait.ge @!p0 [sflag:s0], s1  }
0x59: {  	s1 =	ssub.s32 @!p0 $0x0, s1;
	[sflag:s0] =	ssyncset.done @!p0 $0x0  }
0x5a: {  	[sflag:s0] =	ssyncadd.s32 @!p0 s1  }
0x5b: {  	[bflag:$0x3] =	sbarrier.arrive $0xFFFF  }
0x5c: {  	_ =	shalt  }

// kernel: kernel.16.cloned.1.call-start
scs
__scs_entry_jumppad:
0x0: {  	(pc) =	sbr.rel $0x88, $3  }
0x1: {  	(tag) =	ssettag $0x0;
	lr =	simm.s32 $0x1  }
0x2: {  	[smem:$0x3F97] =	sst lr;
	_ =	strace $0xD0000000  }
0x3: {  	_ = 	snop  }
0x4: {  	_ = 	snop  }
0x5: {  	_ = 	snop  }
0x6: {  	_ = 	snop  }
0x7: {  	_ = 	snop  }
__scs_overlays_trampoline_lowered:
0x8: {  	[smem:$0x3FA6] =	sst s0  }
0x9: {  	[smem:$0x3FA7] =	sst s1  }
0xa: {  	[smem:$0x3FA8] =	sst s2  }
0xb: {  	[smem:$0x3FA9] =	sst s3  }
0xc: {  	[smem:$0x3FAA] =	sst s4  }
0xd: {  	[smem:$0x3FAB] =	sst s5  }
0xe: {  	[smem:$0x3FAC] =	sst s6  }
0xf: {  	[smem:$0x3FAD] =	sst s7  }
0x10: {  	[smem:$0x3FAE] =	sst s8  }
0x11: {  	[smem:$0x3FAF] =	sst s9;
	s0 =	simm.s32 @!p0 $0x0  }
0x12: {  	s1 =	sld [smem:$0x3F95];
	s0 =	simm.s32 @p0 $0x1  }
0x13: {  	[smem:$0x3FB0] =	sst s0;
	s0 =	simm.s32 @!p1 $0x0  }
0x14: {  	s2 =	sld [smem:$0x3F94];
	s0 =	simm.s32 @p1 $0x1  }
0x15: {  	[smem:$0x3FB1] =	sst s0;
	s0 =	simm.s32 @!p2 $0x0  }
0x16: {  	s3 =	sld [smem:$0x3FDB];
	s0 =	simm.s32 @p2 $0x1  }
0x17: {  	s4 =	simm.s32 $0x1BF5;
	[smem:$0x3FB3] =	sst s0  }
0x18: {  	s0 =	sld [smem:$0x3F96];
	_ =	swait.ge [sflag:s4], $0x0  }
0x19: {  	s7 =	sld [smem:$0x3F97]  }
0x1a: {  	s8 =	sadd.s32 $0xFFFFE003, lr  }
0x1b: {  	s9 =	sadd.s32 $0xFFFFFEF7, lr;
	s5 =	simm.s32 $0xFFFFFFFF;
	p2 =	slt.u32 s8, $0xFFFFF086  }
0x1c: {  	p1 =	slt.u32 s9, $0xF7A;
	s5 =	simm.s32 @!p2 $0x0  }
0x1d: {  	s5 =	simm.s32 @p1 $0x1;
	p0 =	seq.s32 s7, s2  }
0x1e: {  	s7 =	smul.u32 @!p0 $0xF7A, s2;
	p2 =	seq.s32 @!p0 s5, $0x0  }
0x1f: {  	s9 =	smul.u32 $0xF7A, s1;
	s8 =	simm.s32 @!p0 $0x1BF5;
	p2 =	por !p2, p0  }
0x20: {  	[sflag:s8] =	ssyncset.s32 @!p0 $0xFFFFF086;
	s6 =	sadd.s32 @!p0 s3, s7;
	s7 =	simm.s32 @!p0 $0x108  }
0x21: {  	s3 =	sadd.s32 s3, s9;
	s6 =	sadd.s32 @!p0 $0x88, s6;
	s7 =	simm.s32 @p2 $0x1082  }
0x22: {  	[simem:s7], [sflag:s8] =	dma.local @!p0 [hbm:s6], $0xF7A  }
0x23: {  	s9 =	sor.u32 $0xD0000000, s2;
	s6 =	simm.s32 $0x108;
	_ =	swait.ge @!p0 [sflag:s8], $0x0  }
0x24: {  	s3 =	sadd.s32 $0x88, s3;
	s6 =	simm.s32 @!p1 $0x1082;
	[sflag:s4] =	ssyncset.s32 $0xFFFFF086  }
0x25: {  	[simem:s6], [sflag:s4] =	dma.local [hbm:s3], $0xF7A  }
0x26: {  	[smem:$0x3F97] =	sst s1;
	(tag) =	ssettag s2;
	_ =	strace s9  }
0x27: {  	s1 =	sld [smem:$0x3FA7]  }
0x28: {  	s2 =	sld [smem:$0x3FA8]  }
0x29: {  	s4 =	sld [smem:$0x3FAA]  }
0x2a: {  	p0 =	seq.s32 s5, $0x0;
	s5 =	sld [smem:$0x3FAB]  }
0x2b: {  	s6 =	sld [smem:$0x3FAC]  }
0x2c: {  	s7 =	sld [smem:$0x3FAD]  }
0x2d: {  	s3 =	simm.s32 $0x108;
	s8 =	sld [smem:$0x3FAE]  }
0x2e: {  	s3 =	simm.s32 @!p0 $0x1082;
	s9 =	sld [smem:$0x3FAF]  }
0x2f: {  	lr =	sadd.s32 s0, s3;
	s0 =	sld [smem:$0x3FA6]  }
0x30: {  	s3 =	sld [smem:$0x3FA9]  }
0x31: {  	[smem:$0x3FB2] =	sst s10  }
0x32: {  	s10 =	sld [smem:$0x3FB0];
	_ =	sdelay $0x3  }
0x33: {  	p0 =	seq.s32 s10, $0x1;
	s10 =	sld [smem:$0x3FB2];
	_ =	sdelay $0x3  }
0x34: {  	[smem:$0x3FB2] =	sst s10  }
0x35: {  	s10 =	sld [smem:$0x3FB1];
	_ =	sdelay $0x3  }
0x36: {  	p1 =	seq.s32 s10, $0x1;
	s10 =	sld [smem:$0x3FB2];
	_ =	sdelay $0x3  }
0x37: {  	[smem:$0x3FB2] =	sst s10  }
0x38: {  	s10 =	sld [smem:$0x3FB3]  }
0x39: {  	_ = 	snop;
	(pc) =	sbr.ind lr, $3  }
0x3a: {  	_ = 	snop  }
0x3b: {  	_ = 	snop  }
0x3c: {  	p2 =	seq.s32 s10, $0x1;
	s10 =	sld [smem:$0x3FB2]  }
0x3d: {  	_ =	shalt  }
0x3e: {  	_ =	shalt  }
0x3f: {  	_ =	shalt  }
0x40: {  	_ =	shalt  }
0x41: {  	_ =	shalt  }
0x42: {  	_ =	shalt  }
0x43: {  	_ =	shalt  }
0x44: {  	_ =	shalt  }
0x45: {  	_ =	shalt  }
0x46: {  	_ =	shalt  }
0x47: {  	_ =	shalt  }
0x48: {  	_ =	shalt  }
0x49: {  	_ =	shalt  }
0x4a: {  	_ =	shalt  }
0x4b: {  	_ =	shalt  }
0x4c: {  	_ =	shalt  }
0x4d: {  	_ =	shalt  }
0x4e: {  	_ =	shalt  }
0x4f: {  	_ =	shalt  }
0x50: {  	_ =	shalt  }
0x51: {  	_ =	shalt  }
0x52: {  	_ =	shalt  }
0x53: {  	_ =	shalt  }
0x54: {  	_ =	shalt  }
0x55: {  	_ =	shalt  }
0x56: {  	_ =	shalt  }
0x57: {  	_ =	shalt  }
0x58: {  	_ =	shalt  }
0x59: {  	_ =	shalt  }
0x5a: {  	_ =	shalt  }
0x5b: {  	_ =	shalt  }
0x5c: {  	_ =	shalt  }
0x5d: {  	_ =	shalt  }
0x5e: {  	_ =	shalt  }
0x5f: {  	_ =	shalt  }
0x60: {  	_ =	shalt  }
0x61: {  	_ =	shalt  }
0x62: {  	_ =	shalt  }
0x63: {  	_ =	shalt  }
0x64: {  	_ =	shalt  }
0x65: {  	_ =	shalt  }
0x66: {  	_ =	shalt  }
0x67: {  	_ =	shalt  }
0x68: {  	_ =	shalt  }
0x69: {  	_ =	shalt  }
0x6a: {  	_ =	shalt  }
0x6b: {  	_ =	shalt  }
0x6c: {  	_ =	shalt  }
0x6d: {  	_ =	shalt  }
0x6e: {  	_ =	shalt  }
0x6f: {  	_ =	shalt  }
0x70: {  	_ =	shalt  }
0x71: {  	_ =	shalt  }
0x72: {  	_ =	shalt  }
0x73: {  	_ =	shalt  }
0x74: {  	_ =	shalt  }
0x75: {  	_ =	shalt  }
0x76: {  	_ =	shalt  }
0x77: {  	_ =	shalt  }
0x78: {  	_ =	shalt  }
0x79: {  	_ =	shalt  }
0x7a: {  	_ =	shalt  }
0x7b: {  	_ =	shalt  }
0x7c: {  	_ =	shalt  }
0x7d: {  	_ =	shalt  }
0x7e: {  	_ =	shalt  }
0x7f: {  	_ =	shalt  }
0x80: {  	_ =	shalt  }
0x81: {  	_ =	shalt  }
0x82: {  	_ =	shalt  }
0x83: {  	_ =	shalt  }
0x84: {  	_ =	shalt  }
0x85: {  	_ =	shalt  }
0x86: {  	_ =	shalt  }
0x87: {  	_ =	shalt  }
.Lfunc_end0:
.L_simem_size_0:
called_computation.4_lowered:
.L_overlay_start_0:
0x88: {  	s2 =	sld [smem:$0x3FD9]  }
0x89: {  	s3 =	sld [smem:$0x3FFE];
	_ =	sdelay $0x1  }
0x8a: {  	s1 =	srdreg.scid  }
0x8b: {  	s0 =	sand.u32 $0x1, s1  }
0x8c: {  	s17 =	sshll.u32 s0, $0xA;
	s2 =	sadd.s32 s3, s2  }
0x8d: {  	s2 =	sadd.s32 s2, s17  }
0x8e: {  	[smem:$0x3FBE] =	sst s2  }
0x8f: {  	_ = 	snop  }
0x90: {  	s2 =	sld [smem:$0x3FD0];
	(tm) =	ssettm $0x1  }
0x91: {  	s18 =	sld [smem:$0x3FFB];
	_ =	sdelay $0x3  }
0x92: {  	_ =	strace s18  }
0x93: {  	s3 =	sld [smem:$0x3FFC];
	_ =	sdelay $0x3  }
0x94: {  	_ =	strace s3  }
0x95: {  	s3 =	sld [smem:$0x3FFD];
	_ =	sdelay $0x3  }
0x96: {  	_ =	strace s3  }
0x97: {  	_ =	strace $0x8FFFFFFF  }
0x98: {  	s19 =	sld [smem:$0x3FDB];
	_ =	sdelay $0x1  }
0x99: {  	s4 =	simm.s32 $_scs_section_size  }
0x9a: {  	s5 =	simm.s32 $_size__tile_overlayer_lowered;
	s6 =	simm.s32 $_tile_overlayer_lowered  }
0x9b: {  	s22 =	simm.s32 $0x1BFF;
	s21 =	sshll.u32 s6, $0x1;
	s3 =	sadd.s32 s4, s19  }
0x9c: {  	s7 =	simm.s32 $0x0;
	s20 =	sshll.u32 s5, $0x1;
	s5 =	sadd.s32 s21, s3  }
0x9d: {  	[timem:s7], [sflag:s22] =	dma.local [hbm:s5], s20  }
0x9e: {  	_ =	swait.ge [sflag:s22], s20  }
0x9f: {  	s4 =	ssub.s32 $0x0, s20;
	[sflag:s22] =	ssyncset.done $0x0  }
0xa0: {  	[sflag:s22] =	ssyncadd.s32 s4;
	_ =	sdelay $0x1  }
0xa1: {  	s23 =	simm.s32 $0x1B8B  }
0xa2: {  	_ =	swait.ge [sflag:s23], $0x1  }
0xa3: {  	[sflag:s23] =	ssyncset.done $0x0  }
0xa4: {  	s25 =	simm.s32 $0x1B8E;
	s24 =	sld [smem:$0x3FFE];
	[sflag:s23] =	ssyncadd.s32 $0xFFFFFFFF  }
0xa5: {  	s26 =	simm.s32 $execute0_lowered;
	[smem:$0x3FD2] =	sst s25  }
0xa6: {  	s5 =	sshll.u32 s26, $0x1;
	_ =	strace $0x80000052;
	[dreg:$0x1] =	wrdreg $0xFFFFFFFF  }
0xa7: {  	s28 =	simm.s32 $_size_execute0_lowered;
	s3 =	sadd.s32 s3, s5;
	[dreg:$0x0] =	wrdreg $0x0  }
0xa8: {  	s5 =	sshll.u32 s28, $0x1;
	[dreg:$0x2] =	wrdreg s3  }
0xa9: {  	[dreg:$0x3] =	wrdreg s5  }
0xaa: {  	[dreg:$0x4] =	wrdreg $0xC0  }
0xab: {  	_ =	task [dreg:s7], $0x5FFFF  }
0xac: {  	[dreg:$0x1] =	wrdreg $0xFFFFFFFF  }
0xad: {  	[dreg:$0x0] =	wrdreg $0x60  }
0xae: {  	[dreg:$0x2] =	wrdreg s24  }
0xaf: {  	[dreg:$0x3] =	wrdreg s2  }
0xb0: {  	[dreg:$0x4] =	wrdreg $0x41000  }
0xb1: {  	[dreg:$0x5] =	wrdreg $0x9  }
0xb2: {  	_ =	task.clear_ibuf [dreg:s7], $0x6FFFF;
	_ =	strace $0x90000052  }
0xb3: {  	s29 =	simm.s32 $0x9;
	_ =	strace $0x80000054  }
0xb4: {  	_ =	swait.ge [sflag:s29], $0x1  }
0xb5: {  	[sflag:s29] =	ssyncadd.s32 $0xFFFFFFFF  }
0xb6: {  	_ =	strace $0x90000054  }
0xb7: {  	_ =	sfence  }
0xb8: {  	s30 =	sld [smem:$0x0];
	_ =	sdelay $0x2  }
0xb9: {  	s31 =	sshll.u32 s1, $0xD;
	s1 =	sshrl.u32 s1, $0x2  }
0xba: {  	s3 =	sand.u32 $0x4000, s31;
	s1 =	sadd.s32 s1, s30  }
0xbb: {  	s0 =	sor.u32 s3, s0;
	s1 =	sshll.u32 s1, $0x11  }
0xbc: {  	s0 =	sor.u32 s1, s0  }
0xbd: {  	s0 =	sadd.s32 $0x8F2B, s0  }
0xbe: {  	[sflag:s0] =	ssyncadd.remote.s32 $0x1  }
0xbf: {  	_ =	sfence.sel $0xFFFF  }
0xc0: {  	[dreg:$0x0] =	wrdreg $0xFFFFFFFF;
	(pc) =	sbr.abs _section_cstart, $3  }
0xc1: {  	[dreg:$0x1] =	wrdreg $0xFFFFFFFF  }
0xc2: {  	_ =	task.clear_ibuf [dreg:s7], $0x2FFFF;
	_ =	strace $0x9FFFFFFF  }
0xc3: {  	(tm) =	ssettm $0x7FFFFFFF  }
tec
execute0_lowered:
.L_overlay_start_1:
0x0: {  	(tag) =	ssettag $0x1  }
0x1: {  	s4 =	rddreg [dreg:$0x0]  }
0x2: {  	s8 =	rddreg [dreg:$0x1]  }
0x3: {  	s1 =	rddreg [dreg:$0x2]  }
0x4: {  	s0 =	rddreg [dreg:$0x3];
	s2 =	simm.s32 $0x0;
	s3 =	srdreg.scid  }
0x5: {  	s10 =	stileid.u32;
	[smem:$0x7FF] =	sst s2  }
0x6: {  	s9 =	sand.u32 $0x1, s3;
	s3 =	sadd.s32 $0x31600, s4;
	s11 =	sshll.u32 s10, $0x5  }
0x7: {  	p0 =	sne.s32 s10, $0x0;
	_ =	strace $0x80000053;
	s5 =	smul.u32 $0x27100, s9  }
0x8: {  	s6 =	ssub.s32 $0x2, s9;
	s12 =	sadd.s32 s11, s4;
	s9 =	sshll.u32 s9, $0x4  }
0x9: {  	s11 =	sadd.s32 s11, s8;
	s31 =	sshrl.u32 s6, $0x1;
	s12 =	sadd.s32 s9, s12  }
0xa: {  	s9 =	sadd.s32 s9, s11;
	s7 =	sadd.s32 s5, s4;
	s4 =	sadd.s32 $0xA400, s4  }
0xb: {  	s13 =	ssub.s32 s6, s31;
	s5 =	sshll.u32 s10, $0x1;
	s8 =	sadd.s32 $0x5400, s12  }
0xc: {  	s10 =	sshrl.u32 @!p0 s1, $0x3;
	s6 =	sadd.s32 $0x80000, s7;
	s7 =	smax.u32 s13, $0x1  }
.LBB2_1:
0xd: {  	s11 =	simm.s32 @!p0 $0x1C02  }
0xe: {  	[spmem:s10], [sflag:s11] =	dma.local @!p0 [hbm:s4], $0x27180  }
0xf: {  	s11 =	simm.s32 @!p0 $0x2  }
0x10: {  	_ =	swait.ge @!p0 [sflag:s11], $0x27180  }
0x11: {  	p1 =	sgt.u32 s5, $0x4E1;
	[sflag:s11] =	ssyncset.done @!p0 $0x0  }
0x12: {  	s12 =	simm.s32 @!p1 $0x0;
	[sflag:s11] =	ssyncadd.s32 @!p0 $0xFFFD8E80  }
0x13: {  	s13 =	simm.s32 @!p1 $0x3;
	s11 =	sadd.s32 @!p1 $0x0, s9;
	[bflag:$0x0] =	sbarrier.arrive $0xFFFF  }
0x14: {  	[tilespmem:s12], [sflag:$0x3] =	stream.linear.gather @!p1 [hbm4b:s11+s12], $0x80, $0x38;
	[tilespmem:$0x179C0] =	vst v63  }
0x15: {  	_ =	swait.ge @!p1 [sflag:s13], $0x80;
	p1 =	por p1, p1  }
0x16: {  	[sflag:s13] =	ssyncset.done @!p1 $0x0;
	s11 =	simm.s32 @!p1 $0x1  }
0x17: {  	s14 =	simm.s32 @!p1 $0x80;
	s15 =	simm.s32 @!p1 $0x100;
	[sflag:s13] =	ssyncadd.s32 @!p1 $0xFFFFFF80  }
0x18: {  	[tilespmem:s15], [sflag:$0x1] =	stream.indirect.gather @!p1 [hbm4b:s3+s14], $0x80, s12, s14, $0xb8;
	[tilespmem:$0x179C0] =	vst v63  }
0x19: {  	_ =	swait.ge @!p1 [sflag:s11], $0x4000  }
0x1a: {  	[sflag:s11] =	ssyncset.done @!p1 $0x0  }
0x1b: {  	[sflag:s11] =	ssyncadd.s32 @!p1 $0xFFFFC000;
	s11 =	sadd.s32 @!p1 $0x0, s8  }
0x1c: {  	[tilespmem:s14], [sflag:$0x3] =	stream.linear.gather @!p1 [hbm4b:s11+s12], $0x80, $0x38;
	[tilespmem:$0x179C0] =	vst v63  }
0x1d: {  	_ =	swait.ge @!p1 [sflag:s13], $0x80  }
0x1e: {  	[sflag:s13] =	ssyncset.done @!p1 $0x0  }
0x1f: {  	[sflag:s13] =	ssyncadd.s32 @!p1 $0xFFFFFF80  }
0x20: {  	[spmem:s1] =	stream.indirect.scatter.add.f32 @!p1 [tilespmem:s15], [sflag:$0x2], $0x80, s14, s14, $0xb8;
	[tilespmem:$0x179C0] =	vst v63  }
0x21: {  	s11 =	simm.s32 $0x200;
	s12 =	sadd.s32 $0x20, s5;
	s14 =	simm.s32 @!p1 $0x2  }
0x22: {  	p3 =	sgt.u32 s12, $0x4E1;
	s13 =	simm.s32 $0x400;
	_ =	swait.ge @!p1 [sflag:s14], $0x4000  }
.LBB2_2:
0x23: {  	s15 =	sadd.s32 @!p3 s11, s9  }
0x24: {  	s16 =	simm.s32 @!p3 $0x0;
	[sflag:s14] =	ssyncset.done @!p1 $0x0;
	s17 =	smov.u32 s13  }
0x25: {  	s13 =	sadd.s32 $0x200, s13;
	s18 =	simm.s32 @!p3 $0x3;
	[sflag:s14] =	ssyncadd.s32 @!p1 $0xFFFFC000  }
0x26: {  	[tilespmem:s16], [sflag:$0x3] =	stream.linear.gather @!p3 [hbm4b:s15+s16], $0x80, $0x38;
	[tilespmem:$0x179C0] =	vst v63  }
0x27: {  	p2 =	sne.s32 s13, $0x5000;
	p1 =	por p3, p3;
	_ =	swait.ge @!p3 [sflag:s18], $0x80  }
0x28: {  	s14 =	simm.s32 @!p1 $0x1;
	[sflag:s18] =	ssyncset.done @!p1 $0x0  }
0x29: {  	s15 =	simm.s32 @!p1 $0x80;
	s19 =	simm.s32 @!p1 $0x100;
	[sflag:s18] =	ssyncadd.s32 @!p1 $0xFFFFFF80  }
0x2a: {  	[tilespmem:s19], [sflag:$0x1] =	stream.indirect.gather @!p1 [hbm4b:s3+s15], $0x80, s16, s15, $0xb8;
	[tilespmem:$0x179C0] =	vst v63  }
0x2b: {  	_ =	swait.ge @!p1 [sflag:s14], $0x4000  }
0x2c: {  	[sflag:s14] =	ssyncset.done @!p1 $0x0  }
0x2d: {  	[sflag:s14] =	ssyncadd.s32 @!p1 $0xFFFFC000;
	s14 =	sadd.s32 @!p1 s11, s8;
	s11 =	smov.u32 s17  }
0x2e: {  	[tilespmem:s15], [sflag:$0x3] =	stream.linear.gather @!p1 [hbm4b:s14+s16], $0x80, $0x38;
	[tilespmem:$0x179C0] =	vst v63  }
.Ltmp0:
0x2f: {  	_ =	swait.ge @!p1 [sflag:s18], $0x80;
	(pc) =	sbr.rel @p2 .LBB2_2-.Ltmp0, $4  }
0x30: {  	[sflag:s18] =	ssyncset.done @!p1 $0x0  }
0x31: {  	s12 =	sadd.s32 $0x20, s12;
	s14 =	simm.s32 @!p1 $0x2;
	[sflag:s18] =	ssyncadd.s32 @!p1 $0xFFFFFF80  }
0x32: {  	[spmem:s1] =	stream.indirect.scatter.add.f32 @!p1 [tilespmem:s19], [sflag:$0x2], $0x80, s15, s15, $0xb8;
	[tilespmem:$0x179C0] =	vst v63  }
0x33: {  	p3 =	sgt.u32 s12, $0x4E1;
	_ =	swait.ge @!p1 [sflag:s14], $0x4000  }
0x34: {  	s12 =	sadd.s32 @!p3 s11, s9;
	[sflag:s14] =	ssyncset.done @!p1 $0x0  }
0x35: {  	s13 =	simm.s32 @!p3 $0x0;
	s15 =	simm.s32 @!p3 $0x3;
	[sflag:s14] =	ssyncadd.s32 @!p1 $0xFFFFC000  }
0x36: {  	[tilespmem:s13], [sflag:$0x3] =	stream.linear.gather @!p3 [hbm4b:s12+s13], $0x80, $0x38;
	[tilespmem:$0x179C0] =	vst v63  }
0x37: {  	p1 =	por p3, p3;
	_ =	swait.ge @!p3 [sflag:s15], $0x80  }
0x38: {  	s12 =	simm.s32 @!p1 $0x1;
	[sflag:s15] =	ssyncset.done @!p1 $0x0  }
0x39: {  	s14 =	simm.s32 @!p1 $0x80;
	s16 =	simm.s32 @!p1 $0x100;
	[sflag:s15] =	ssyncadd.s32 @!p1 $0xFFFFFF80  }
0x3a: {  	[tilespmem:s16], [sflag:$0x1] =	stream.indirect.gather @!p1 [hbm4b:s3+s14], $0x80, s13, s14, $0xb8;
	[tilespmem:$0x179C0] =	vst v63  }
0x3b: {  	_ =	swait.ge @!p1 [sflag:s12], $0x4000  }
0x3c: {  	[sflag:s12] =	ssyncset.done @!p1 $0x0  }
0x3d: {  	s11 =	sadd.s32 @!p1 s11, s8;
	[sflag:s12] =	ssyncadd.s32 @!p1 $0xFFFFC000  }
0x3e: {  	[tilespmem:s14], [sflag:$0x3] =	stream.linear.gather @!p1 [hbm4b:s11+s13], $0x80, $0x38;
	[tilespmem:$0x179C0] =	vst v63  }
0x3f: {  	_ =	swait.ge @!p1 [sflag:s15], $0x80  }
0x40: {  	[sflag:s15] =	ssyncset.done @!p1 $0x0  }
0x41: {  	s11 =	simm.s32 @!p1 $0x2;
	[sflag:s15] =	ssyncadd.s32 @!p1 $0xFFFFFF80  }
0x42: {  	[spmem:s1] =	stream.indirect.scatter.add.f32 @!p1 [tilespmem:s16], [sflag:$0x2], $0x80, s14, s14, $0xb8;
	[tilespmem:$0x179C0] =	vst v63  }
0x43: {  	_ =	swait.ge @!p1 [sflag:s11], $0x4000  }
0x44: {  	[sflag:s11] =	ssyncset.done @!p1 $0x0  }
0x45: {  	s2 =	sadd.s32 $0x1, s2;
	[sflag:s11] =	ssyncadd.s32 @!p1 $0xFFFFC000  }
0x46: {  	s11 =	simm.s32 @!p0 $0x1C02;
	p1 =	sne.s32 s2, s7;
	[bflag:$0x0] =	sbarrier.arrive $0xFFFF  }
0x47: {  	[hbm:s6], [sflag:s11] =	dma.local @!p0 [spmem:s10], $0x27100  }
.Ltmp1:
0x48: {  	_ = 	snop;
	(pc) =	sbr.rel @p1 .LBB2_1-.Ltmp1, $4  }
0x49: {  	s11 =	simm.s32 @!p0 $0x2  }
0x4a: {  	_ =	swait.ge @!p0 [sflag:s11], $0x27100  }
0x4b: {  	[sflag:s11] =	ssyncset.done @!p0 $0x0  }
0x4c: {  	[sflag:s11] =	ssyncadd.s32 @!p0 $0xFFFD8F00  }
0x4d: {  	_ =	sfence.sel $0x180000  }
0x4e: {  	[bflag:$0x0] =	sbarrier.arrive $0xFFFF  }
0x4f: {  	_ =	strace $0x90000053  }
0x50: {  	s0 =	sadd.s32 @!p0 $0x100000, s0;
	[bflag:$0x2] =	sbarrier.arrive $0xFFFF  }
0x51: {  	[sflag:s0] =	ssyncadd.tile.s32 @!p0 $0x1;
	_ =	shalt  }
.Lfunc_end2:
_tile_overlayer_lowered:
.L_overlay_start_2:
0x52: {  	(tag) =	ssettag $0x2  }
0x53: {  	s0 =	rddreg [dreg:$0x0];
	s2 =	stileid.u32  }
0x54: {  	s1 =	rddreg [dreg:$0x1];
	p0 =	sne.s32 s2, $0x0  }
0x55: {  	s3 =	rddreg [dreg:$0x2];
	[bflag:$0x3] =	sbarrier.arrive $0xFFFF;
	s2 =	simm.s32 @!p0 $0x1C02  }
0x56: {  	[timem:s3], [sflag:s2] =	dma.local @!p0 [hbm:s0], s1  }
0x57: {  	s0 =	simm.s32 @!p0 $0x2  }
0x58: {  	_ =	swait.ge @!p0 [sflag:s0], s1  }
0x59: {  	s1 =	ssub.s32 @!p0 $0x0, s1;
	[sflag:s0] =	ssyncset.done @!p0 $0x0  }
0x5a: {  	[sflag:s0] =	ssyncadd.s32 @!p0 s1  }
0x5b: {  	[bflag:$0x3] =	sbarrier.arrive $0xFFFF  }
0x5c: {  	_ =	shalt  }

// kernel: kernel.19.cloned.1.call-start
scs
__scs_entry_jumppad:
0x0: {  	(pc) =	sbr.rel $0x88, $3  }
0x1: {  	(tag) =	ssettag $0x0;
	lr =	simm.s32 $0x1  }
0x2: {  	[smem:$0x3F97] =	sst lr;
	_ =	strace $0xD0000000  }
0x3: {  	_ = 	snop  }
0x4: {  	_ = 	snop  }
0x5: {  	_ = 	snop  }
0x6: {  	_ = 	snop  }
0x7: {  	_ = 	snop  }
__scs_overlays_trampoline_lowered:
0x8: {  	[smem:$0x3FA6] =	sst s0  }
0x9: {  	[smem:$0x3FA7] =	sst s1  }
0xa: {  	[smem:$0x3FA8] =	sst s2  }
0xb: {  	[smem:$0x3FA9] =	sst s3  }
0xc: {  	[smem:$0x3FAA] =	sst s4  }
0xd: {  	[smem:$0x3FAB] =	sst s5  }
0xe: {  	[smem:$0x3FAC] =	sst s6  }
0xf: {  	[smem:$0x3FAD] =	sst s7  }
0x10: {  	[smem:$0x3FAE] =	sst s8  }
0x11: {  	[smem:$0x3FAF] =	sst s9;
	s0 =	simm.s32 @!p0 $0x0  }
0x12: {  	s1 =	sld [smem:$0x3F95];
	s0 =	simm.s32 @p0 $0x1  }
0x13: {  	[smem:$0x3FB0] =	sst s0;
	s0 =	simm.s32 @!p1 $0x0  }
0x14: {  	s2 =	sld [smem:$0x3F94];
	s0 =	simm.s32 @p1 $0x1  }
0x15: {  	[smem:$0x3FB1] =	sst s0;
	s0 =	simm.s32 @!p2 $0x0  }
0x16: {  	s3 =	sld [smem:$0x3FDB];
	s0 =	simm.s32 @p2 $0x1  }
0x17: {  	s4 =	simm.s32 $0x1BF5;
	[smem:$0x3FB3] =	sst s0  }
0x18: {  	s0 =	sld [smem:$0x3F96];
	_ =	swait.ge [sflag:s4], $0x0  }
0x19: {  	s7 =	sld [smem:$0x3F97]  }
0x1a: {  	s8 =	sadd.s32 $0xFFFFE003, lr  }
0x1b: {  	s9 =	sadd.s32 $0xFFFFFEF7, lr;
	s5 =	simm.s32 $0xFFFFFFFF;
	p2 =	slt.u32 s8, $0xFFFFF086  }
0x1c: {  	p1 =	slt.u32 s9, $0xF7A;
	s5 =	simm.s32 @!p2 $0x0  }
0x1d: {  	s5 =	simm.s32 @p1 $0x1;
	p0 =	seq.s32 s7, s2  }
0x1e: {  	s7 =	smul.u32 @!p0 $0xF7A, s2;
	p2 =	seq.s32 @!p0 s5, $0x0  }
0x1f: {  	s9 =	smul.u32 $0xF7A, s1;
	s8 =	simm.s32 @!p0 $0x1BF5;
	p2 =	por !p2, p0  }
0x20: {  	[sflag:s8] =	ssyncset.s32 @!p0 $0xFFFFF086;
	s6 =	sadd.s32 @!p0 s3, s7;
	s7 =	simm.s32 @!p0 $0x108  }
0x21: {  	s3 =	sadd.s32 s3, s9;
	s6 =	sadd.s32 @!p0 $0x88, s6;
	s7 =	simm.s32 @p2 $0x1082  }
0x22: {  	[simem:s7], [sflag:s8] =	dma.local @!p0 [hbm:s6], $0xF7A  }
0x23: {  	s9 =	sor.u32 $0xD0000000, s2;
	s6 =	simm.s32 $0x108;
	_ =	swait.ge @!p0 [sflag:s8], $0x0  }
0x24: {  	s3 =	sadd.s32 $0x88, s3;
	s6 =	simm.s32 @!p1 $0x1082;
	[sflag:s4] =	ssyncset.s32 $0xFFFFF086  }
0x25: {  	[simem:s6], [sflag:s4] =	dma.local [hbm:s3], $0xF7A  }
0x26: {  	[smem:$0x3F97] =	sst s1;
	(tag) =	ssettag s2;
	_ =	strace s9  }
0x27: {  	s1 =	sld [smem:$0x3FA7]  }
0x28: {  	s2 =	sld [smem:$0x3FA8]  }
0x29: {  	s4 =	sld [smem:$0x3FAA]  }
0x2a: {  	p0 =	seq.s32 s5, $0x0;
	s5 =	sld [smem:$0x3FAB]  }
0x2b: {  	s6 =	sld [smem:$0x3FAC]  }
0x2c: {  	s7 =	sld [smem:$0x3FAD]  }
0x2d: {  	s3 =	simm.s32 $0x108;
	s8 =	sld [smem:$0x3FAE]  }
0x2e: {  	s3 =	simm.s32 @!p0 $0x1082;
	s9 =	sld [smem:$0x3FAF]  }
0x2f: {  	lr =	sadd.s32 s0, s3;
	s0 =	sld [smem:$0x3FA6]  }
0x30: {  	s3 =	sld [smem:$0x3FA9]  }
0x31: {  	[smem:$0x3FB2] =	sst s10  }
0x32: {  	s10 =	sld [smem:$0x3FB0];
	_ =	sdelay $0x3  }
0x33: {  	p0 =	seq.s32 s10, $0x1;
	s10 =	sld [smem:$0x3FB2];
	_ =	sdelay $0x3  }
0x34: {  	[smem:$0x3FB2] =	sst s10  }
0x35: {  	s10 =	sld [smem:$0x3FB1];
	_ =	sdelay $0x3  }
0x36: {  	p1 =	seq.s32 s10, $0x1;
	s10 =	sld [smem:$0x3FB2];
	_ =	sdelay $0x3  }
0x37: {  	[smem:$0x3FB2] =	sst s10  }
0x38: {  	s10 =	sld [smem:$0x3FB3]  }
0x39: {  	_ = 	snop;
	(pc) =	sbr.ind lr, $3  }
0x3a: {  	_ = 	snop  }
0x3b: {  	_ = 	snop  }
0x3c: {  	p2 =	seq.s32 s10, $0x1;
	s10 =	sld [smem:$0x3FB2]  }
0x3d: {  	_ =	shalt  }
0x3e: {  	_ =	shalt  }
0x3f: {  	_ =	shalt  }
0x40: {  	_ =	shalt  }
0x41: {  	_ =	shalt  }
0x42: {  	_ =	shalt  }
0x43: {  	_ =	shalt  }
0x44: {  	_ =	shalt  }
0x45: {  	_ =	shalt  }
0x46: {  	_ =	shalt  }
0x47: {  	_ =	shalt  }
0x48: {  	_ =	shalt  }
0x49: {  	_ =	shalt  }
0x4a: {  	_ =	shalt  }
0x4b: {  	_ =	shalt  }
0x4c: {  	_ =	shalt  }
0x4d: {  	_ =	shalt  }
0x4e: {  	_ =	shalt  }
0x4f: {  	_ =	shalt  }
0x50: {  	_ =	shalt  }
0x51: {  	_ =	shalt  }
0x52: {  	_ =	shalt  }
0x53: {  	_ =	shalt  }
0x54: {  	_ =	shalt  }
0x55: {  	_ =	shalt  }
0x56: {  	_ =	shalt  }
0x57: {  	_ =	shalt  }
0x58: {  	_ =	shalt  }
0x59: {  	_ =	shalt  }
0x5a: {  	_ =	shalt  }
0x5b: {  	_ =	shalt  }
0x5c: {  	_ =	shalt  }
0x5d: {  	_ =	shalt  }
0x5e: {  	_ =	shalt  }
0x5f: {  	_ =	shalt  }
0x60: {  	_ =	shalt  }
0x61: {  	_ =	shalt  }
0x62: {  	_ =	shalt  }
0x63: {  	_ =	shalt  }
0x64: {  	_ =	shalt  }
0x65: {  	_ =	shalt  }
0x66: {  	_ =	shalt  }
0x67: {  	_ =	shalt  }
0x68: {  	_ =	shalt  }
0x69: {  	_ =	shalt  }
0x6a: {  	_ =	shalt  }
0x6b: {  	_ =	shalt  }
0x6c: {  	_ =	shalt  }
0x6d: {  	_ =	shalt  }
0x6e: {  	_ =	shalt  }
0x6f: {  	_ =	shalt  }
0x70: {  	_ =	shalt  }
0x71: {  	_ =	shalt  }
0x72: {  	_ =	shalt  }
0x73: {  	_ =	shalt  }
0x74: {  	_ =	shalt  }
0x75: {  	_ =	shalt  }
0x76: {  	_ =	shalt  }
0x77: {  	_ =	shalt  }
0x78: {  	_ =	shalt  }
0x79: {  	_ =	shalt  }
0x7a: {  	_ =	shalt  }
0x7b: {  	_ =	shalt  }
0x7c: {  	_ =	shalt  }
0x7d: {  	_ =	shalt  }
0x7e: {  	_ =	shalt  }
0x7f: {  	_ =	shalt  }
0x80: {  	_ =	shalt  }
0x81: {  	_ =	shalt  }
0x82: {  	_ =	shalt  }
0x83: {  	_ =	shalt  }
0x84: {  	_ =	shalt  }
0x85: {  	_ =	shalt  }
0x86: {  	_ =	shalt  }
0x87: {  	_ =	shalt  }
.Lfunc_end0:
.L_simem_size_0:
called_computation.5_lowered:
.L_overlay_start_0:
0x88: {  	s2 =	sld [smem:$0x3FD9]  }
0x89: {  	s3 =	sld [smem:$0x3FFE];
	_ =	sdelay $0x1  }
0x8a: {  	s1 =	srdreg.scid  }
0x8b: {  	s0 =	sand.u32 $0x1, s1  }
0x8c: {  	s17 =	sshll.u32 s0, $0xA;
	s2 =	sadd.s32 s3, s2  }
0x8d: {  	s2 =	sadd.s32 s2, s17  }
0x8e: {  	[smem:$0x3FBE] =	sst s2  }
0x8f: {  	_ = 	snop  }
0x90: {  	s2 =	sld [smem:$0x3FD0];
	(tm) =	ssettm $0x1  }
0x91: {  	s18 =	sld [smem:$0x3FFB];
	_ =	sdelay $0x3  }
0x92: {  	_ =	strace s18  }
0x93: {  	s3 =	sld [smem:$0x3FFC];
	_ =	sdelay $0x3  }
0x94: {  	_ =	strace s3  }
0x95: {  	s3 =	sld [smem:$0x3FFD];
	_ =	sdelay $0x3  }
0x96: {  	_ =	strace s3  }
0x97: {  	_ =	strace $0x8FFFFFFF  }
0x98: {  	s19 =	sld [smem:$0x3FDB];
	_ =	sdelay $0x1  }
0x99: {  	s4 =	simm.s32 $_scs_section_size  }
0x9a: {  	s5 =	simm.s32 $_size__tile_overlayer_lowered;
	s6 =	simm.s32 $_tile_overlayer_lowered  }
0x9b: {  	s22 =	simm.s32 $0x1BFF;
	s21 =	sshll.u32 s6, $0x1;
	s3 =	sadd.s32 s4, s19  }
0x9c: {  	s7 =	simm.s32 $0x0;
	s20 =	sshll.u32 s5, $0x1;
	s5 =	sadd.s32 s21, s3  }
0x9d: {  	[timem:s7], [sflag:s22] =	dma.local [hbm:s5], s20  }
0x9e: {  	_ =	swait.ge [sflag:s22], s20  }
0x9f: {  	s4 =	ssub.s32 $0x0, s20;
	[sflag:s22] =	ssyncset.done $0x0  }
0xa0: {  	[sflag:s22] =	ssyncadd.s32 s4;
	_ =	sdelay $0x1  }
0xa1: {  	s23 =	simm.s32 $0x1B8B  }
0xa2: {  	_ =	swait.ge [sflag:s23], $0x1  }
0xa3: {  	[sflag:s23] =	ssyncset.done $0x0  }
0xa4: {  	s25 =	simm.s32 $0x1B8E;
	s24 =	sld [smem:$0x3FFE];
	[sflag:s23] =	ssyncadd.s32 $0xFFFFFFFF  }
0xa5: {  	s26 =	simm.s32 $execute0_lowered;
	[smem:$0x3FD2] =	sst s25  }
0xa6: {  	s5 =	sshll.u32 s26, $0x1;
	_ =	strace $0x80000055;
	[dreg:$0x1] =	wrdreg $0xFFFFFFFF  }
0xa7: {  	s28 =	simm.s32 $_size_execute0_lowered;
	s3 =	sadd.s32 s3, s5;
	[dreg:$0x0] =	wrdreg $0x0  }
0xa8: {  	s5 =	sshll.u32 s28, $0x1;
	[dreg:$0x2] =	wrdreg s3  }
0xa9: {  	[dreg:$0x3] =	wrdreg s5  }
0xaa: {  	[dreg:$0x4] =	wrdreg $0xC0  }
0xab: {  	_ =	task [dreg:s7], $0x5FFFF  }
0xac: {  	[dreg:$0x1] =	wrdreg $0xFFFFFFFF  }
0xad: {  	[dreg:$0x0] =	wrdreg $0x60  }
0xae: {  	[dreg:$0x2] =	wrdreg s24  }
0xaf: {  	[dreg:$0x3] =	wrdreg s2  }
0xb0: {  	[dreg:$0x4] =	wrdreg $0x40800  }
0xb1: {  	[dreg:$0x5] =	wrdreg $0x9  }
0xb2: {  	_ =	task.clear_ibuf [dreg:s7], $0x6FFFF;
	_ =	strace $0x90000055  }
0xb3: {  	s29 =	simm.s32 $0x9;
	_ =	strace $0x80000057  }
0xb4: {  	_ =	swait.ge [sflag:s29], $0x1  }
0xb5: {  	[sflag:s29] =	ssyncadd.s32 $0xFFFFFFFF  }
0xb6: {  	_ =	strace $0x90000057  }
0xb7: {  	_ =	sfence  }
0xb8: {  	s30 =	sld [smem:$0x0];
	_ =	sdelay $0x2  }
0xb9: {  	s31 =	sshll.u32 s1, $0xD;
	s1 =	sshrl.u32 s1, $0x2  }
0xba: {  	s3 =	sand.u32 $0x4000, s31;
	s1 =	sadd.s32 s1, s30  }
0xbb: {  	s0 =	sor.u32 s3, s0;
	s1 =	sshll.u32 s1, $0x11  }
0xbc: {  	s0 =	sor.u32 s1, s0  }
0xbd: {  	s0 =	sadd.s32 $0x8F2B, s0  }
0xbe: {  	[sflag:s0] =	ssyncadd.remote.s32 $0x1  }
0xbf: {  	_ =	sfence.sel $0xFFFF  }
0xc0: {  	[dreg:$0x0] =	wrdreg $0xFFFFFFFF;
	(pc) =	sbr.abs _section_cstart, $3  }
0xc1: {  	[dreg:$0x1] =	wrdreg $0xFFFFFFFF  }
0xc2: {  	_ =	task.clear_ibuf [dreg:s7], $0x2FFFF;
	_ =	strace $0x9FFFFFFF  }
0xc3: {  	(tm) =	ssettm $0x7FFFFFFF  }
tec
execute0_lowered:
.L_overlay_start_1:
0x0: {  	(tag) =	ssettag $0x1  }
0x1: {  	s4 =	rddreg [dreg:$0x0]  }
0x2: {  	s6 =	rddreg [dreg:$0x1]  }
0x3: {  	s1 =	rddreg [dreg:$0x2]  }
0x4: {  	s0 =	rddreg [dreg:$0x3]  }
0x5: {  	s2 =	simm.s32 $0x0;
	s3 =	srdreg.scid;
	s8 =	stileid.u32  }
0x6: {  	[smem:$0x7FF] =	sst s2;
	s7 =	sand.u32 $0x1, s3;
	s3 =	sadd.s32 $0x31600, s4  }
0x7: {  	s5 =	sshll.u32 s8, $0xC;
	s10 =	sshll.u32 s8, $0x5;
	p0 =	sne.s32 s8, $0x0  }
0x8: {  	_ =	strace $0x80000056;
	s9 =	ssub.s32 $0x2, s7;
	s11 =	sadd.s32 s5, s4  }
0x9: {  	s12 =	sadd.s32 s10, s4;
	s4 =	sshll.u32 s8, $0x1;
	s6 =	sadd.s32 s10, s6  }
0xa: {  	s29 =	sshll.u32 s7, $0x4;
	s30 =	sshll.u32 s7, $0xB;
	s10 =	sshrl.u32 @!p0 s1, $0x3  }
0xb: {  	s28 =	sshrl.u32 s9, $0x1;
	s6 =	sadd.s32 s29, s6;
	s31 =	sadd.s32 s30, s11  }
0xc: {  	s5 =	ssub.s32 s9, s28;
	s9 =	sadd.s32 s29, s12;
	s8 =	sadd.s32 $0x2F1000, s31  }
0xd: {  	s5 =	smax.u32 s5, $0x1;
	s7 =	sadd.s32 $0x400, s9;
	s9 =	sadd.s32 $0x80000, s31  }
.LBB2_1:
0xe: {  	s11 =	simm.s32 @!p0 $0x1C02  }
0xf: {  	[spmem:s10], [sflag:s11] =	dma.local @!p0 [hbm:s3], $0x27100  }
0x10: {  	s11 =	simm.s32 @!p0 $0x2  }
0x11: {  	_ =	swait.ge @!p0 [sflag:s11], $0x27100  }
0x12: {  	p1 =	sgt.u32 s4, $0x4E1;
	[sflag:s11] =	ssyncset.done @!p0 $0x0  }
0x13: {  	s13 =	simm.s32 @!p1 $0x0;
	[sflag:s11] =	ssyncadd.s32 @!p0 $0xFFFD8F00  }
0x14: {  	s12 =	simm.s32 @!p1 $0x3;
	s11 =	sadd.s32 @!p1 $0x0, s7;
	[bflag:$0x0] =	sbarrier.arrive $0xFFFF  }
0x15: {  	[tilespmem:s13], [sflag:$0x3] =	stream.linear.gather @!p1 [hbm4b:s11+s13], $0x80, $0x38;
	[tilespmem:$0x17900] =	vst v63  }
0x16: {  	_ =	swait.ge @!p1 [sflag:s12], $0x80;
	p1 =	por p1, p1  }
0x17: {  	[sflag:s12] =	ssyncset.done @!p1 $0x0  }
0x18: {  	s11 =	simm.s32 @!p1 $0x80;
	s15 =	simm.s32 @!p1 $0x1;
	[sflag:s12] =	ssyncadd.s32 @!p1 $0xFFFFFF80  }
0x19: {  	[tilespmem:s11], [sflag:$0x1] =	stream.indirect.gather @!p1 [spmem:s1], $0x80, s13, s11, $0xb8;
	[tilespmem:$0x17900] =	vst v63  }
0x1a: {  	_ =	swait.ge @!p1 [sflag:s15], $0x4000  }
0x1b: {  	[sflag:s15] =	ssyncset.done @!p1 $0x0  }
0x1c: {  	[sflag:s15] =	ssyncadd.s32 @!p1 $0xFFFFC000  }
0x1d: {  	[hbm4b:s9+s13] =	stream.linear.scatter @!p1 [tilespmem:s11], [sflag:$0x3], $0x4000, $0x38;
	[tilespmem:$0x17900] =	vst v63  }
0x1e: {  	_ =	swait.ge @!p1 [sflag:s12], $0x4000  }
0x1f: {  	[sflag:s12] =	ssyncset.done @!p1 $0x0  }
0x20: {  	s14 =	sadd.s32 @!p1 $0x0, s6;
	[sflag:s12] =	ssyncadd.s32 @!p1 $0xFFFFC000  }
0x21: {  	[tilespmem:s13], [sflag:$0x3] =	stream.linear.gather @!p1 [hbm4b:s14+s13], $0x80, $0x38;
	[tilespmem:$0x17900] =	vst v63  }
0x22: {  	_ =	swait.ge @!p1 [sflag:s12], $0x80  }
0x23: {  	[sflag:s12] =	ssyncset.done @!p1 $0x0  }
0x24: {  	[sflag:s12] =	ssyncadd.s32 @!p1 $0xFFFFFF80  }
0x25: {  	[tilespmem:s11], [sflag:$0x1] =	stream.indirect.gather @!p1 [spmem:s1], $0x80, s13, s11, $0xb8;
	[tilespmem:$0x17900] =	vst v63  }
0x26: {  	_ =	swait.ge @!p1 [sflag:s15], $0x4000  }
0x27: {  	[sflag:s15] =	ssyncset.done @!p1 $0x0  }
0x28: {  	s16 =	simm.s32 @!p1 $0x2;
	s14 =	simm.s32 $0x400;
	[sflag:s15] =	ssyncadd.s32 @!p1 $0xFFFFC000  }
0x29: {  	[hbm4b:s8+s13] =	stream.linear.scatter @!p1 [tilespmem:s11], [sflag:$0x2], $0x4000, $0x38;
	[tilespmem:$0x17900] =	vst v63  }
0x2a: {  	s12 =	simm.s32 $0x200;
	s15 =	sadd.s32 $0x20, s4;
	s13 =	sadd.s32 $0x10000, s9  }
0x2b: {  	p3 =	sgt.u32 s15, $0x4E1;
	s11 =	sadd.s32 $0x10000, s8;
	_ =	swait.ge @!p1 [sflag:s16], $0x4000  }
.LBB2_2:
0x2c: {  	s17 =	sadd.s32 @!p3 s12, s7  }
0x2d: {  	s18 =	simm.s32 @!p3 $0x0;
	[sflag:s16] =	ssyncset.done @!p1 $0x0;
	s19 =	smov.u32 s14  }
0x2e: {  	s14 =	sadd.s32 $0x200, s14;
	s20 =	simm.s32 @!p3 $0x3;
	[sflag:s16] =	ssyncadd.s32 @!p1 $0xFFFFC000  }
0x2f: {  	[tilespmem:s18], [sflag:$0x3] =	stream.linear.gather @!p3 [hbm4b:s17+s18], $0x80, $0x38;
	[tilespmem:$0x17900] =	vst v63  }
0x30: {  	p2 =	sne.s32 s14, $0x5000;
	p1 =	por p3, p3;
	_ =	swait.ge @!p3 [sflag:s20], $0x80  }
0x31: {  	[sflag:s20] =	ssyncset.done @!p1 $0x0  }
0x32: {  	s17 =	simm.s32 @!p1 $0x80;
	s16 =	simm.s32 @!p1 $0x1;
	[sflag:s20] =	ssyncadd.s32 @!p1 $0xFFFFFF80  }
0x33: {  	[tilespmem:s17], [sflag:$0x1] =	stream.indirect.gather @!p1 [spmem:s1], $0x80, s18, s17, $0xb8;
	[tilespmem:$0x17900] =	vst v63  }
0x34: {  	_ =	swait.ge @!p1 [sflag:s16], $0x4000  }
0x35: {  	[sflag:s16] =	ssyncset.done @!p1 $0x0  }
0x36: {  	[sflag:s16] =	ssyncadd.s32 @!p1 $0xFFFFC000  }
0x37: {  	[hbm4b:s13+s18] =	stream.linear.scatter @!p1 [tilespmem:s17], [sflag:$0x3], $0x4000, $0x38;
	[tilespmem:$0x17900] =	vst v63  }
0x38: {  	_ =	swait.ge @!p1 [sflag:s20], $0x4000  }
0x39: {  	[sflag:s20] =	ssyncset.done @!p1 $0x0  }
0x3a: {  	s21 =	sadd.s32 @!p1 s12, s6;
	s12 =	smov.u32 s19;
	[sflag:s20] =	ssyncadd.s32 @!p1 $0xFFFFC000  }
0x3b: {  	[tilespmem:s18], [sflag:$0x3] =	stream.linear.gather @!p1 [hbm4b:s21+s18], $0x80, $0x38;
	[tilespmem:$0x17900] =	vst v63  }
0x3c: {  	_ =	swait.ge @!p1 [sflag:s20], $0x80  }
0x3d: {  	[sflag:s20] =	ssyncset.done @!p1 $0x0  }
0x3e: {  	[sflag:s20] =	ssyncadd.s32 @!p1 $0xFFFFFF80  }
0x3f: {  	[tilespmem:s17], [sflag:$0x1] =	stream.indirect.gather @!p1 [spmem:s1], $0x80, s18, s17, $0xb8;
	[tilespmem:$0x17900] =	vst v63  }
.Ltmp0:
0x40: {  	_ =	swait.ge @!p1 [sflag:s16], $0x4000;
	(pc) =	sbr.rel @p2 .LBB2_2-.Ltmp0, $4  }
0x41: {  	s13 =	sadd.s32 $0x10000, s13;
	[sflag:s16] =	ssyncset.done @!p1 $0x0  }
0x42: {  	s15 =	sadd.s32 $0x20, s15;
	[sflag:s16] =	ssyncadd.s32 @!p1 $0xFFFFC000;
	s16 =	simm.s32 @!p1 $0x2  }
0x43: {  	[hbm4b:s11+s18] =	stream.linear.scatter @!p1 [tilespmem:s17], [sflag:$0x2], $0x4000, $0x38;
	[tilespmem:$0x17900] =	vst v63  }
0x44: {  	p3 =	sgt.u32 s15, $0x4E1;
	s11 =	sadd.s32 $0x10000, s11;
	_ =	swait.ge @!p1 [sflag:s16], $0x4000  }
0x45: {  	s14 =	sadd.s32 @!p3 s12, s7;
	[sflag:s16] =	ssyncset.done @!p1 $0x0  }
0x46: {  	s15 =	simm.s32 @!p3 $0x0;
	s17 =	simm.s32 @!p3 $0x3;
	[sflag:s16] =	ssyncadd.s32 @!p1 $0xFFFFC000  }
0x47: {  	[tilespmem:s15], [sflag:$0x3] =	stream.linear.gather @!p3 [hbm4b:s14+s15], $0x80, $0x38;
	[tilespmem:$0x17900] =	vst v63  }
0x48: {  	p1 =	por p3, p3;
	_ =	swait.ge @!p3 [sflag:s17], $0x80  }
0x49: {  	[sflag:s17] =	ssyncset.done @!p1 $0x0  }
0x4a: {  	s14 =	simm.s32 @!p1 $0x80;
	s16 =	simm.s32 @!p1 $0x1;
	[sflag:s17] =	ssyncadd.s32 @!p1 $0xFFFFFF80  }
0x4b: {  	[tilespmem:s14], [sflag:$0x1] =	stream.indirect.gather @!p1 [spmem:s1], $0x80, s15, s14, $0xb8;
	[tilespmem:$0x17900] =	vst v63  }
0x4c: {  	_ =	swait.ge @!p1 [sflag:s16], $0x4000  }
0x4d: {  	[sflag:s16] =	ssyncset.done @!p1 $0x0  }
0x4e: {  	[sflag:s16] =	ssyncadd.s32 @!p1 $0xFFFFC000  }
0x4f: {  	[hbm4b:s13+s15] =	stream.linear.scatter @!p1 [tilespmem:s14], [sflag:$0x3], $0x4000, $0x38;
	[tilespmem:$0x17900] =	vst v63  }
0x50: {  	_ =	swait.ge @!p1 [sflag:s17], $0x4000  }
0x51: {  	[sflag:s17] =	ssyncset.done @!p1 $0x0  }
0x52: {  	s12 =	sadd.s32 @!p1 s12, s6;
	[sflag:s17] =	ssyncadd.s32 @!p1 $0xFFFFC000  }
0x53: {  	[tilespmem:s15], [sflag:$0x3] =	stream.linear.gather @!p1 [hbm4b:s12+s15], $0x80, $0x38;
	[tilespmem:$0x17900] =	vst v63  }
0x54: {  	_ =	swait.ge @!p1 [sflag:s17], $0x80  }
0x55: {  	[sflag:s17] =	ssyncset.done @!p1 $0x0  }
0x56: {  	[sflag:s17] =	ssyncadd.s32 @!p1 $0xFFFFFF80  }
0x57: {  	[tilespmem:s14], [sflag:$0x1] =	stream.indirect.gather @!p1 [spmem:s1], $0x80, s15, s14, $0xb8;
	[tilespmem:$0x17900] =	vst v63  }
0x58: {  	s2 =	sadd.s32 $0x1, s2;
	_ =	swait.ge @!p1 [sflag:s16], $0x4000  }
0x59: {  	p2 =	sne.s32 s2, s5;
	[sflag:s16] =	ssyncset.done @!p1 $0x0  }
.Ltmp1:
0x5a: {  	s12 =	simm.s32 @!p1 $0x2;
	[sflag:s16] =	ssyncadd.s32 @!p1 $0xFFFFC000;
	(pc) =	sbr.rel @p2 .LBB2_1-.Ltmp1, $4  }
0x5b: {  	[hbm4b:s11+s15] =	stream.linear.scatter @!p1 [tilespmem:s14], [sflag:$0x2], $0x4000, $0x38;
	[tilespmem:$0x17900] =	vst v63  }
0x5c: {  	_ =	swait.ge @!p1 [sflag:s12], $0x4000  }
0x5d: {  	[sflag:s12] =	ssyncset.done @!p1 $0x0  }
0x5e: {  	[sflag:s12] =	ssyncadd.s32 @!p1 $0xFFFFC000  }
0x5f: {  	_ =	sfence.sel $0x180000  }
0x60: {  	[bflag:$0x0] =	sbarrier.arrive $0xFFFF  }
0x61: {  	_ =	strace $0x90000056  }
0x62: {  	s0 =	sadd.s32 @!p0 $0x100000, s0;
	[bflag:$0x2] =	sbarrier.arrive $0xFFFF  }
0x63: {  	[sflag:s0] =	ssyncadd.tile.s32 @!p0 $0x1;
	_ =	shalt  }
.Lfunc_end2:
_tile_overlayer_lowered:
.L_overlay_start_2:
0x64: {  	(tag) =	ssettag $0x2  }
0x65: {  	s0 =	rddreg [dreg:$0x0];
	s2 =	stileid.u32  }
0x66: {  	s1 =	rddreg [dreg:$0x1];
	p0 =	sne.s32 s2, $0x0  }
0x67: {  	s3 =	rddreg [dreg:$0x2];
	[bflag:$0x3] =	sbarrier.arrive $0xFFFF;
	s2 =	simm.s32 @!p0 $0x1C02  }
0x68: {  	[timem:s3], [sflag:s2] =	dma.local @!p0 [hbm:s0], s1  }
0x69: {  	s0 =	simm.s32 @!p0 $0x2  }
0x6a: {  	_ =	swait.ge @!p0 [sflag:s0], s1  }
0x6b: {  	s1 =	ssub.s32 @!p0 $0x0, s1;
	[sflag:s0] =	ssyncset.done @!p0 $0x0  }
0x6c: {  	[sflag:s0] =	ssyncadd.s32 @!p0 s1  }
0x6d: {  	[bflag:$0x3] =	sbarrier.arrive $0xFFFF  }
0x6e: {  	_ =	shalt  }

// kernel: kernel.22.cloned.1.call-start
scs
__scs_entry_jumppad:
0x0: {  	(pc) =	sbr.rel $0x88, $3  }
0x1: {  	(tag) =	ssettag $0x0;
	lr =	simm.s32 $0x1  }
0x2: {  	[smem:$0x3F97] =	sst lr;
	_ =	strace $0xD0000000  }
0x3: {  	_ = 	snop  }
0x4: {  	_ = 	snop  }
0x5: {  	_ = 	snop  }
0x6: {  	_ = 	snop  }
0x7: {  	_ = 	snop  }
__scs_overlays_trampoline_lowered:
0x8: {  	[smem:$0x3FA6] =	sst s0  }
0x9: {  	[smem:$0x3FA7] =	sst s1  }
0xa: {  	[smem:$0x3FA8] =	sst s2  }
0xb: {  	[smem:$0x3FA9] =	sst s3  }
0xc: {  	[smem:$0x3FAA] =	sst s4  }
0xd: {  	[smem:$0x3FAB] =	sst s5  }
0xe: {  	[smem:$0x3FAC] =	sst s6  }
0xf: {  	[smem:$0x3FAD] =	sst s7  }
0x10: {  	[smem:$0x3FAE] =	sst s8  }
0x11: {  	[smem:$0x3FAF] =	sst s9;
	s0 =	simm.s32 @!p0 $0x0  }
0x12: {  	s1 =	sld [smem:$0x3F95];
	s0 =	simm.s32 @p0 $0x1  }
0x13: {  	[smem:$0x3FB0] =	sst s0;
	s0 =	simm.s32 @!p1 $0x0  }
0x14: {  	s2 =	sld [smem:$0x3F94];
	s0 =	simm.s32 @p1 $0x1  }
0x15: {  	[smem:$0x3FB1] =	sst s0;
	s0 =	simm.s32 @!p2 $0x0  }
0x16: {  	s3 =	sld [smem:$0x3FDB];
	s0 =	simm.s32 @p2 $0x1  }
0x17: {  	s4 =	simm.s32 $0x1BF5;
	[smem:$0x3FB3] =	sst s0  }
0x18: {  	s0 =	sld [smem:$0x3F96];
	_ =	swait.ge [sflag:s4], $0x0  }
0x19: {  	s7 =	sld [smem:$0x3F97]  }
0x1a: {  	s8 =	sadd.s32 $0xFFFFE003, lr  }
0x1b: {  	s9 =	sadd.s32 $0xFFFFFEF7, lr;
	s5 =	simm.s32 $0xFFFFFFFF;
	p2 =	slt.u32 s8, $0xFFFFF086  }
0x1c: {  	p1 =	slt.u32 s9, $0xF7A;
	s5 =	simm.s32 @!p2 $0x0  }
0x1d: {  	s5 =	simm.s32 @p1 $0x1;
	p0 =	seq.s32 s7, s2  }
0x1e: {  	s7 =	smul.u32 @!p0 $0xF7A, s2;
	p2 =	seq.s32 @!p0 s5, $0x0  }
0x1f: {  	s9 =	smul.u32 $0xF7A, s1;
	s8 =	simm.s32 @!p0 $0x1BF5;
	p2 =	por !p2, p0  }
0x20: {  	[sflag:s8] =	ssyncset.s32 @!p0 $0xFFFFF086;
	s6 =	sadd.s32 @!p0 s3, s7;
	s7 =	simm.s32 @!p0 $0x108  }
0x21: {  	s3 =	sadd.s32 s3, s9;
	s6 =	sadd.s32 @!p0 $0x88, s6;
	s7 =	simm.s32 @p2 $0x1082  }
0x22: {  	[simem:s7], [sflag:s8] =	dma.local @!p0 [hbm:s6], $0xF7A  }
0x23: {  	s9 =	sor.u32 $0xD0000000, s2;
	s6 =	simm.s32 $0x108;
	_ =	swait.ge @!p0 [sflag:s8], $0x0  }
0x24: {  	s3 =	sadd.s32 $0x88, s3;
	s6 =	simm.s32 @!p1 $0x1082;
	[sflag:s4] =	ssyncset.s32 $0xFFFFF086  }
0x25: {  	[simem:s6], [sflag:s4] =	dma.local [hbm:s3], $0xF7A  }
0x26: {  	[smem:$0x3F97] =	sst s1;
	(tag) =	ssettag s2;
	_ =	strace s9  }
0x27: {  	s1 =	sld [smem:$0x3FA7]  }
0x28: {  	s2 =	sld [smem:$0x3FA8]  }
0x29: {  	s4 =	sld [smem:$0x3FAA]  }
0x2a: {  	p0 =	seq.s32 s5, $0x0;
	s5 =	sld [smem:$0x3FAB]  }
0x2b: {  	s6 =	sld [smem:$0x3FAC]  }
0x2c: {  	s7 =	sld [smem:$0x3FAD]  }
0x2d: {  	s3 =	simm.s32 $0x108;
	s8 =	sld [smem:$0x3FAE]  }
0x2e: {  	s3 =	simm.s32 @!p0 $0x1082;
	s9 =	sld [smem:$0x3FAF]  }
0x2f: {  	lr =	sadd.s32 s0, s3;
	s0 =	sld [smem:$0x3FA6]  }
0x30: {  	s3 =	sld [smem:$0x3FA9]  }
0x31: {  	[smem:$0x3FB2] =	sst s10  }
0x32: {  	s10 =	sld [smem:$0x3FB0];
	_ =	sdelay $0x3  }
0x33: {  	p0 =	seq.s32 s10, $0x1;
	s10 =	sld [smem:$0x3FB2];
	_ =	sdelay $0x3  }
0x34: {  	[smem:$0x3FB2] =	sst s10  }
0x35: {  	s10 =	sld [smem:$0x3FB1];
	_ =	sdelay $0x3  }
0x36: {  	p1 =	seq.s32 s10, $0x1;
	s10 =	sld [smem:$0x3FB2];
	_ =	sdelay $0x3  }
0x37: {  	[smem:$0x3FB2] =	sst s10  }
0x38: {  	s10 =	sld [smem:$0x3FB3]  }
0x39: {  	_ = 	snop;
	(pc) =	sbr.ind lr, $3  }
0x3a: {  	_ = 	snop  }
0x3b: {  	_ = 	snop  }
0x3c: {  	p2 =	seq.s32 s10, $0x1;
	s10 =	sld [smem:$0x3FB2]  }
0x3d: {  	_ =	shalt  }
0x3e: {  	_ =	shalt  }
0x3f: {  	_ =	shalt  }
0x40: {  	_ =	shalt  }
0x41: {  	_ =	shalt  }
0x42: {  	_ =	shalt  }
0x43: {  	_ =	shalt  }
0x44: {  	_ =	shalt  }
0x45: {  	_ =	shalt  }
0x46: {  	_ =	shalt  }
0x47: {  	_ =	shalt  }
0x48: {  	_ =	shalt  }
0x49: {  	_ =	shalt  }
0x4a: {  	_ =	shalt  }
0x4b: {  	_ =	shalt  }
0x4c: {  	_ =	shalt  }
0x4d: {  	_ =	shalt  }
0x4e: {  	_ =	shalt  }
0x4f: {  	_ =	shalt  }
0x50: {  	_ =	shalt  }
0x51: {  	_ =	shalt  }
0x52: {  	_ =	shalt  }
0x53: {  	_ =	shalt  }
0x54: {  	_ =	shalt  }
0x55: {  	_ =	shalt  }
0x56: {  	_ =	shalt  }
0x57: {  	_ =	shalt  }
0x58: {  	_ =	shalt  }
0x59: {  	_ =	shalt  }
0x5a: {  	_ =	shalt  }
0x5b: {  	_ =	shalt  }
0x5c: {  	_ =	shalt  }
0x5d: {  	_ =	shalt  }
0x5e: {  	_ =	shalt  }
0x5f: {  	_ =	shalt  }
0x60: {  	_ =	shalt  }
0x61: {  	_ =	shalt  }
0x62: {  	_ =	shalt  }
0x63: {  	_ =	shalt  }
0x64: {  	_ =	shalt  }
0x65: {  	_ =	shalt  }
0x66: {  	_ =	shalt  }
0x67: {  	_ =	shalt  }
0x68: {  	_ =	shalt  }
0x69: {  	_ =	shalt  }
0x6a: {  	_ =	shalt  }
0x6b: {  	_ =	shalt  }
0x6c: {  	_ =	shalt  }
0x6d: {  	_ =	shalt  }
0x6e: {  	_ =	shalt  }
0x6f: {  	_ =	shalt  }
0x70: {  	_ =	shalt  }
0x71: {  	_ =	shalt  }
0x72: {  	_ =	shalt  }
0x73: {  	_ =	shalt  }
0x74: {  	_ =	shalt  }
0x75: {  	_ =	shalt  }
0x76: {  	_ =	shalt  }
0x77: {  	_ =	shalt  }
0x78: {  	_ =	shalt  }
0x79: {  	_ =	shalt  }
0x7a: {  	_ =	shalt  }
0x7b: {  	_ =	shalt  }
0x7c: {  	_ =	shalt  }
0x7d: {  	_ =	shalt  }
0x7e: {  	_ =	shalt  }
0x7f: {  	_ =	shalt  }
0x80: {  	_ =	shalt  }
0x81: {  	_ =	shalt  }
0x82: {  	_ =	shalt  }
0x83: {  	_ =	shalt  }
0x84: {  	_ =	shalt  }
0x85: {  	_ =	shalt  }
0x86: {  	_ =	shalt  }
0x87: {  	_ =	shalt  }
.Lfunc_end0:
.L_simem_size_0:
called_computation.6_lowered:
.L_overlay_start_0:
0x88: {  	s2 =	sld [smem:$0x3FD9]  }
0x89: {  	s3 =	sld [smem:$0x3FFE];
	_ =	sdelay $0x1  }
0x8a: {  	s1 =	srdreg.scid  }
0x8b: {  	s0 =	sand.u32 $0x1, s1  }
0x8c: {  	s17 =	sshll.u32 s0, $0xA;
	s2 =	sadd.s32 s3, s2  }
0x8d: {  	s2 =	sadd.s32 s2, s17  }
0x8e: {  	[smem:$0x3FBE] =	sst s2  }
0x8f: {  	_ = 	snop  }
0x90: {  	s2 =	sld [smem:$0x3FD0];
	(tm) =	ssettm $0x1  }
0x91: {  	s18 =	sld [smem:$0x3FFB];
	_ =	sdelay $0x3  }
0x92: {  	_ =	strace s18  }
0x93: {  	s3 =	sld [smem:$0x3FFC];
	_ =	sdelay $0x3  }
0x94: {  	_ =	strace s3  }
0x95: {  	s3 =	sld [smem:$0x3FFD];
	_ =	sdelay $0x3  }
0x96: {  	_ =	strace s3  }
0x97: {  	_ =	strace $0x8FFFFFFF  }
0x98: {  	s19 =	sld [smem:$0x3FDB];
	_ =	sdelay $0x1  }
0x99: {  	s4 =	simm.s32 $_scs_section_size  }
0x9a: {  	s5 =	simm.s32 $_size__tile_overlayer_lowered;
	s6 =	simm.s32 $_tile_overlayer_lowered  }
0x9b: {  	s22 =	simm.s32 $0x1BFF;
	s21 =	sshll.u32 s6, $0x1;
	s3 =	sadd.s32 s4, s19  }
0x9c: {  	s7 =	simm.s32 $0x0;
	s20 =	sshll.u32 s5, $0x1;
	s5 =	sadd.s32 s21, s3  }
0x9d: {  	[timem:s7], [sflag:s22] =	dma.local [hbm:s5], s20  }
0x9e: {  	_ =	swait.ge [sflag:s22], s20  }
0x9f: {  	s4 =	ssub.s32 $0x0, s20;
	[sflag:s22] =	ssyncset.done $0x0  }
0xa0: {  	[sflag:s22] =	ssyncadd.s32 s4;
	_ =	sdelay $0x1  }
0xa1: {  	s23 =	simm.s32 $0x1B8B  }
0xa2: {  	_ =	swait.ge [sflag:s23], $0x1  }
0xa3: {  	[sflag:s23] =	ssyncset.done $0x0  }
0xa4: {  	s25 =	simm.s32 $0x1B8E;
	s24 =	sld [smem:$0x3FFE];
	[sflag:s23] =	ssyncadd.s32 $0xFFFFFFFF  }
0xa5: {  	s26 =	simm.s32 $execute0_lowered;
	[smem:$0x3FD2] =	sst s25  }
0xa6: {  	s5 =	sshll.u32 s26, $0x1;
	_ =	strace $0x80000058;
	[dreg:$0x1] =	wrdreg $0xFFFFFFFF  }
0xa7: {  	s28 =	simm.s32 $_size_execute0_lowered;
	s3 =	sadd.s32 s3, s5;
	[dreg:$0x0] =	wrdreg $0x0  }
0xa8: {  	s5 =	sshll.u32 s28, $0x1;
	[dreg:$0x2] =	wrdreg s3  }
0xa9: {  	[dreg:$0x3] =	wrdreg s5  }
0xaa: {  	[dreg:$0x4] =	wrdreg $0xC0  }
0xab: {  	_ =	task [dreg:s7], $0x5FFFF  }
0xac: {  	[dreg:$0x1] =	wrdreg $0xFFFFFFFF  }
0xad: {  	[dreg:$0x0] =	wrdreg $0x60  }
0xae: {  	[dreg:$0x2] =	wrdreg s24  }
0xaf: {  	[dreg:$0x3] =	wrdreg s2  }
0xb0: {  	[dreg:$0x4] =	wrdreg $0x81000  }
0xb1: {  	[dreg:$0x5] =	wrdreg $0x9  }
0xb2: {  	_ =	task.clear_ibuf [dreg:s7], $0x6FFFF;
	_ =	strace $0x90000058  }
0xb3: {  	s29 =	simm.s32 $0x9;
	_ =	strace $0x8000005A  }
0xb4: {  	_ =	swait.ge [sflag:s29], $0x1  }
0xb5: {  	[sflag:s29] =	ssyncadd.s32 $0xFFFFFFFF  }
0xb6: {  	_ =	strace $0x9000005A  }
0xb7: {  	_ =	sfence  }
0xb8: {  	s30 =	sld [smem:$0x0];
	_ =	sdelay $0x2  }
0xb9: {  	s31 =	sshll.u32 s1, $0xD;
	s1 =	sshrl.u32 s1, $0x2  }
0xba: {  	s3 =	sand.u32 $0x4000, s31;
	s1 =	sadd.s32 s1, s30  }
0xbb: {  	s0 =	sor.u32 s3, s0;
	s1 =	sshll.u32 s1, $0x11  }
0xbc: {  	s0 =	sor.u32 s1, s0  }
0xbd: {  	s0 =	sadd.s32 $0x8F2B, s0  }
0xbe: {  	[sflag:s0] =	ssyncadd.remote.s32 $0x1  }
0xbf: {  	_ =	sfence.sel $0xFFFF  }
0xc0: {  	[dreg:$0x0] =	wrdreg $0xFFFFFFFF;
	(pc) =	sbr.abs _section_cstart, $3  }
0xc1: {  	[dreg:$0x1] =	wrdreg $0xFFFFFFFF  }
0xc2: {  	_ =	task.clear_ibuf [dreg:s7], $0x2FFFF;
	_ =	strace $0x9FFFFFFF  }
0xc3: {  	(tm) =	ssettm $0x7FFFFFFF  }
tec
execute0_lowered:
.L_overlay_start_1:
0x0: {  	(tag) =	ssettag $0x1  }
0x1: {  	s9 =	rddreg [dreg:$0x0]  }
0x2: {  	s1 =	rddreg [dreg:$0x1]  }
0x3: {  	s2 =	rddreg [dreg:$0x2]  }
0x4: {  	s0 =	rddreg [dreg:$0x3];
	s3 =	simm.s32 $0x0  }
0x5: {  	s5 =	srdreg.scid;
	s13 =	stileid.u32;
	s14 =	simm.s32 $0x80  }
0x6: {  	s15 =	simm.s32 $0x100;
	s16 =	simm.s32 $0x1;
	s17 =	simm.s32 $0x4100  }
0x7: {  	s18 =	simm.s32 $0x2;
	s19 =	simm.s32 $0x0;
	s5 =	sand.u32 $0x1, s5  }
0x8: {  	[smem:$0x7FF] =	sst s3;
	s4 =	sadd.s32 $0x17D8400, s9;
	s10 =	smul.u32 $0x27100, s5  }
.Ltmp0:
0x9: {  	s6 =	sadd.s32 $0x5400, s9;
	s7 =	sadd.s32 $0x562000, s9;
	(pc) =	sbr.rel .LBB2_1-.Ltmp0, $4  }
0xa: {  	s8 =	sadd.s32 $0xA400, s9;
	p0 =	sne.s32 s13, $0x0;
	s11 =	ssub.s32 $0x2, s5  }
0xb: {  	_ =	strace $0x80000059;
	s12 =	sshrl.u32 s11, $0x1;
	s10 =	sadd.s32 s10, s9  }
0xc: {  	s11 =	ssub.s32 s11, s12;
	s9 =	sshll.u32 s13, $0x1;
	s12 =	sshrl.u32 @!p0 s2, $0x3  }
0xd: {  	s13 =	simm.s32 $0x3;
	s10 =	sadd.s32 $0x31600, s10;
	s11 =	smax.u32 s11, $0x1  }
.LBB2_7:
0xe: {  	[bflag:$0x0] =	sbarrier.arrive $0xFFFF;
	s20 =	simm.s32 @!p0 $0x1C02;
	s19 =	sadd.s32 $0x1, s19  }
0xf: {  	[hbm:s10], [sflag:s20] =	dma.local @!p0 [spmem:s12], $0x27100  }
0x10: {  	p1 =	sne.s32 s19, s11  }
.Ltmp1:
0x11: {  	_ = 	snop;
	(pc) =	sbr.rel @!p1 .LBB2_8-.Ltmp1, $4  }
0x12: {  	s20 =	simm.s32 @!p0 $0x2  }
0x13: {  	_ =	swait.ge @!p0 [sflag:s20], $0x27100  }
0x14: {  	[sflag:s20] =	ssyncset.done @!p0 $0x0  }
0x15: {  	[sflag:s20] =	ssyncadd.s32 @!p0 $0xFFFD8F00  }
.LBB2_1:
0x16: {  	s20 =	simm.s32 @!p0 $0x1C02  }
0x17: {  	[spmem:s12], [sflag:s20] =	dma.local @!p0 [hbm:s8], $0x27180  }
0x18: {  	s20 =	simm.s32 @!p0 $0x2  }
.Ltmp2:
0x19: {  	_ =	swait.ge @!p0 [sflag:s20], $0x27180;
	(pc) =	sbr.rel .LBB2_2-.Ltmp2, $4  }
0x1a: {  	[sflag:s20] =	ssyncset.done @!p0 $0x0  }
0x1b: {  	[sflag:s20] =	ssyncadd.s32 @!p0 $0xFFFD8E80  }
0x1c: {  	[bflag:$0x0] =	sbarrier.arrive $0xFFFF  }
0x1d: {  	s20 =	simm.s32 $0x0  }
.LBB2_6:
0x1e: {  	s20 =	sadd.s32 $0x1, s20  }
0x1f: {  	p1 =	sne.s32 s20, $0x28  }
.Ltmp3:
0x20: {  	_ = 	snop;
	(pc) =	sbr.rel @!p1 .LBB2_7-.Ltmp3, $1  }
0x21: {  	_ =	sdelay $0x3  }
.LBB2_2:
0x22: {  	s21 =	sshll.u32 s20, $0x5  }
0x23: {  	s21 =	sor.u32 s9, s21  }
0x24: {  	p1 =	sgt.u32 s21, $0x4E1  }
.Ltmp4:
0x25: {  	_ = 	snop;
	(pc) =	sbr.rel @p1 .LBB2_6-.Ltmp4, $1  }
0x26: {  	_ =	sdelay $0x3  }
0x27: {  	s22 =	sor.u32 s5, s21  }
0x28: {  	s21 =	sshll.u32 s22, $0x4  }
0x29: {  	s24 =	simm.s32 $0x0;
	s23 =	sadd.s32 s1, s21  }
0x2a: {  	[tilespmem:s24], [sflag:$0x3] =	stream.linear.gather [hbm4b:s23+s24], $0x80, $0x38;
	[tilespmem:$0x1B9C0] =	vst v63  }
0x2b: {  	_ =	swait.ge [sflag:s13], $0x80  }
0x2c: {  	[sflag:s13] =	ssyncset.done $0x0  }
0x2d: {  	[sflag:s13] =	ssyncadd.s32 $0xFFFFFF80  }
0x2e: {  	[tilespmem:s15], [sflag:$0x1] =	stream.indirect.gather [hbm4b:s4+s14], $0x80, s24, s14, $0xb8;
	[tilespmem:$0x1B9C0] =	vst v63  }
0x2f: {  	_ =	swait.ge [sflag:s16], $0x4000  }
0x30: {  	s22 =	sshll.u32 s22, $0xB;
	[sflag:s16] =	ssyncset.done $0x0  }
0x31: {  	s22 =	sadd.s32 s7, s22;
	[sflag:s16] =	ssyncadd.s32 $0xFFFFC000  }
0x32: {  	[tilespmem:s17], [sflag:$0x3] =	stream.linear.gather [hbm4b:s22+s24], $0x4000, $0x38;
	[tilespmem:$0x1B9C0] =	vst v63  }
0x33: {  	_ =	swait.ge [sflag:s13], $0x4000  }
0x34: {  	[sflag:s13] =	ssyncset.done $0x0  }
0x35: {  	s22 =	simm.s32 $0x0;
	[sflag:s13] =	ssyncadd.s32 $0xFFFFC000  }
0x36: {  	v7 =	vld [tilespmem:s22+$0x4100]  }
0x37: {  	v11 =	vld [tilespmem:s22+$0x4110]  }
0x38: {  	v5 =	vld [tilespmem:s22+$0x4120]  }
0x39: {  	v4 =	vld [tilespmem:s22+$0x4130]  }
0x3a: {  	v3 =	vld [tilespmem:s22+$0x4140]  }
0x3b: {  	v2 =	vld [tilespmem:s22+$0x4150]  }
0x3c: {  	v1 =	vld [tilespmem:s22+$0x4160]  }
0x3d: {  	v0 =	vld [tilespmem:s22+$0x4170]  }
0x3e: {  	v12 =	vld [tilespmem:s22+$0x100]  }
0x3f: {  	v13 =	vld [tilespmem:s22+$0x110]  }
0x40: {  	v10 =	vld [tilespmem:s22+$0x120]  }
0x41: {  	v9 =	vld [tilespmem:s22+$0x130]  }
0x42: {  	v8 =	vld [tilespmem:s22+$0x140]  }
0x43: {  	v6 =	vld [tilespmem:s22+$0x150];
	v12 =	vmul.f32 v7, v12  }
0x44: {  	s23 =	simm.s32 $0x200;
	v11 =	vmul.f32 v11, v13;
	v7 =	vld [tilespmem:s22+$0x160]  }
.LBB2_4:
0x45: {  	s24 =	sshra.s32 s23, $0x2;
	p1 =	sne.s32 s23, $0xFE00;
	[tilespmem:s22+$0x100] =	vst v12;
	v5 =	vmul.f32 v5, v10;
	v10 =	vld [tilespmem:s22+$0x170]  }
0x46: {  	v12 =	vld [tilespmem:s24+$0x4100];
	[tilespmem:s22+$0x110] =	vst v11;
	v4 =	vmul.f32 v4, v9  }
0x47: {  	v11 =	vld [tilespmem:s24+$0x4110];
	[tilespmem:s22+$0x120] =	vst v5;
	v3 =	vmul.f32 v3, v8  }
0x48: {  	v5 =	vld [tilespmem:s24+$0x4120];
	[tilespmem:s22+$0x130] =	vst v4;
	v2 =	vmul.f32 v2, v6  }
0x49: {  	v4 =	vld [tilespmem:s24+$0x4130];
	[tilespmem:s22+$0x140] =	vst v3;
	v1 =	vmul.f32 v1, v7  }
0x4a: {  	v3 =	vld [tilespmem:s24+$0x4140];
	[tilespmem:s22+$0x150] =	vst v2;
	v0 =	vmul.f32 v0, v10  }
0x4b: {  	v2 =	vld [tilespmem:s24+$0x4150];
	[tilespmem:s22+$0x160] =	vst v1  }
0x4c: {  	v1 =	vld [tilespmem:s24+$0x4160];
	[tilespmem:s22+$0x170] =	vst v0;
	s22 =	smov.u32 s24  }
0x4d: {  	v0 =	vld [tilespmem:s22+$0x4170]  }
0x4e: {  	v6 =	vld [tilespmem:s22+$0x100]  }
0x4f: {  	v7 =	vld [tilespmem:s22+$0x110]  }
.Ltmp5:
0x50: {  	v10 =	vld [tilespmem:s22+$0x120];
	(pc) =	sbr.rel @p1 .LBB2_4-.Ltmp5, $4  }
0x51: {  	v9 =	vld [tilespmem:s22+$0x130]  }
0x52: {  	v8 =	vld [tilespmem:s22+$0x140]  }
0x53: {  	v12 =	vmul.f32 v12, v6;
	v6 =	vld [tilespmem:s22+$0x150]  }
0x54: {  	s23 =	sadd.s32 $0x200, s23;
	v11 =	vmul.f32 v11, v7;
	v7 =	vld [tilespmem:s22+$0x160]  }
0x55: {  	[tilespmem:s22+$0x100] =	vst v12;
	v5 =	vmul.f32 v5, v10;
	v63 =	vld [tilespmem:s22+$0x170]  }
0x56: {  	[tilespmem:s22+$0x110] =	vst v11;
	v4 =	vmul.f32 v4, v9  }
0x57: {  	[tilespmem:s22+$0x120] =	vst v5;
	v3 =	vmul.f32 v3, v8  }
0x58: {  	[tilespmem:s22+$0x130] =	vst v4;
	v2 =	vmul.f32 v2, v6  }
0x59: {  	[tilespmem:s22+$0x140] =	vst v3;
	v1 =	vmul.f32 v1, v7  }
0x5a: {  	[tilespmem:s22+$0x150] =	vst v2;
	v0 =	vmul.f32 v0, v63  }
0x5b: {  	[tilespmem:s22+$0x160] =	vst v1  }
0x5c: {  	s21 =	sadd.s32 s6, s21;
	[tilespmem:s22+$0x170] =	vst v0  }
0x5d: {  	[tilespmem:s14], [sflag:$0x3] =	stream.linear.gather [hbm4b:s21+s3], $0x80, $0x38;
	[tilespmem:$0x1B9C0] =	vst v63  }
0x5e: {  	_ =	swait.ge [sflag:s13], $0x80  }
0x5f: {  	[sflag:s13] =	ssyncset.done $0x0  }
.Ltmp6:
0x60: {  	[sflag:s13] =	ssyncadd.s32 $0xFFFFFF80;
	(pc) =	sbr.rel .LBB2_6-.Ltmp6, $4  }
0x61: {  	[spmem:s2] =	stream.indirect.scatter.add.f32 [tilespmem:s15], [sflag:$0x2], $0x80, s14, s14, $0xb8;
	[tilespmem:$0x1B9C0] =	vst v63  }
0x62: {  	_ =	swait.ge [sflag:s18], $0x4000  }
0x63: {  	[sflag:s18] =	ssyncset.done $0x0  }
0x64: {  	[sflag:s18] =	ssyncadd.s32 $0xFFFFC000  }
.LBB2_8:
0x65: {  	_ =	sfence.sel $0x180000  }
0x66: {  	[bflag:$0x0] =	sbarrier.arrive $0xFFFF  }
0x67: {  	_ =	strace $0x90000059  }
0x68: {  	s0 =	sadd.s32 @!p0 $0x100000, s0;
	[bflag:$0x2] =	sbarrier.arrive $0xFFFF  }
0x69: {  	[sflag:s0] =	ssyncadd.tile.s32 @!p0 $0x1;
	_ =	shalt  }
.Lfunc_end2:
_tile_overlayer_lowered:
.L_overlay_start_2:
0x6a: {  	(tag) =	ssettag $0x2  }
0x6b: {  	s0 =	rddreg [dreg:$0x0];
	s2 =	stileid.u32  }
0x6c: {  	s1 =	rddreg [dreg:$0x1];
	p0 =	sne.s32 s2, $0x0  }
0x6d: {  	s3 =	rddreg [dreg:$0x2];
	[bflag:$0x3] =	sbarrier.arrive $0xFFFF;
	s2 =	simm.s32 @!p0 $0x1C02  }
0x6e: {  	[timem:s3], [sflag:s2] =	dma.local @!p0 [hbm:s0], s1  }
0x6f: {  	s0 =	simm.s32 @!p0 $0x2  }
0x70: {  	_ =	swait.ge @!p0 [sflag:s0], s1  }
0x71: {  	s1 =	ssub.s32 @!p0 $0x0, s1;
	[sflag:s0] =	ssyncset.done @!p0 $0x0  }
0x72: {  	[sflag:s0] =	ssyncadd.s32 @!p0 s1  }
0x73: {  	[bflag:$0x3] =	sbarrier.arrive $0xFFFF  }
0x74: {  	_ =	shalt  }

// kernel: kernel.25.cloned.1.call-start
scs
__scs_entry_jumppad:
0x0: {  	(pc) =	sbr.rel $0x88, $3  }
0x1: {  	(tag) =	ssettag $0x0;
	lr =	simm.s32 $0x1  }
0x2: {  	[smem:$0x3F97] =	sst lr;
	_ =	strace $0xD0000000  }
0x3: {  	_ = 	snop  }
0x4: {  	_ = 	snop  }
0x5: {  	_ = 	snop  }
0x6: {  	_ = 	snop  }
0x7: {  	_ = 	snop  }
__scs_overlays_trampoline_lowered:
0x8: {  	[smem:$0x3FA6] =	sst s0  }
0x9: {  	[smem:$0x3FA7] =	sst s1  }
0xa: {  	[smem:$0x3FA8] =	sst s2  }
0xb: {  	[smem:$0x3FA9] =	sst s3  }
0xc: {  	[smem:$0x3FAA] =	sst s4  }
0xd: {  	[smem:$0x3FAB] =	sst s5  }
0xe: {  	[smem:$0x3FAC] =	sst s6  }
0xf: {  	[smem:$0x3FAD] =	sst s7  }
0x10: {  	[smem:$0x3FAE] =	sst s8  }
0x11: {  	[smem:$0x3FAF] =	sst s9;
	s0 =	simm.s32 @!p0 $0x0  }
0x12: {  	s1 =	sld [smem:$0x3F95];
	s0 =	simm.s32 @p0 $0x1  }
0x13: {  	[smem:$0x3FB0] =	sst s0;
	s0 =	simm.s32 @!p1 $0x0  }
0x14: {  	s2 =	sld [smem:$0x3F94];
	s0 =	simm.s32 @p1 $0x1  }
0x15: {  	[smem:$0x3FB1] =	sst s0;
	s0 =	simm.s32 @!p2 $0x0  }
0x16: {  	s3 =	sld [smem:$0x3FDB];
	s0 =	simm.s32 @p2 $0x1  }
0x17: {  	s4 =	simm.s32 $0x1BF5;
	[smem:$0x3FB3] =	sst s0  }
0x18: {  	s0 =	sld [smem:$0x3F96];
	_ =	swait.ge [sflag:s4], $0x0  }
0x19: {  	s7 =	sld [smem:$0x3F97]  }
0x1a: {  	s8 =	sadd.s32 $0xFFFFE003, lr  }
0x1b: {  	s9 =	sadd.s32 $0xFFFFFEF7, lr;
	s5 =	simm.s32 $0xFFFFFFFF;
	p2 =	slt.u32 s8, $0xFFFFF086  }
0x1c: {  	p1 =	slt.u32 s9, $0xF7A;
	s5 =	simm.s32 @!p2 $0x0  }
0x1d: {  	s5 =	simm.s32 @p1 $0x1;
	p0 =	seq.s32 s7, s2  }
0x1e: {  	s7 =	smul.u32 @!p0 $0xF7A, s2;
	p2 =	seq.s32 @!p0 s5, $0x0  }
0x1f: {  	s9 =	smul.u32 $0xF7A, s1;
	s8 =	simm.s32 @!p0 $0x1BF5;
	p2 =	por !p2, p0  }
0x20: {  	[sflag:s8] =	ssyncset.s32 @!p0 $0xFFFFF086;
	s6 =	sadd.s32 @!p0 s3, s7;
	s7 =	simm.s32 @!p0 $0x108  }
0x21: {  	s3 =	sadd.s32 s3, s9;
	s6 =	sadd.s32 @!p0 $0x88, s6;
	s7 =	simm.s32 @p2 $0x1082  }
0x22: {  	[simem:s7], [sflag:s8] =	dma.local @!p0 [hbm:s6], $0xF7A  }
0x23: {  	s9 =	sor.u32 $0xD0000000, s2;
	s6 =	simm.s32 $0x108;
	_ =	swait.ge @!p0 [sflag:s8], $0x0  }
0x24: {  	s3 =	sadd.s32 $0x88, s3;
	s6 =	simm.s32 @!p1 $0x1082;
	[sflag:s4] =	ssyncset.s32 $0xFFFFF086  }
0x25: {  	[simem:s6], [sflag:s4] =	dma.local [hbm:s3], $0xF7A  }
0x26: {  	[smem:$0x3F97] =	sst s1;
	(tag) =	ssettag s2;
	_ =	strace s9  }
0x27: {  	s1 =	sld [smem:$0x3FA7]  }
0x28: {  	s2 =	sld [smem:$0x3FA8]  }
0x29: {  	s4 =	sld [smem:$0x3FAA]  }
0x2a: {  	p0 =	seq.s32 s5, $0x0;
	s5 =	sld [smem:$0x3FAB]  }
0x2b: {  	s6 =	sld [smem:$0x3FAC]  }
0x2c: {  	s7 =	sld [smem:$0x3FAD]  }
0x2d: {  	s3 =	simm.s32 $0x108;
	s8 =	sld [smem:$0x3FAE]  }
0x2e: {  	s3 =	simm.s32 @!p0 $0x1082;
	s9 =	sld [smem:$0x3FAF]  }
0x2f: {  	lr =	sadd.s32 s0, s3;
	s0 =	sld [smem:$0x3FA6]  }
0x30: {  	s3 =	sld [smem:$0x3FA9]  }
0x31: {  	[smem:$0x3FB2] =	sst s10  }
0x32: {  	s10 =	sld [smem:$0x3FB0];
	_ =	sdelay $0x3  }
0x33: {  	p0 =	seq.s32 s10, $0x1;
	s10 =	sld [smem:$0x3FB2];
	_ =	sdelay $0x3  }
0x34: {  	[smem:$0x3FB2] =	sst s10  }
0x35: {  	s10 =	sld [smem:$0x3FB1];
	_ =	sdelay $0x3  }
0x36: {  	p1 =	seq.s32 s10, $0x1;
	s10 =	sld [smem:$0x3FB2];
	_ =	sdelay $0x3  }
0x37: {  	[smem:$0x3FB2] =	sst s10  }
0x38: {  	s10 =	sld [smem:$0x3FB3]  }
0x39: {  	_ = 	snop;
	(pc) =	sbr.ind lr, $3  }
0x3a: {  	_ = 	snop  }
0x3b: {  	_ = 	snop  }
0x3c: {  	p2 =	seq.s32 s10, $0x1;
	s10 =	sld [smem:$0x3FB2]  }
0x3d: {  	_ =	shalt  }
0x3e: {  	_ =	shalt  }
0x3f: {  	_ =	shalt  }
0x40: {  	_ =	shalt  }
0x41: {  	_ =	shalt  }
0x42: {  	_ =	shalt  }
0x43: {  	_ =	shalt  }
0x44: {  	_ =	shalt  }
0x45: {  	_ =	shalt  }
0x46: {  	_ =	shalt  }
0x47: {  	_ =	shalt  }
0x48: {  	_ =	shalt  }
0x49: {  	_ =	shalt  }
0x4a: {  	_ =	shalt  }
0x4b: {  	_ =	shalt  }
0x4c: {  	_ =	shalt  }
0x4d: {  	_ =	shalt  }
0x4e: {  	_ =	shalt  }
0x4f: {  	_ =	shalt  }
0x50: {  	_ =	shalt  }
0x51: {  	_ =	shalt  }
0x52: {  	_ =	shalt  }
0x53: {  	_ =	shalt  }
0x54: {  	_ =	shalt  }
0x55: {  	_ =	shalt  }
0x56: {  	_ =	shalt  }
0x57: {  	_ =	shalt  }
0x58: {  	_ =	shalt  }
0x59: {  	_ =	shalt  }
0x5a: {  	_ =	shalt  }
0x5b: {  	_ =	shalt  }
0x5c: {  	_ =	shalt  }
0x5d: {  	_ =	shalt  }
0x5e: {  	_ =	shalt  }
0x5f: {  	_ =	shalt  }
0x60: {  	_ =	shalt  }
0x61: {  	_ =	shalt  }
0x62: {  	_ =	shalt  }
0x63: {  	_ =	shalt  }
0x64: {  	_ =	shalt  }
0x65: {  	_ =	shalt  }
0x66: {  	_ =	shalt  }
0x67: {  	_ =	shalt  }
0x68: {  	_ =	shalt  }
0x69: {  	_ =	shalt  }
0x6a: {  	_ =	shalt  }
0x6b: {  	_ =	shalt  }
0x6c: {  	_ =	shalt  }
0x6d: {  	_ =	shalt  }
0x6e: {  	_ =	shalt  }
0x6f: {  	_ =	shalt  }
0x70: {  	_ =	shalt  }
0x71: {  	_ =	shalt  }
0x72: {  	_ =	shalt  }
0x73: {  	_ =	shalt  }
0x74: {  	_ =	shalt  }
0x75: {  	_ =	shalt  }
0x76: {  	_ =	shalt  }
0x77: {  	_ =	shalt  }
0x78: {  	_ =	shalt  }
0x79: {  	_ =	shalt  }
0x7a: {  	_ =	shalt  }
0x7b: {  	_ =	shalt  }
0x7c: {  	_ =	shalt  }
0x7d: {  	_ =	shalt  }
0x7e: {  	_ =	shalt  }
0x7f: {  	_ =	shalt  }
0x80: {  	_ =	shalt  }
0x81: {  	_ =	shalt  }
0x82: {  	_ =	shalt  }
0x83: {  	_ =	shalt  }
0x84: {  	_ =	shalt  }
0x85: {  	_ =	shalt  }
0x86: {  	_ =	shalt  }
0x87: {  	_ =	shalt  }
.Lfunc_end0:
.L_simem_size_0:
called_computation.7_lowered:
.L_overlay_start_0:
0x88: {  	s2 =	sld [smem:$0x3FD9]  }
0x89: {  	s3 =	sld [smem:$0x3FFE];
	_ =	sdelay $0x1  }
0x8a: {  	s1 =	srdreg.scid  }
0x8b: {  	s0 =	sand.u32 $0x1, s1  }
0x8c: {  	s17 =	sshll.u32 s0, $0xA;
	s2 =	sadd.s32 s3, s2  }
0x8d: {  	s2 =	sadd.s32 s2, s17  }
0x8e: {  	[smem:$0x3FBE] =	sst s2  }
0x8f: {  	_ = 	snop  }
0x90: {  	s2 =	sld [smem:$0x3FD0];
	(tm) =	ssettm $0x1  }
0x91: {  	s18 =	sld [smem:$0x3FFB];
	_ =	sdelay $0x3  }
0x92: {  	_ =	strace s18  }
0x93: {  	s3 =	sld [smem:$0x3FFC];
	_ =	sdelay $0x3  }
0x94: {  	_ =	strace s3  }
0x95: {  	s3 =	sld [smem:$0x3FFD];
	_ =	sdelay $0x3  }
0x96: {  	_ =	strace s3  }
0x97: {  	_ =	strace $0x8FFFFFFF  }
0x98: {  	s19 =	sld [smem:$0x3FDB];
	_ =	sdelay $0x1  }
0x99: {  	s4 =	simm.s32 $_scs_section_size  }
0x9a: {  	s5 =	simm.s32 $_size__tile_overlayer_lowered;
	s6 =	simm.s32 $_tile_overlayer_lowered  }
0x9b: {  	s22 =	simm.s32 $0x1BFF;
	s21 =	sshll.u32 s6, $0x1;
	s3 =	sadd.s32 s4, s19  }
0x9c: {  	s7 =	simm.s32 $0x0;
	s20 =	sshll.u32 s5, $0x1;
	s5 =	sadd.s32 s21, s3  }
0x9d: {  	[timem:s7], [sflag:s22] =	dma.local [hbm:s5], s20  }
0x9e: {  	_ =	swait.ge [sflag:s22], s20  }
0x9f: {  	s4 =	ssub.s32 $0x0, s20;
	[sflag:s22] =	ssyncset.done $0x0  }
0xa0: {  	[sflag:s22] =	ssyncadd.s32 s4;
	_ =	sdelay $0x1  }
0xa1: {  	s23 =	simm.s32 $0x1B8B  }
0xa2: {  	_ =	swait.ge [sflag:s23], $0x1  }
0xa3: {  	[sflag:s23] =	ssyncset.done $0x0  }
0xa4: {  	s25 =	simm.s32 $0x1B8E;
	s24 =	sld [smem:$0x3FFE];
	[sflag:s23] =	ssyncadd.s32 $0xFFFFFFFF  }
0xa5: {  	s26 =	simm.s32 $execute0_lowered;
	[smem:$0x3FD2] =	sst s25  }
0xa6: {  	s5 =	sshll.u32 s26, $0x1;
	_ =	strace $0x8000005B;
	[dreg:$0x1] =	wrdreg $0xFFFFFFFF  }
0xa7: {  	s28 =	simm.s32 $_size_execute0_lowered;
	s3 =	sadd.s32 s3, s5;
	[dreg:$0x0] =	wrdreg $0x0  }
0xa8: {  	s5 =	sshll.u32 s28, $0x1;
	[dreg:$0x2] =	wrdreg s3  }
0xa9: {  	[dreg:$0x3] =	wrdreg s5  }
0xaa: {  	[dreg:$0x4] =	wrdreg $0xC0  }
0xab: {  	_ =	task [dreg:s7], $0x5FFFF  }
0xac: {  	[dreg:$0x1] =	wrdreg $0xFFFFFFFF  }
0xad: {  	[dreg:$0x0] =	wrdreg $0x60  }
0xae: {  	[dreg:$0x2] =	wrdreg s24  }
0xaf: {  	[dreg:$0x3] =	wrdreg s2  }
0xb0: {  	[dreg:$0x4] =	wrdreg $0x81000  }
0xb1: {  	[dreg:$0x5] =	wrdreg $0x9  }
0xb2: {  	_ =	task.clear_ibuf [dreg:s7], $0x6FFFF;
	_ =	strace $0x9000005B  }
0xb3: {  	s29 =	simm.s32 $0x9;
	_ =	strace $0x8000005D  }
0xb4: {  	_ =	swait.ge [sflag:s29], $0x1  }
0xb5: {  	[sflag:s29] =	ssyncadd.s32 $0xFFFFFFFF  }
0xb6: {  	_ =	strace $0x9000005D  }
0xb7: {  	_ =	sfence  }
0xb8: {  	s30 =	sld [smem:$0x0];
	_ =	sdelay $0x2  }
0xb9: {  	s31 =	sshll.u32 s1, $0xD;
	s1 =	sshrl.u32 s1, $0x2  }
0xba: {  	s3 =	sand.u32 $0x4000, s31;
	s1 =	sadd.s32 s1, s30  }
0xbb: {  	s0 =	sor.u32 s3, s0;
	s1 =	sshll.u32 s1, $0x11  }
0xbc: {  	s0 =	sor.u32 s1, s0  }
0xbd: {  	s0 =	sadd.s32 $0x8F2B, s0  }
0xbe: {  	[sflag:s0] =	ssyncadd.remote.s32 $0x1  }
0xbf: {  	_ =	sfence.sel $0xFFFF  }
0xc0: {  	[dreg:$0x0] =	wrdreg $0xFFFFFFFF;
	(pc) =	sbr.abs _section_cstart, $3  }
0xc1: {  	[dreg:$0x1] =	wrdreg $0xFFFFFFFF  }
0xc2: {  	_ =	task.clear_ibuf [dreg:s7], $0x2FFFF;
	_ =	strace $0x9FFFFFFF  }
0xc3: {  	(tm) =	ssettm $0x7FFFFFFF  }
tec
execute0_lowered:
.L_overlay_start_1:
0x0: {  	(tag) =	ssettag $0x1  }
0x1: {  	s9 =	rddreg [dreg:$0x0]  }
0x2: {  	s1 =	rddreg [dreg:$0x1]  }
0x3: {  	s2 =	rddreg [dreg:$0x2]  }
0x4: {  	s0 =	rddreg [dreg:$0x3];
	s3 =	simm.s32 $0x0  }
0x5: {  	s5 =	srdreg.scid;
	s13 =	stileid.u32;
	s14 =	simm.s32 $0x80  }
0x6: {  	s15 =	simm.s32 $0x100;
	s16 =	simm.s32 $0x1;
	s17 =	simm.s32 $0x4100  }
0x7: {  	s18 =	simm.s32 $0x2;
	s19 =	simm.s32 $0x0;
	s5 =	sand.u32 $0x1, s5  }
0x8: {  	[smem:$0x7FF] =	sst s3;
	s4 =	sadd.s32 $0x31600, s9;
	s10 =	smul.u32 $0x27100, s5  }
.Ltmp0:
0x9: {  	s6 =	sadd.s32 $0x5400, s9;
	s7 =	sadd.s32 $0x562000, s9;
	(pc) =	sbr.rel .LBB2_1-.Ltmp0, $4  }
0xa: {  	s8 =	sadd.s32 $0xA400, s9;
	p0 =	sne.s32 s13, $0x0;
	s11 =	ssub.s32 $0x2, s5  }
0xb: {  	_ =	strace $0x8000005C;
	s12 =	sshrl.u32 s11, $0x1;
	s10 =	sadd.s32 s10, s9  }
0xc: {  	s11 =	ssub.s32 s11, s12;
	s9 =	sshll.u32 s13, $0x1;
	s12 =	sshrl.u32 @!p0 s2, $0x3  }
0xd: {  	s13 =	simm.s32 $0x3;
	s10 =	sadd.s32 $0x58800, s10;
	s11 =	smax.u32 s11, $0x1  }
.LBB2_7:
0xe: {  	[bflag:$0x0] =	sbarrier.arrive $0xFFFF;
	s20 =	simm.s32 @!p0 $0x1C02;
	s19 =	sadd.s32 $0x1, s19  }
0xf: {  	[hbm:s10], [sflag:s20] =	dma.local @!p0 [spmem:s12], $0x27100  }
0x10: {  	p1 =	sne.s32 s19, s11  }
.Ltmp1:
0x11: {  	_ = 	snop;
	(pc) =	sbr.rel @!p1 .LBB2_8-.Ltmp1, $4  }
0x12: {  	s20 =	simm.s32 @!p0 $0x2  }
0x13: {  	_ =	swait.ge @!p0 [sflag:s20], $0x27100  }
0x14: {  	[sflag:s20] =	ssyncset.done @!p0 $0x0  }
0x15: {  	[sflag:s20] =	ssyncadd.s32 @!p0 $0xFFFD8F00  }
.LBB2_1:
0x16: {  	s20 =	simm.s32 @!p0 $0x1C02  }
0x17: {  	[spmem:s12], [sflag:s20] =	dma.local @!p0 [hbm:s8], $0x27180  }
0x18: {  	s20 =	simm.s32 @!p0 $0x2  }
.Ltmp2:
0x19: {  	_ =	swait.ge @!p0 [sflag:s20], $0x27180;
	(pc) =	sbr.rel .LBB2_2-.Ltmp2, $4  }
0x1a: {  	[sflag:s20] =	ssyncset.done @!p0 $0x0  }
0x1b: {  	[sflag:s20] =	ssyncadd.s32 @!p0 $0xFFFD8E80  }
0x1c: {  	[bflag:$0x0] =	sbarrier.arrive $0xFFFF  }
0x1d: {  	s20 =	simm.s32 $0x0  }
.LBB2_6:
0x1e: {  	s20 =	sadd.s32 $0x1, s20  }
0x1f: {  	p1 =	sne.s32 s20, $0x28  }
.Ltmp3:
0x20: {  	_ = 	snop;
	(pc) =	sbr.rel @!p1 .LBB2_7-.Ltmp3, $1  }
0x21: {  	_ =	sdelay $0x3  }
.LBB2_2:
0x22: {  	s21 =	sshll.u32 s20, $0x5  }
0x23: {  	s21 =	sor.u32 s9, s21  }
0x24: {  	p1 =	sgt.u32 s21, $0x4E1  }
.Ltmp4:
0x25: {  	_ = 	snop;
	(pc) =	sbr.rel @p1 .LBB2_6-.Ltmp4, $1  }
0x26: {  	_ =	sdelay $0x3  }
0x27: {  	s22 =	sor.u32 s5, s21  }
0x28: {  	s21 =	sshll.u32 s22, $0x4  }
0x29: {  	s24 =	simm.s32 $0x0;
	s23 =	sadd.s32 s1, s21  }
0x2a: {  	[tilespmem:s24], [sflag:$0x3] =	stream.linear.gather [hbm4b:s23+s24], $0x80, $0x38;
	[tilespmem:$0x1B9C0] =	vst v63  }
0x2b: {  	_ =	swait.ge [sflag:s13], $0x80  }
0x2c: {  	[sflag:s13] =	ssyncset.done $0x0  }
0x2d: {  	[sflag:s13] =	ssyncadd.s32 $0xFFFFFF80  }
0x2e: {  	[tilespmem:s15], [sflag:$0x1] =	stream.indirect.gather [hbm4b:s4+s14], $0x80, s24, s14, $0xb8;
	[tilespmem:$0x1B9C0] =	vst v63  }
0x2f: {  	_ =	swait.ge [sflag:s16], $0x4000  }
0x30: {  	s22 =	sshll.u32 s22, $0xB;
	[sflag:s16] =	ssyncset.done $0x0  }
0x31: {  	s22 =	sadd.s32 s7, s22;
	[sflag:s16] =	ssyncadd.s32 $0xFFFFC000  }
0x32: {  	[tilespmem:s17], [sflag:$0x3] =	stream.linear.gather [hbm4b:s22+s24], $0x4000, $0x38;
	[tilespmem:$0x1B9C0] =	vst v63  }
0x33: {  	_ =	swait.ge [sflag:s13], $0x4000  }
0x34: {  	[sflag:s13] =	ssyncset.done $0x0  }
0x35: {  	s22 =	simm.s32 $0x0;
	[sflag:s13] =	ssyncadd.s32 $0xFFFFC000  }
0x36: {  	v7 =	vld [tilespmem:s22+$0x4100]  }
0x37: {  	v11 =	vld [tilespmem:s22+$0x4110]  }
0x38: {  	v5 =	vld [tilespmem:s22+$0x4120]  }
0x39: {  	v4 =	vld [tilespmem:s22+$0x4130]  }
0x3a: {  	v3 =	vld [tilespmem:s22+$0x4140]  }
0x3b: {  	v2 =	vld [tilespmem:s22+$0x4150]  }
0x3c: {  	v1 =	vld [tilespmem:s22+$0x4160]  }
0x3d: {  	v0 =	vld [tilespmem:s22+$0x4170]  }
0x3e: {  	v12 =	vld [tilespmem:s22+$0x100]  }
0x3f: {  	v13 =	vld [tilespmem:s22+$0x110]  }
0x40: {  	v10 =	vld [tilespmem:s22+$0x120]  }
0x41: {  	v9 =	vld [tilespmem:s22+$0x130]  }
0x42: {  	v8 =	vld [tilespmem:s22+$0x140]  }
0x43: {  	v6 =	vld [tilespmem:s22+$0x150];
	v12 =	vmul.f32 v7, v12  }
0x44: {  	s23 =	simm.s32 $0x200;
	v11 =	vmul.f32 v11, v13;
	v7 =	vld [tilespmem:s22+$0x160]  }
.LBB2_4:
0x45: {  	s24 =	sshra.s32 s23, $0x2;
	p1 =	sne.s32 s23, $0xFE00;
	[tilespmem:s22+$0x100] =	vst v12;
	v5 =	vmul.f32 v5, v10;
	v10 =	vld [tilespmem:s22+$0x170]  }
0x46: {  	v12 =	vld [tilespmem:s24+$0x4100];
	[tilespmem:s22+$0x110] =	vst v11;
	v4 =	vmul.f32 v4, v9  }
0x47: {  	v11 =	vld [tilespmem:s24+$0x4110];
	[tilespmem:s22+$0x120] =	vst v5;
	v3 =	vmul.f32 v3, v8  }
0x48: {  	v5 =	vld [tilespmem:s24+$0x4120];
	[tilespmem:s22+$0x130] =	vst v4;
	v2 =	vmul.f32 v2, v6  }
0x49: {  	v4 =	vld [tilespmem:s24+$0x4130];
	[tilespmem:s22+$0x140] =	vst v3;
	v1 =	vmul.f32 v1, v7  }
0x4a: {  	v3 =	vld [tilespmem:s24+$0x4140];
	[tilespmem:s22+$0x150] =	vst v2;
	v0 =	vmul.f32 v0, v10  }
0x4b: {  	v2 =	vld [tilespmem:s24+$0x4150];
	[tilespmem:s22+$0x160] =	vst v1  }
0x4c: {  	v1 =	vld [tilespmem:s24+$0x4160];
	[tilespmem:s22+$0x170] =	vst v0;
	s22 =	smov.u32 s24  }
0x4d: {  	v0 =	vld [tilespmem:s22+$0x4170]  }
0x4e: {  	v6 =	vld [tilespmem:s22+$0x100]  }
0x4f: {  	v7 =	vld [tilespmem:s22+$0x110]  }
.Ltmp5:
0x50: {  	v10 =	vld [tilespmem:s22+$0x120];
	(pc) =	sbr.rel @p1 .LBB2_4-.Ltmp5, $4  }
0x51: {  	v9 =	vld [tilespmem:s22+$0x130]  }
0x52: {  	v8 =	vld [tilespmem:s22+$0x140]  }
0x53: {  	v12 =	vmul.f32 v12, v6;
	v6 =	vld [tilespmem:s22+$0x150]  }
0x54: {  	s23 =	sadd.s32 $0x200, s23;
	v11 =	vmul.f32 v11, v7;
	v7 =	vld [tilespmem:s22+$0x160]  }
0x55: {  	[tilespmem:s22+$0x100] =	vst v12;
	v5 =	vmul.f32 v5, v10;
	v63 =	vld [tilespmem:s22+$0x170]  }
0x56: {  	[tilespmem:s22+$0x110] =	vst v11;
	v4 =	vmul.f32 v4, v9  }
0x57: {  	[tilespmem:s22+$0x120] =	vst v5;
	v3 =	vmul.f32 v3, v8  }
0x58: {  	[tilespmem:s22+$0x130] =	vst v4;
	v2 =	vmul.f32 v2, v6  }
0x59: {  	[tilespmem:s22+$0x140] =	vst v3;
	v1 =	vmul.f32 v1, v7  }
0x5a: {  	[tilespmem:s22+$0x150] =	vst v2;
	v0 =	vmul.f32 v0, v63  }
0x5b: {  	[tilespmem:s22+$0x160] =	vst v1  }
0x5c: {  	s21 =	sadd.s32 s6, s21;
	[tilespmem:s22+$0x170] =	vst v0  }
0x5d: {  	[tilespmem:s14], [sflag:$0x3] =	stream.linear.gather [hbm4b:s21+s3], $0x80, $0x38;
	[tilespmem:$0x1B9C0] =	vst v63  }
0x5e: {  	_ =	swait.ge [sflag:s13], $0x80  }
0x5f: {  	[sflag:s13] =	ssyncset.done $0x0  }
.Ltmp6:
0x60: {  	[sflag:s13] =	ssyncadd.s32 $0xFFFFFF80;
	(pc) =	sbr.rel .LBB2_6-.Ltmp6, $4  }
0x61: {  	[spmem:s2] =	stream.indirect.scatter.add.f32 [tilespmem:s15], [sflag:$0x2], $0x80, s14, s14, $0xb8;
	[tilespmem:$0x1B9C0] =	vst v63  }
0x62: {  	_ =	swait.ge [sflag:s18], $0x4000  }
0x63: {  	[sflag:s18] =	ssyncset.done $0x0  }
0x64: {  	[sflag:s18] =	ssyncadd.s32 $0xFFFFC000  }
.LBB2_8:
0x65: {  	_ =	sfence.sel $0x180000  }
0x66: {  	[bflag:$0x0] =	sbarrier.arrive $0xFFFF  }
0x67: {  	_ =	strace $0x9000005C  }
0x68: {  	s0 =	sadd.s32 @!p0 $0x100000, s0;
	[bflag:$0x2] =	sbarrier.arrive $0xFFFF  }
0x69: {  	[sflag:s0] =	ssyncadd.tile.s32 @!p0 $0x1;
	_ =	shalt  }
.Lfunc_end2:
_tile_overlayer_lowered:
.L_overlay_start_2:
0x6a: {  	(tag) =	ssettag $0x2  }
0x6b: {  	s0 =	rddreg [dreg:$0x0];
	s2 =	stileid.u32  }
0x6c: {  	s1 =	rddreg [dreg:$0x1];
	p0 =	sne.s32 s2, $0x0  }
0x6d: {  	s3 =	rddreg [dreg:$0x2];
	[bflag:$0x3] =	sbarrier.arrive $0xFFFF;
	s2 =	simm.s32 @!p0 $0x1C02  }
0x6e: {  	[timem:s3], [sflag:s2] =	dma.local @!p0 [hbm:s0], s1  }
0x6f: {  	s0 =	simm.s32 @!p0 $0x2  }
0x70: {  	_ =	swait.ge @!p0 [sflag:s0], s1  }
0x71: {  	s1 =	ssub.s32 @!p0 $0x0, s1;
	[sflag:s0] =	ssyncset.done @!p0 $0x0  }
0x72: {  	[sflag:s0] =	ssyncadd.s32 @!p0 s1  }
0x73: {  	[bflag:$0x3] =	sbarrier.arrive $0xFFFF  }
0x74: {  	_ =	shalt  }

// kernel: scatter_offload_async_start
scs
__scs_entry_jumppad:
0x0: {  	(pc) =	sbr.rel $0x88, $3  }
0x1: {  	(tag) =	ssettag $0x0;
	lr =	simm.s32 $0x1  }
0x2: {  	[smem:$0x3F97] =	sst lr;
	_ =	strace $0xD0000000  }
0x3: {  	_ = 	snop  }
0x4: {  	_ = 	snop  }
0x5: {  	_ = 	snop  }
0x6: {  	_ = 	snop  }
0x7: {  	_ = 	snop  }
__scs_overlays_trampoline_lowered:
0x8: {  	[smem:$0x3FA6] =	sst s0  }
0x9: {  	[smem:$0x3FA7] =	sst s1  }
0xa: {  	[smem:$0x3FA8] =	sst s2  }
0xb: {  	[smem:$0x3FA9] =	sst s3  }
0xc: {  	[smem:$0x3FAA] =	sst s4  }
0xd: {  	[smem:$0x3FAB] =	sst s5  }
0xe: {  	[smem:$0x3FAC] =	sst s6  }
0xf: {  	[smem:$0x3FAD] =	sst s7  }
0x10: {  	[smem:$0x3FAE] =	sst s8  }
0x11: {  	[smem:$0x3FAF] =	sst s9;
	s0 =	simm.s32 @!p0 $0x0  }
0x12: {  	s1 =	sld [smem:$0x3F95];
	s0 =	simm.s32 @p0 $0x1  }
0x13: {  	[smem:$0x3FB0] =	sst s0;
	s0 =	simm.s32 @!p1 $0x0  }
0x14: {  	s2 =	sld [smem:$0x3F94];
	s0 =	simm.s32 @p1 $0x1  }
0x15: {  	[smem:$0x3FB1] =	sst s0;
	s0 =	simm.s32 @!p2 $0x0  }
0x16: {  	s3 =	sld [smem:$0x3FDB];
	s0 =	simm.s32 @p2 $0x1  }
0x17: {  	s4 =	simm.s32 $0x1BF5;
	[smem:$0x3FB3] =	sst s0  }
0x18: {  	s0 =	sld [smem:$0x3F96];
	_ =	swait.ge [sflag:s4], $0x0  }
0x19: {  	s7 =	sld [smem:$0x3F97]  }
0x1a: {  	s8 =	sadd.s32 $0xFFFFE003, lr  }
0x1b: {  	s9 =	sadd.s32 $0xFFFFFEF7, lr;
	s5 =	simm.s32 $0xFFFFFFFF;
	p2 =	slt.u32 s8, $0xFFFFF086  }
0x1c: {  	p1 =	slt.u32 s9, $0xF7A;
	s5 =	simm.s32 @!p2 $0x0  }
0x1d: {  	s5 =	simm.s32 @p1 $0x1;
	p0 =	seq.s32 s7, s2  }
0x1e: {  	s7 =	smul.u32 @!p0 $0xF7A, s2;
	p2 =	seq.s32 @!p0 s5, $0x0  }
0x1f: {  	s9 =	smul.u32 $0xF7A, s1;
	s8 =	simm.s32 @!p0 $0x1BF5;
	p2 =	por !p2, p0  }
0x20: {  	[sflag:s8] =	ssyncset.s32 @!p0 $0xFFFFF086;
	s6 =	sadd.s32 @!p0 s3, s7;
	s7 =	simm.s32 @!p0 $0x108  }
0x21: {  	s3 =	sadd.s32 s3, s9;
	s6 =	sadd.s32 @!p0 $0x88, s6;
	s7 =	simm.s32 @p2 $0x1082  }
0x22: {  	[simem:s7], [sflag:s8] =	dma.local @!p0 [hbm:s6], $0xF7A  }
0x23: {  	s9 =	sor.u32 $0xD0000000, s2;
	s6 =	simm.s32 $0x108;
	_ =	swait.ge @!p0 [sflag:s8], $0x0  }
0x24: {  	s3 =	sadd.s32 $0x88, s3;
	s6 =	simm.s32 @!p1 $0x1082;
	[sflag:s4] =	ssyncset.s32 $0xFFFFF086  }
0x25: {  	[simem:s6], [sflag:s4] =	dma.local [hbm:s3], $0xF7A  }
0x26: {  	[smem:$0x3F97] =	sst s1;
	(tag) =	ssettag s2;
	_ =	strace s9  }
0x27: {  	s1 =	sld [smem:$0x3FA7]  }
0x28: {  	s2 =	sld [smem:$0x3FA8]  }
0x29: {  	s4 =	sld [smem:$0x3FAA]  }
0x2a: {  	p0 =	seq.s32 s5, $0x0;
	s5 =	sld [smem:$0x3FAB]  }
0x2b: {  	s6 =	sld [smem:$0x3FAC]  }
0x2c: {  	s7 =	sld [smem:$0x3FAD]  }
0x2d: {  	s3 =	simm.s32 $0x108;
	s8 =	sld [smem:$0x3FAE]  }
0x2e: {  	s3 =	simm.s32 @!p0 $0x1082;
	s9 =	sld [smem:$0x3FAF]  }
0x2f: {  	lr =	sadd.s32 s0, s3;
	s0 =	sld [smem:$0x3FA6]  }
0x30: {  	s3 =	sld [smem:$0x3FA9]  }
0x31: {  	[smem:$0x3FB2] =	sst s10  }
0x32: {  	s10 =	sld [smem:$0x3FB0];
	_ =	sdelay $0x3  }
0x33: {  	p0 =	seq.s32 s10, $0x1;
	s10 =	sld [smem:$0x3FB2];
	_ =	sdelay $0x3  }
0x34: {  	[smem:$0x3FB2] =	sst s10  }
0x35: {  	s10 =	sld [smem:$0x3FB1];
	_ =	sdelay $0x3  }
0x36: {  	p1 =	seq.s32 s10, $0x1;
	s10 =	sld [smem:$0x3FB2];
	_ =	sdelay $0x3  }
0x37: {  	[smem:$0x3FB2] =	sst s10  }
0x38: {  	s10 =	sld [smem:$0x3FB3]  }
0x39: {  	_ = 	snop;
	(pc) =	sbr.ind lr, $3  }
0x3a: {  	_ = 	snop  }
0x3b: {  	_ = 	snop  }
0x3c: {  	p2 =	seq.s32 s10, $0x1;
	s10 =	sld [smem:$0x3FB2]  }
0x3d: {  	_ =	shalt  }
0x3e: {  	_ =	shalt  }
0x3f: {  	_ =	shalt  }
0x40: {  	_ =	shalt  }
0x41: {  	_ =	shalt  }
0x42: {  	_ =	shalt  }
0x43: {  	_ =	shalt  }
0x44: {  	_ =	shalt  }
0x45: {  	_ =	shalt  }
0x46: {  	_ =	shalt  }
0x47: {  	_ =	shalt  }
0x48: {  	_ =	shalt  }
0x49: {  	_ =	shalt  }
0x4a: {  	_ =	shalt  }
0x4b: {  	_ =	shalt  }
0x4c: {  	_ =	shalt  }
0x4d: {  	_ =	shalt  }
0x4e: {  	_ =	shalt  }
0x4f: {  	_ =	shalt  }
0x50: {  	_ =	shalt  }
0x51: {  	_ =	shalt  }
0x52: {  	_ =	shalt  }
0x53: {  	_ =	shalt  }
0x54: {  	_ =	shalt  }
0x55: {  	_ =	shalt  }
0x56: {  	_ =	shalt  }
0x57: {  	_ =	shalt  }
0x58: {  	_ =	shalt  }
0x59: {  	_ =	shalt  }
0x5a: {  	_ =	shalt  }
0x5b: {  	_ =	shalt  }
0x5c: {  	_ =	shalt  }
0x5d: {  	_ =	shalt  }
0x5e: {  	_ =	shalt  }
0x5f: {  	_ =	shalt  }
0x60: {  	_ =	shalt  }
0x61: {  	_ =	shalt  }
0x62: {  	_ =	shalt  }
0x63: {  	_ =	shalt  }
0x64: {  	_ =	shalt  }
0x65: {  	_ =	shalt  }
0x66: {  	_ =	shalt  }
0x67: {  	_ =	shalt  }
0x68: {  	_ =	shalt  }
0x69: {  	_ =	shalt  }
0x6a: {  	_ =	shalt  }
0x6b: {  	_ =	shalt  }
0x6c: {  	_ =	shalt  }
0x6d: {  	_ =	shalt  }
0x6e: {  	_ =	shalt  }
0x6f: {  	_ =	shalt  }
0x70: {  	_ =	shalt  }
0x71: {  	_ =	shalt  }
0x72: {  	_ =	shalt  }
0x73: {  	_ =	shalt  }
0x74: {  	_ =	shalt  }
0x75: {  	_ =	shalt  }
0x76: {  	_ =	shalt  }
0x77: {  	_ =	shalt  }
0x78: {  	_ =	shalt  }
0x79: {  	_ =	shalt  }
0x7a: {  	_ =	shalt  }
0x7b: {  	_ =	shalt  }
0x7c: {  	_ =	shalt  }
0x7d: {  	_ =	shalt  }
0x7e: {  	_ =	shalt  }
0x7f: {  	_ =	shalt  }
0x80: {  	_ =	shalt  }
0x81: {  	_ =	shalt  }
0x82: {  	_ =	shalt  }
0x83: {  	_ =	shalt  }
0x84: {  	_ =	shalt  }
0x85: {  	_ =	shalt  }
0x86: {  	_ =	shalt  }
0x87: {  	_ =	shalt  }
.Lfunc_end0:
.L_simem_size_0:
called_computation_lowered:
.L_overlay_start_0:
0x88: {  	s0 =	sld [smem:$0x3FD9]  }
0x89: {  	s1 =	sld [smem:$0x3FFE];
	_ =	sdelay $0x3  }
0x8a: {  	s0 =	sadd.s32 s1, s0  }
0x8b: {  	[smem:$0x3FBE] =	sst s0  }
0x8c: {  	_ = 	snop  }
0x8d: {  	s0 =	sld [smem:$0x3FD0];
	(tm) =	ssettm $0x1  }
0x8e: {  	s16 =	sld [smem:$0x3FFB];
	_ =	sdelay $0x3  }
0x8f: {  	_ =	strace s16  }
0x90: {  	s1 =	sld [smem:$0x3FFC];
	_ =	sdelay $0x3  }
0x91: {  	_ =	strace s1  }
0x92: {  	s1 =	sld [smem:$0x3FFD];
	_ =	sdelay $0x3  }
0x93: {  	_ =	strace s1  }
0x94: {  	_ =	strace $0x8FFFFFFF  }
0x95: {  	s17 =	sld [smem:$0x3FDB];
	_ =	sdelay $0x1  }
0x96: {  	s2 =	simm.s32 $_scs_section_size  }
0x97: {  	s3 =	simm.s32 $_size__tile_overlayer_lowered;
	s4 =	simm.s32 $_tile_overlayer_lowered  }
0x98: {  	s20 =	simm.s32 $0x1BFF;
	s19 =	sshll.u32 s4, $0x1;
	s1 =	sadd.s32 s2, s17  }
0x99: {  	s5 =	simm.s32 $0x0;
	s18 =	sshll.u32 s3, $0x1;
	s3 =	sadd.s32 s19, s1  }
0x9a: {  	[timem:s5], [sflag:s20] =	dma.local [hbm:s3], s18  }
0x9b: {  	_ =	swait.ge [sflag:s20], s18  }
0x9c: {  	s2 =	ssub.s32 $0x0, s18;
	[sflag:s20] =	ssyncset.done $0x0  }
0x9d: {  	[sflag:s20] =	ssyncadd.s32 s2;
	_ =	sdelay $0x1  }
0x9e: {  	s21 =	simm.s32 $0x1B8B  }
0x9f: {  	_ =	swait.ge [sflag:s21], $0x1  }
0xa0: {  	[sflag:s21] =	ssyncset.done $0x0  }
0xa1: {  	s23 =	simm.s32 $0x1B8E;
	s22 =	sld [smem:$0x3FFE];
	[sflag:s21] =	ssyncadd.s32 $0xFFFFFFFF  }
0xa2: {  	s24 =	simm.s32 $execute0_lowered;
	[smem:$0x3FD2] =	sst s23  }
0xa3: {  	s3 =	sshll.u32 s24, $0x1;
	_ =	strace $0x8000004C;
	[dreg:$0x1] =	wrdreg $0xFFFFFFFF  }
0xa4: {  	s25 =	simm.s32 $_size_execute0_lowered;
	s1 =	sadd.s32 s1, s3;
	[dreg:$0x0] =	wrdreg $0x0  }
0xa5: {  	s3 =	sshll.u32 s25, $0x1;
	[dreg:$0x2] =	wrdreg s1  }
0xa6: {  	[dreg:$0x3] =	wrdreg s3  }
0xa7: {  	[dreg:$0x4] =	wrdreg $0xC0  }
0xa8: {  	_ =	task [dreg:s5], $0x5FFFF  }
0xa9: {  	[dreg:$0x1] =	wrdreg $0xFFFFFFFF  }
0xaa: {  	[dreg:$0x0] =	wrdreg $0x60  }
0xab: {  	[dreg:$0x2] =	wrdreg s0  }
0xac: {  	[dreg:$0x3] =	wrdreg s22  }
0xad: {  	[dreg:$0x4] =	wrdreg $0x9  }
0xae: {  	_ =	task.clear_ibuf [dreg:s5], $0x5FFFF;
	_ =	strace $0x9000004C  }
0xaf: {  	s26 =	simm.s32 $0x9;
	_ =	strace $0x8000004E  }
0xb0: {  	_ =	swait.ge [sflag:s26], $0x1  }
0xb1: {  	[sflag:s26] =	ssyncadd.s32 $0xFFFFFFFF  }
0xb2: {  	_ =	strace $0x9000004E  }
0xb3: {  	_ =	sfence  }
0xb4: {  	s28 =	sld [smem:$0x0];
	_ =	sdelay $0x1  }
0xb5: {  	s29 =	srdreg.scid  }
0xb6: {  	s30 =	sshll.u32 s29, $0xD;
	s31 =	sshrl.u32 s29, $0x2  }
0xb7: {  	s2 =	sand.u32 $0x4000, s30;
	s1 =	sand.u32 $0x1, s29;
	s0 =	sadd.s32 s31, s28  }
0xb8: {  	s1 =	sor.u32 s2, s1;
	s0 =	sshll.u32 s0, $0x11  }
0xb9: {  	s0 =	sor.u32 s0, s1  }
0xba: {  	s0 =	sadd.s32 $0x8F2B, s0  }
0xbb: {  	[sflag:s0] =	ssyncadd.remote.s32 $0x1  }
0xbc: {  	_ =	sfence.sel $0xFFFF  }
0xbd: {  	[dreg:$0x0] =	wrdreg $0xFFFFFFFF;
	(pc) =	sbr.abs _section_cstart, $3  }
0xbe: {  	[dreg:$0x1] =	wrdreg $0xFFFFFFFF  }
0xbf: {  	_ =	task.clear_ibuf [dreg:s5], $0x2FFFF;
	_ =	strace $0x9FFFFFFF  }
0xc0: {  	(tm) =	ssettm $0x7FFFFFFF  }
0xc1: {  	_ =	shalt  }
tec
execute0_lowered:
.L_overlay_start_1:
0x0: {  	(tag) =	ssettag $0x1  }
0x1: {  	s1 =	rddreg [dreg:$0x0]  }
0x2: {  	s7 =	rddreg [dreg:$0x1]  }
0x3: {  	s0 =	rddreg [dreg:$0x2]  }
0x4: {  	s3 =	stileid.u32;
	_ =	strace $0x8000004D;
	s4 =	simm.s32 $0x3E  }
0x5: {  	p0 =	sne.s32 s3, $0x0;
	[sflag:s4] =	ssyncpa.u1 $0x0;
	s29 =	smul.u32 $0x30D, s3  }
0x6: {  	s30 =	smin.u32 s3, $0x4;
	s2 =	simm.s32 @!p0 $0x1C3E;
	s5 =	simm.s32 @!p0 $0x0  }
0x7: {  	[spmem:s5], [sflag:s2] =	dma.local @!p0 [hbm:s1], $0x4E80  }
0x8: {  	s2 =	sadd.s32 s30, s29  }
0x9: {  	p1 =	slt.u32 s3, $0x4;
	s3 =	simm.s32 $0x5F7580;
	s2 =	smul.u32 $0x1F40, s2  }
0xa: {  	s3 =	simm.s32 @!p1 $0x5F5640  }
0xb: {  	s3 =	sadd.s32 s3, s2  }
0xc: {  	s3 =	smin.u32 s3, $0x5F5E100  }
0xd: {  	s8 =	ssub.s32 s3, s2  }
0xe: {  	p1 =	sgt.s32 s8, $0x0  }
0xf: {  	s8 =	simm.s32 @!p1 $0x0  }
0x10: {  	s5 =	simm.s32 @!p0 $0x3E;
	s31 =	smulhi.u32 $0x10624DD3, s8  }
0x11: {  	_ =	swait.ge @!p0 [sflag:s5], $0x4E80  }
0x12: {  	s6 =	simm.s32 $0x2;
	[sflag:s5] =	ssyncset.done @!p0 $0x0;
	s9 =	sshrl.u32 s31, $0x9  }
0x13: {  	s11 =	simm.s32 $0x0;
	[sflag:s5] =	ssyncadd.s32 @!p0 $0xFFFFB180;
	s10 =	smul.u32 $0x1F40, s9  }
.Ltmp0:
0x14: {  	s5 =	sadd.s32 $0x400, s7;
	[bflag:$0x0] =	sbarrier.arrive $0xFFFF;
	(pc) =	sbr.rel .LBB2_1-.Ltmp0, $4  }
0x15: {  	s7 =	sadd.s32 $0xBEC400, s7;
	[sflag:s4] =	ssyncpa.u1 $0x1;
	s4 =	simm.s32 $0x1  }
0x16: {  	[sflag:s4] =	ssyncpa.u1 $0x0;
	p1 =	sne.s32 s8, s10;
	s8 =	simm.s32 $0x1  }
0x17: {  	(ifvalue) =	ssetifvalue $0x27400;
	[sflag:s6] =	ssyncpa.u1 $0x0;
	s8 =	simm.s32 @!p1 $0x0  }
0x18: {  	vm0 =	vmmov $0xffff;
	s10 =	smov.u32 s2;
	s8 =	sadd.s32 s8, s9;
	s9 =	simm.s32 $0x0  }
.LBB2_5:
0x19: {  	p2 =	sne.s32 s11, s8  }
.Ltmp1:
0x1a: {  	_ = 	snop;
	(pc) =	sbr.rel @!p2 .LBB2_6-.Ltmp1, $4  }
0x1b: {  	_ = 	snop  }
0x1c: {  	s12 =	sadd.s32 $0x1F40, s10  }
0x1d: {  	s10 =	smov.u32 s2;
	s13 =	sadd.s32 $0x1, s11;
	p1 =	slt.s32 s12, s3  }
0x1e: {  	s11 =	smov.u32 s13;
	s10 =	smov.u32 @p1 s12  }
.LBB2_1:
0x1f: {  	p1 =	sge.u32 s11, s8  }
0x20: {  	s12 =	sxor.u32 @!p1 $0xFFFFFFFF, s11  }
0x21: {  	s12 =	sand.u32 @!p1 $0x1, s12  }
0x22: {  	s12 =	smul.u32 @!p1 $0x1F40, s12  }
0x23: {  	s13 =	sshrl.u32 @!p1 s10, $0x3  }
0x24: {  	s16 =	sand.u32 @!p1 $0x7, s10;
	s14 =	sadd.s32 @!p1 s5, s13;
	s15 =	sadd.s32 @!p1 $0x2740, s12  }
0x25: {  	[tilespmem:s15], [sflag:$0x2] =	stream.linear.gather @!p1 [hbm4b:s14+s16], $0x1F40, $0x38;
	[tilespmem:$0xA440] =	vst v63  }
0x26: {  	s13 =	sadd.s32 @!p1 s7, s13;
	s12 =	sadd.s32 @!p1 $0x65C0, s12  }
0x27: {  	[tilespmem:s12], [sflag:$0x2] =	stream.linear.gather @!p1 [hbm4b:s13+s16], $0x1F40, $0x38;
	[tilespmem:$0xA440] =	vst v63  }
0x28: {  	p1 =	seq.s32 s11, $0x0  }
.Ltmp2:
0x29: {  	_ = 	snop;
	(pc) =	sbr.rel @p1 .LBB2_5-.Ltmp2, $1  }
0x2a: {  	_ =	sdelay $0x3  }
0x2b: {  	s12 =	sand.u32 $0x1, s11  }
0x2c: {  	_ =	swait.ge [sflag:s6], $0x3E80;
	p1 =	seq.s32 s12, $0x1;
	s12 =	simm.s32 $0x1F40  }
0x2d: {  	[sflag:s6] =	ssyncset.done $0x0;
	s12 =	simm.s32 @!p1 $0x0  }
0x2e: {  	[sflag:s6] =	ssyncadd.s32 $0xFFFFC180;
	s14 =	sadd.s32 $0x2740, s12  }
0x2f: {  	v0 =	vld.msk [tilespmem:s14+$0x0 ss:$0x1], $0xffff;
	_ =	sdelay $0x4  }
0x30: {  	v0 =	vmin.u32 v0, $0x27400;
	_ =	sdelay $0x3  }
0x31: {  	s13 =	simm.s32 $0x0;
	s12 =	sadd.s32 $0x65C0, s12;
	s14 =	sadd.s32 $0x10, s14  }
0x32: {  	[spmem:s9] =	stream.indirect_vreg.scatter.add.s32 [tilespmem:s12], [sflag:$0x1], $0x1, v0, vm0, $0x4038;
	[tilespmem:$0xA440] =	vst v63  }
.LBB2_3:
0x33: {  	v0 =	vld.msk [tilespmem:s14+$0x0 ss:$0x1], $0xffff;
	s13 =	sadd.s32 $0x10, s13  }
0x34: {  	p1 =	slt.u32 s13, $0x1F30;
	_ =	sdelay $0x4  }
0x35: {  	v0 =	vmin.u32 v0, $0x27400  }
.Ltmp3:
0x36: {  	(pc) =	sbr.rel @p1 .LBB2_3-.Ltmp3, $3  }
0x37: {  	_ =	sdelay $0x1  }
0x38: {  	s14 =	sadd.s32 $0x10, s14;
	s12 =	sadd.s32 $0x10, s12  }
0x39: {  	[spmem:s9] =	stream.indirect_vreg.scatter.add.s32 [tilespmem:s12], [sflag:$0x1], $0x1, v0, vm0, $0x4038;
	[tilespmem:$0xA440] =	vst v63  }
.Ltmp4:
0x3a: {  	(pc) =	sbr.rel .LBB2_5-.Ltmp4, $4  }
0x3b: {  	_ = 	snop  }
0x3c: {  	_ =	swait.ge [sflag:s4], $0x1F40  }
0x3d: {  	[sflag:s4] =	ssyncset.done $0x0  }
0x3e: {  	[sflag:s4] =	ssyncadd.s32 $0xFFFFE0C0  }
.LBB2_6:
0x3f: {  	_ =	sfence.sel $0x180000  }
0x40: {  	s2 =	simm.s32 $0x2;
	[bflag:$0x0] =	sbarrier.arrive $0xFFFF  }
0x41: {  	s30 =	simm.s32 $0x1;
	[sflag:s2] =	ssyncpa.u1 $0x1  }
0x42: {  	[sflag:s30] =	ssyncpa.u1 $0x1  }
0x43: {  	_ =	sfence.stream.spmem  }
0x44: {  	s31 =	simm.s32 $0x3D;
	[bflag:$0x0] =	sbarrier.arrive $0xFFFF  }
0x45: {  	s2 =	simm.s32 @p0 $0x3D;
	[sflag:s31] =	ssyncpa.u1 $0x0  }
0x46: {  	[sflag:s2] =	ssyncpa.u1 @p0 $0x1  }
0x47: {  	[bflag:$0x0] =	sbarrier.arrive @p0 $0xFFFF  }
0x48: {  	_ =	strace @p0 $0x9000004D  }
0x49: {  	s3 =	simm.s32 @!p0 $0x1C3D;
	s2 =	simm.s32 @!p0 $0x0;
	[bflag:$0x2] =	sbarrier.arrive @p0 $0xFFFF  }
0x4a: {  	[hbm:s1], [sflag:s3] =	dma.local @!p0 [spmem:s2], $0x4E80  }
0x4b: {  	s1 =	simm.s32 @!p0 $0x3D  }
0x4c: {  	_ =	swait.ge @!p0 [sflag:s1], $0x4E80  }
0x4d: {  	[sflag:s1] =	ssyncset.done @!p0 $0x0  }
0x4e: {  	[sflag:s1] =	ssyncadd.s32 @!p0 $0xFFFFB180  }
0x4f: {  	[sflag:s1] =	ssyncpa.u1 @!p0 $0x1  }
0x50: {  	[bflag:$0x0] =	sbarrier.arrive @!p0 $0xFFFF  }
0x51: {  	_ =	strace @!p0 $0x9000004D  }
0x52: {  	s0 =	sadd.s32 @!p0 $0x100000, s0;
	[bflag:$0x2] =	sbarrier.arrive @!p0 $0xFFFF  }
0x53: {  	[sflag:s0] =	ssyncadd.tile.s32 @!p0 $0x1;
	_ =	shalt  }
.Lfunc_end2:
_tile_overlayer_lowered:
.L_overlay_start_2:
0x54: {  	(tag) =	ssettag $0x2  }
0x55: {  	s0 =	rddreg [dreg:$0x0];
	s2 =	stileid.u32  }
0x56: {  	s1 =	rddreg [dreg:$0x1];
	p0 =	sne.s32 s2, $0x0  }
0x57: {  	s3 =	rddreg [dreg:$0x2];
	[bflag:$0x3] =	sbarrier.arrive $0xFFFF;
	s2 =	simm.s32 @!p0 $0x1C01  }
0x58: {  	[timem:s3], [sflag:s2] =	dma.local @!p0 [hbm:s0], s1  }
0x59: {  	s0 =	simm.s32 @!p0 $0x1  }
0x5a: {  	_ =	swait.ge @!p0 [sflag:s0], s1  }
0x5b: {  	s1 =	ssub.s32 @!p0 $0x0, s1;
	[sflag:s0] =	ssyncset.done @!p0 $0x0  }
0x5c: {  	[sflag:s0] =	ssyncadd.s32 @!p0 s1  }
0x5d: {  	[bflag:$0x3] =	sbarrier.arrive $0xFFFF  }
0x5e: {  	_ =	shalt  }

// kernel: sparse-core-data-format-call.1.cloned.1.call-start
scs
called_computation.2_lowered:
.L_overlay_start_0:
0x0: {  	s1 =	sld [smem:$0x3FD9]  }
0x1: {  	s2 =	sld [smem:$0x3FFE];
	_ =	sdelay $0x1  }
0x2: {  	s3 =	srdreg.scid  }
0x3: {  	s0 =	sand.u32 $0x1, s3  }
0x4: {  	s17 =	sshll.u32 s0, $0xA;
	s1 =	sadd.s32 s2, s1  }
0x5: {  	s1 =	sadd.s32 s1, s17  }
0x6: {  	[smem:$0x3FBE] =	sst s1  }
0x7: {  	_ = 	snop  }
0x8: {  	(tm) =	ssettm $0x1  }
0x9: {  	s18 =	sld [smem:$0x3FFB];
	_ =	sdelay $0x3  }
0xa: {  	_ =	strace s18  }
0xb: {  	s1 =	sld [smem:$0x3FFC];
	_ =	sdelay $0x3  }
0xc: {  	_ =	strace s1  }
0xd: {  	s1 =	sld [smem:$0x3FFD];
	_ =	sdelay $0x3  }
0xe: {  	_ =	strace s1  }
0xf: {  	_ =	strace $0x8FFFFFFF  }
0x10: {  	s19 =	sld [smem:$0x3FDB];
	_ =	sdelay $0x1  }
0x11: {  	s20 =	simm.s32 $_scs_section_size  }
0x12: {  	s4 =	simm.s32 $_size__tile_overlayer_lowered;
	s5 =	simm.s32 $_tile_overlayer_lowered  }
0x13: {  	s23 =	simm.s32 $0x1BFF;
	s22 =	sshll.u32 s5, $0x1;
	s1 =	sadd.s32 s20, s19  }
0x14: {  	s6 =	simm.s32 $0x0;
	s21 =	sshll.u32 s4, $0x1;
	s4 =	sadd.s32 s22, s1  }
0x15: {  	[timem:s6], [sflag:s23] =	dma.local [hbm:s4], s21  }
0x16: {  	_ =	swait.ge [sflag:s23], s21  }
0x17: {  	s2 =	ssub.s32 $0x0, s21;
	[sflag:s23] =	ssyncset.done $0x0  }
0x18: {  	[sflag:s23] =	ssyncadd.s32 s2;
	_ =	sdelay $0x1  }
0x19: {  	s24 =	simm.s32 $0x1B8B  }
0x1a: {  	_ =	swait.ge [sflag:s24], $0x1  }
0x1b: {  	[sflag:s24] =	ssyncset.done $0x0  }
0x1c: {  	s26 =	simm.s32 $0x1B8E;
	s25 =	sld [smem:$0x3FFE];
	[sflag:s24] =	ssyncadd.s32 $0xFFFFFFFF  }
0x1d: {  	s27 =	simm.s32 $execute0_lowered;
	[smem:$0x3FD2] =	sst s26  }
0x1e: {  	s4 =	sshll.u32 s27, $0x1;
	_ =	strace $0x80000046;
	[dreg:$0x1] =	wrdreg $0xFFFFFFFF  }
0x1f: {  	s28 =	simm.s32 $_size_execute0_lowered;
	s1 =	sadd.s32 s1, s4;
	[dreg:$0x0] =	wrdreg $0x0  }
0x20: {  	s4 =	sshll.u32 s28, $0x1;
	[dreg:$0x2] =	wrdreg s1  }
0x21: {  	[dreg:$0x3] =	wrdreg s4  }
0x22: {  	[dreg:$0x4] =	wrdreg $0xC0  }
0x23: {  	_ =	task [dreg:s6], $0x5FFFF  }
0x24: {  	[dreg:$0x1] =	wrdreg $0xFFFFFFFF  }
0x25: {  	[dreg:$0x0] =	wrdreg $0x60  }
0x26: {  	[dreg:$0x2] =	wrdreg s25  }
0x27: {  	[dreg:$0x3] =	wrdreg $0x9  }
0x28: {  	_ =	task.clear_ibuf [dreg:s6], $0x4FFFF;
	_ =	strace $0x90000046  }
0x29: {  	s29 =	simm.s32 $0x9;
	_ =	strace $0x80000048  }
0x2a: {  	_ =	swait.ge [sflag:s29], $0x1  }
0x2b: {  	[sflag:s29] =	ssyncadd.s32 $0xFFFFFFFF  }
0x2c: {  	_ =	strace $0x90000048  }
0x2d: {  	_ =	sfence  }
0x2e: {  	s30 =	sld [smem:$0x0];
	_ =	sdelay $0x2  }
0x2f: {  	s31 =	sshll.u32 s3, $0xD;
	s3 =	sshrl.u32 s3, $0x2  }
0x30: {  	s2 =	sand.u32 $0x4000, s31;
	s1 =	sadd.s32 s3, s30  }
0x31: {  	s0 =	sor.u32 s2, s0;
	s1 =	sshll.u32 s1, $0x11  }
0x32: {  	s0 =	sor.u32 s1, s0  }
0x33: {  	s0 =	sadd.s32 $0x8F2B, s0  }
0x34: {  	[sflag:s0] =	ssyncadd.remote.s32 $0x1  }
0x35: {  	_ =	sfence.sel $0xFFFF  }
0x36: {  	[dreg:$0x0] =	wrdreg $0xFFFFFFFF;
	(pc) =	sbr.abs _section_cstart, $3  }
0x37: {  	[dreg:$0x1] =	wrdreg $0xFFFFFFFF  }
0x38: {  	_ =	task.clear_ibuf [dreg:s6], $0x2FFFF;
	_ =	strace $0x9FFFFFFF  }
0x39: {  	(tm) =	ssettm $0x7FFFFFFF  }
tec
execute0_lowered:
.L_overlay_start_1:
0x0: {  	(tag) =	ssettag $0x1  }
0x1: {  	s0 =	srdreg.scid  }
0x2: {  	s4 =	rddreg [dreg:$0x0];
	s1 =	stileid.u32  }
0x3: {  	s5 =	simm.s32 $0x1;
	s7 =	simm.s32 $0x2;
	s0 =	sshll.u32 s0, $0x4  }
0x4: {  	s11 =	simm.s32 $0x0;
	p0 =	por $0x0, $0x0;
	s2 =	sand.u32 $0x10, s0  }
.Ltmp0:
0x5: {  	s8 =	simm.s32 $0x5F6000;
	s3 =	sor.u32 s1, s2;
	(pc) =	sbr.rel .LBB1_1-.Ltmp0, $4  }
0x6: {  	s0 =	rddreg [dreg:$0x1];
	_ =	strace $0x80000047;
	s3 =	sshll.u32 s3, $0x7  }
0x7: {  	s10 =	simm.s32 $0x0;
	s2 =	sadd.s32 $0xC0E400, s4;
	s6 =	ssub.s32 $0xBEB80, s3  }
0x8: {  	s4 =	sadd.s32 $0x400, s4;
	[sflag:s5] =	ssyncpa.u1 $0x0;
	s6 =	sshrl.u32 s6, $0xC  }
0x9: {  	[sflag:s7] =	ssyncpa.u1 $0x0;
	s9 =	smov.u32 s3;
	s7 =	sadd.s32 $0x2, s6  }
.LBB1_5:
0xa: {  	s13 =	sadd.s32 $0x1000, s9  }
0xb: {  	p2 =	sgt.s32 s13, $0xBEBC1  }
0xc: {  	s13 =	smov.u32 @p2 s3;
	p2 =	sne.s32 s10, s7  }
.Ltmp1:
0xd: {  	p1 =	slt.u32 s10, $0x2;
	(pc) =	sbr.rel @!p2 .LBB1_6-.Ltmp1, $4  }
0xe: {  	s12 =	simm.s32 @!p1 $0x2  }
0xf: {  	s14 =	sadd.s32 $0x1, s10;
	_ =	swait.ge @!p1 [sflag:s12], $0x4000  }
0x10: {  	s11 =	smov.u32 s9;
	p0 =	por !p0, !p0;
	[sflag:s12] =	ssyncset.done @!p1 $0x0  }
0x11: {  	s10 =	smov.u32 s14;
	s9 =	smov.u32 s13;
	[sflag:s12] =	ssyncadd.s32 @!p1 $0xFFFFC000  }
.LBB1_1:
0x12: {  	p1 =	sgt.u32 s10, s6  }
0x13: {  	s12 =	sand.u32 @!p1 $0x1FFFFFF, s9  }
0x14: {  	p2 =	sgt.s32 @!p1 s9, $0xBEB48;
	s13 =	smulhi.u32 @!p1 $0x2AF3083, s12  }
0x15: {  	s14 =	smov.u32 s9;
	s15 =	sshra.s32 @!p1 s9, $0x1F;
	p2 =	por !p2, p1  }
0x16: {  	s15 =	sand.u32 @!p1 s15, s9;
	s14 =	simm.s32 @p2 $0xBEB48;
	s13 =	sshrl.u32 @!p1 s13, $0xD  }
0x17: {  	s14 =	ssub.s32 @!p1 s14, s15;
	s13 =	smul.u32 @!p1 $0xBEBC8, s13  }
0x18: {  	s15 =	sxor.u32 @!p1 $0xFFFFFFFF, s10;
	s14 =	sadd.s32 @!p1 $0xFFF414B8, s14  }
0x19: {  	s15 =	sshll.u32 @!p1 s15, $0xE;
	s12 =	ssub.s32 @!p1 s12, s13;
	s13 =	sshll.u32 @!p1 s14, $0x9  }
0x1a: {  	s15 =	sand.u32 @!p1 $0x4000, s15;
	p2 =	sgt.s32 @!p1 s14, $0x7F;
	s13 =	ssub.s32 @!p1 $0x10000, s13  }
0x1b: {  	p2 =	por !p2, p1;
	s12 =	sshll.u32 @!p1 s12, $0x4;
	s13 =	sshrl.u32 @!p1 s13, $0x2  }
0x1c: {  	s14 =	simm.s32 @!p1 $0x0;
	s12 =	sadd.s32 @!p1 s2, s12;
	s13 =	simm.s32 @!p2 $0x0  }
0x1d: {  	[tilespmem:s15], [sflag:$0x1] =	stream.linear.gather @!p1 [hbm4b:s12+s14], s13, $0x38;
	[tilespmem:$0x10100] =	vst v63  }
0x1e: {  	p1 =	seq.s32 s10, $0x0  }
0x1f: {  	p2 =	sge.u32 @!p1 s10, s7  }
0x20: {  	p1 =	por p1, p2  }
.Ltmp2:
0x21: {  	_ = 	snop;
	(pc) =	sbr.rel @p1 .LBB1_5-.Ltmp2, $1  }
0x22: {  	_ =	sdelay $0x3  }
0x23: {  	p1 =	sgt.s32 s11, $0xBEB48;
	s12 =	smov.u32 s11;
	s13 =	sshra.s32 s11, $0x1F  }
0x24: {  	s12 =	simm.s32 @!p1 $0xBEB48;
	s13 =	sand.u32 s13, s11  }
0x25: {  	s12 =	ssub.s32 s12, s13  }
0x26: {  	s12 =	sadd.s32 $0xFFF414B8, s12  }
0x27: {  	s29 =	sshll.u32 s12, $0x9  }
0x28: {  	s13 =	ssub.s32 $0x10000, s29  }
0x29: {  	p1 =	sgt.s32 s12, $0x7F;
	s12 =	sshrl.u32 s13, $0x2  }
0x2a: {  	s13 =	simm.s32 $0x1;
	s12 =	simm.s32 @p1 $0x0  }
0x2b: {  	s13 =	simm.s32 @!p0 $0x0;
	_ =	swait.ge [sflag:s5], s12  }
0x2c: {  	s14 =	sshll.u32 s13, $0xE;
	s12 =	ssub.s32 $0x0, s12;
	[sflag:s5] =	ssyncset.done $0x0  }
0x2d: {  	s15 =	sor.u32 $0x40, s14;
	[sflag:s5] =	ssyncadd.s32 s12  }
0x2e: {  	s30 =	smul.u32 $0x10200, s13;
	v0 =	vld [tilespmem:s15+$0x30]  }
0x2f: {  	v1 =	vld [tilespmem:s15+$0xFFFFFFD0]  }
0x30: {  	s12 =	sshrl.u32 s30, $0x2;
	v5 =	vld [tilespmem:s15+$0xFFFFFFE0]  }
0x31: {  	s13 =	sor.u32 $0x8000, s12;
	v6 =	vld [tilespmem:s15+$0xFFFFFFF0]  }
0x32: {  	s31 =	sand.u32 $0x1, s10;
	v2 =	vld [tilespmem:s15+$0x0];
	s14 =	sadd.s32 $0x0, s13  }
0x33: {  	s12 =	smul.u32 $0x10200, s31;
	v3 =	vld [tilespmem:s15+$0x10];
	[tilespmem:s14+$0x3870 ss:$0x81] =	vst.msk $0xffff, v0  }
0x34: {  	v4 =	vld [tilespmem:s15+$0x20];
	[tilespmem:s14+$0x810 ss:$0x81] =	vst.msk $0xffff, v1  }
0x35: {  	s12 =	sshrl.u32 s12, $0x2;
	v0 =	vld [tilespmem:s15+$0xFFFFFFC0];
	[tilespmem:s14+$0x1020 ss:$0x81] =	vst.msk $0xffff, v5;
	s15 =	sadd.s32 $0x80, s15  }
0x36: {  	s16 =	simm.s32 $0x4;
	s17 =	simm.s32 $0x8;
	s12 =	sor.u32 $0x8000, s12;
	[tilespmem:s14+$0x1830 ss:$0x81] =	vst.msk $0xffff, v6;
	v1 =	vld [tilespmem:s15+$0x30]  }
.LBB1_3:
0x37: {  	p1 =	sne.s32 s17, $0x1FC;
	v5 =	vld [tilespmem:s15+$0xFFFFFFD0];
	[tilespmem:s14+$0x2040 ss:$0x81] =	vst.msk $0xffff, v2  }
0x38: {  	v6 =	vld [tilespmem:s15+$0xFFFFFFE0];
	[tilespmem:s14+$0x2850 ss:$0x81] =	vst.msk $0xffff, v3  }
0x39: {  	s18 =	sshra.s32 s16, $0x2;
	s16 =	smov.u32 s17;
	v7 =	vld [tilespmem:s15+$0xFFFFFFF0];
	[tilespmem:s14+$0x3060 ss:$0x81] =	vst.msk $0xffff, v4  }
.Ltmp3:
0x3a: {  	v2 =	vld [tilespmem:s15+$0x0];
	[tilespmem:s14+$0x0 ss:$0x81] =	vst.msk $0xffff, v0;
	s14 =	sadd.s32 s18, s13;
	(pc) =	sbr.rel @p1 .LBB1_3-.Ltmp3, $4  }
0x3b: {  	v3 =	vld [tilespmem:s15+$0x10];
	[tilespmem:s14+$0x3870 ss:$0x81] =	vst.msk $0xffff, v1  }
0x3c: {  	[tilespmem:s14+$0x810 ss:$0x81] =	vst.msk $0xffff, v5;
	v4 =	vld [tilespmem:s15+$0x20]  }
0x3d: {  	v0 =	vld [tilespmem:s15+$0xFFFFFFC0];
	[tilespmem:s14+$0x1020 ss:$0x81] =	vst.msk $0xffff, v6;
	s15 =	sadd.s32 $0x80, s15  }
0x3e: {  	s17 =	sadd.s32 $0x4, s17;
	v1 =	vld [tilespmem:s15+$0x30];
	[tilespmem:s14+$0x1830 ss:$0x81] =	vst.msk $0xffff, v7  }
0x3f: {  	v5 =	vld [tilespmem:s15+$0xFFFFFFD0];
	[tilespmem:s14+$0x2040 ss:$0x81] =	vst.msk $0xffff, v2  }
0x40: {  	v58 =	vld [tilespmem:s15+$0xFFFFFFE0];
	[tilespmem:s14+$0x2850 ss:$0x81] =	vst.msk $0xffff, v3  }
0x41: {  	s16 =	sshra.s32 s16, $0x2;
	v59 =	vld [tilespmem:s15+$0xFFFFFFF0];
	s17 =	sshll.u32 s11, $0x3;
	[tilespmem:s14+$0x3060 ss:$0x81] =	vst.msk $0xffff, v4  }
0x42: {  	v60 =	vld [tilespmem:s15+$0x0];
	s13 =	sadd.s32 s16, s13;
	s26 =	sshrl.u32 s17, $0xA;
	[tilespmem:s14+$0x0 ss:$0x81] =	vst.msk $0xffff, v0  }
0x43: {  	v61 =	vld [tilespmem:s15+$0x10];
	s14 =	smulhi.u32 $0x55E47D, s26;
	[tilespmem:s13+$0x3870 ss:$0x81] =	vst.msk $0xffff, v1  }
0x44: {  	v62 =	vld [tilespmem:s15+$0x20];
	s27 =	sand.u32 $0x7F, s11;
	[tilespmem:s13+$0x810 ss:$0x81] =	vst.msk $0xffff, v5  }
0x45: {  	v63 =	vld [tilespmem:s15+$0xFFFFFFC0];
	s28 =	sand.u32 $0xFFFFFC00, s17;
	[tilespmem:s13+$0x1020 ss:$0x81] =	vst.msk $0xffff, v58;
	s29 =	smul.u32 $0xBEC00, s14;
	s14 =	sand.u32 $0x7F, s14  }
0x46: {  	s11 =	sor.u32 s27, s28;
	[tilespmem:s13+$0x1830 ss:$0x81] =	vst.msk $0xffff, v59;
	s14 =	smul.u32 $0x17D80, s14  }
.Ltmp4:
0x47: {  	[tilespmem:s13+$0x2040 ss:$0x81] =	vst.msk $0xffff, v60;
	s11 =	ssub.s32 s11, s29;
	(pc) =	sbr.rel .LBB1_5-.Ltmp4, $4  }
0x48: {  	[tilespmem:s13+$0x2850 ss:$0x81] =	vst.msk $0xffff, v61;
	s30 =	sand.u32 $0x7, s11  }
0x49: {  	[tilespmem:s13+$0x3060 ss:$0x81] =	vst.msk $0xffff, v62;
	s11 =	sshrl.u32 s11, $0x3;
	s14 =	sadd.s32 s4, s14;
	s15 =	sshll.u32 s30, $0x12  }
0x4a: {  	[tilespmem:s13+$0x0 ss:$0x81] =	vst.msk $0xffff, v63;
	s11 =	sadd.s32 s11, s14;
	s31 =	sor.u32 $0x400, s15  }
0x4b: {  	[hbm4b:s11+s31] =	stream.strided.scatter [tilespmem:s12], [sflag:$0x2], $0x4000, s8, s31, $0x20;
	[tilespmem:$0x10100] =	vst v63  }
.LBB1_6:
0x4c: {  	_ =	sfence.sel $0x180000  }
0x4d: {  	s2 =	simm.s32 $0x1;
	[bflag:$0x0] =	sbarrier.arrive $0xFFFF  }
0x4e: {  	s31 =	simm.s32 $0x2;
	[sflag:s2] =	ssyncpa.u1 $0x1  }
0x4f: {  	[sflag:s31] =	ssyncpa.u1 $0x1  }
0x50: {  	p0 =	sne.s32 s1, $0x0;
	_ =	strace $0x90000047  }
0x51: {  	s0 =	sadd.s32 @!p0 $0x100000, s0;
	[bflag:$0x2] =	sbarrier.arrive $0xFFFF  }
0x52: {  	[sflag:s0] =	ssyncadd.tile.s32 @!p0 $0x1;
	_ =	shalt  }
.Lfunc_end1:
_tile_overlayer_lowered:
.L_overlay_start_2:
0x53: {  	(tag) =	ssettag $0x2  }
0x54: {  	s0 =	rddreg [dreg:$0x0];
	s2 =	stileid.u32  }
0x55: {  	s1 =	rddreg [dreg:$0x1];
	p0 =	sne.s32 s2, $0x0  }
0x56: {  	s3 =	rddreg [dreg:$0x2];
	[bflag:$0x3] =	sbarrier.arrive $0xFFFF;
	s2 =	simm.s32 @!p0 $0x1C01  }
0x57: {  	[timem:s3], [sflag:s2] =	dma.local @!p0 [hbm:s0], s1  }
0x58: {  	s0 =	simm.s32 @!p0 $0x1  }
0x59: {  	_ =	swait.ge @!p0 [sflag:s0], s1  }
0x5a: {  	s1 =	ssub.s32 @!p0 $0x0, s1;
	[sflag:s0] =	ssyncset.done @!p0 $0x0  }
0x5b: {  	[sflag:s0] =	ssyncadd.s32 @!p0 s1  }
0x5c: {  	[bflag:$0x3] =	sbarrier.arrive $0xFFFF  }
0x5d: {  	_ =	shalt  }

// kernel: sparse-core-data-format-call.cloned.1.call-start
scs
called_computation.1_lowered:
.L_overlay_start_0:
0x0: {  	s1 =	sld [smem:$0x3FD9]  }
0x1: {  	s2 =	sld [smem:$0x3FFE];
	_ =	sdelay $0x1  }
0x2: {  	s3 =	srdreg.scid  }
0x3: {  	s0 =	sand.u32 $0x1, s3  }
0x4: {  	s17 =	sshll.u32 s0, $0xA;
	s1 =	sadd.s32 s2, s1  }
0x5: {  	s1 =	sadd.s32 s1, s17  }
0x6: {  	[smem:$0x3FBE] =	sst s1  }
0x7: {  	_ = 	snop  }
0x8: {  	(tm) =	ssettm $0x1  }
0x9: {  	s18 =	sld [smem:$0x3FFB];
	_ =	sdelay $0x3  }
0xa: {  	_ =	strace s18  }
0xb: {  	s1 =	sld [smem:$0x3FFC];
	_ =	sdelay $0x3  }
0xc: {  	_ =	strace s1  }
0xd: {  	s1 =	sld [smem:$0x3FFD];
	_ =	sdelay $0x3  }
0xe: {  	_ =	strace s1  }
0xf: {  	_ =	strace $0x8FFFFFFF  }
0x10: {  	s19 =	sld [smem:$0x3FDB];
	_ =	sdelay $0x1  }
0x11: {  	s20 =	simm.s32 $_scs_section_size  }
0x12: {  	s4 =	simm.s32 $_size__tile_overlayer_lowered;
	s5 =	simm.s32 $_tile_overlayer_lowered  }
0x13: {  	s23 =	simm.s32 $0x1BFF;
	s22 =	sshll.u32 s5, $0x1;
	s1 =	sadd.s32 s20, s19  }
0x14: {  	s6 =	simm.s32 $0x0;
	s21 =	sshll.u32 s4, $0x1;
	s4 =	sadd.s32 s22, s1  }
0x15: {  	[timem:s6], [sflag:s23] =	dma.local [hbm:s4], s21  }
0x16: {  	_ =	swait.ge [sflag:s23], s21  }
0x17: {  	s2 =	ssub.s32 $0x0, s21;
	[sflag:s23] =	ssyncset.done $0x0  }
0x18: {  	[sflag:s23] =	ssyncadd.s32 s2;
	_ =	sdelay $0x1  }
0x19: {  	s24 =	simm.s32 $0x1B8B  }
0x1a: {  	_ =	swait.ge [sflag:s24], $0x1  }
0x1b: {  	[sflag:s24] =	ssyncset.done $0x0  }
0x1c: {  	s26 =	simm.s32 $0x1B8E;
	s25 =	sld [smem:$0x3FFE];
	[sflag:s24] =	ssyncadd.s32 $0xFFFFFFFF  }
0x1d: {  	s27 =	simm.s32 $execute0_lowered;
	[smem:$0x3FD2] =	sst s26  }
0x1e: {  	s4 =	sshll.u32 s27, $0x1;
	_ =	strace $0x80000049;
	[dreg:$0x1] =	wrdreg $0xFFFFFFFF  }
0x1f: {  	s28 =	simm.s32 $_size_execute0_lowered;
	s1 =	sadd.s32 s1, s4;
	[dreg:$0x0] =	wrdreg $0x0  }
0x20: {  	s4 =	sshll.u32 s28, $0x1;
	[dreg:$0x2] =	wrdreg s1  }
0x21: {  	[dreg:$0x3] =	wrdreg s4  }
0x22: {  	[dreg:$0x4] =	wrdreg $0xC0  }
0x23: {  	_ =	task [dreg:s6], $0x5FFFF  }
0x24: {  	[dreg:$0x1] =	wrdreg $0xFFFFFFFF  }
0x25: {  	[dreg:$0x0] =	wrdreg $0x60  }
0x26: {  	[dreg:$0x2] =	wrdreg s25  }
0x27: {  	[dreg:$0x3] =	wrdreg $0x9  }
0x28: {  	_ =	task.clear_ibuf [dreg:s6], $0x4FFFF;
	_ =	strace $0x90000049  }
0x29: {  	s29 =	simm.s32 $0x9;
	_ =	strace $0x8000004B  }
0x2a: {  	_ =	swait.ge [sflag:s29], $0x1  }
0x2b: {  	[sflag:s29] =	ssyncadd.s32 $0xFFFFFFFF  }
0x2c: {  	_ =	strace $0x9000004B  }
0x2d: {  	_ =	sfence  }
0x2e: {  	s30 =	sld [smem:$0x0];
	_ =	sdelay $0x2  }
0x2f: {  	s31 =	sshll.u32 s3, $0xD;
	s3 =	sshrl.u32 s3, $0x2  }
0x30: {  	s2 =	sand.u32 $0x4000, s31;
	s1 =	sadd.s32 s3, s30  }
0x31: {  	s0 =	sor.u32 s2, s0;
	s1 =	sshll.u32 s1, $0x11  }
0x32: {  	s0 =	sor.u32 s1, s0  }
0x33: {  	s0 =	sadd.s32 $0x8F2B, s0  }
0x34: {  	[sflag:s0] =	ssyncadd.remote.s32 $0x1  }
0x35: {  	_ =	sfence.sel $0xFFFF  }
0x36: {  	[dreg:$0x0] =	wrdreg $0xFFFFFFFF;
	(pc) =	sbr.abs _section_cstart, $3  }
0x37: {  	[dreg:$0x1] =	wrdreg $0xFFFFFFFF  }
0x38: {  	_ =	task.clear_ibuf [dreg:s6], $0x2FFFF;
	_ =	strace $0x9FFFFFFF  }
0x39: {  	(tm) =	ssettm $0x7FFFFFFF  }
tec
execute0_lowered:
.L_overlay_start_1:
0x0: {  	(tag) =	ssettag $0x1  }
0x1: {  	s0 =	srdreg.scid  }
0x2: {  	s4 =	rddreg [dreg:$0x0];
	s1 =	stileid.u32  }
0x3: {  	s5 =	simm.s32 $0x1;
	s7 =	simm.s32 $0x2;
	s14 =	simm.s32 $0x0  }
0x4: {  	p0 =	por $0x0, $0x0;
	s13 =	simm.s32 $0x0;
	s0 =	sshll.u32 s0, $0x4  }
0x5: {  	s8 =	simm.s32 $0x0;
	s9 =	simm.s32 $0x0;
	s2 =	sand.u32 $0x10, s0  }
.Ltmp0:
0x6: {  	s11 =	simm.s32 $0x0;
	s3 =	sor.u32 s1, s2;
	(pc) =	sbr.rel .LBB1_1-.Ltmp0, $4  }
0x7: {  	s0 =	rddreg [dreg:$0x1];
	_ =	strace $0x8000004A;
	s3 =	sshll.u32 s3, $0x7  }
0x8: {  	s12 =	simm.s32 $0x0;
	s2 =	sadd.s32 $0xBEC400, s4;
	s6 =	ssub.s32 $0xBEB80, s3  }
0x9: {  	s4 =	sadd.s32 $0x400, s4;
	[sflag:s5] =	ssyncpa.u1 $0x0;
	s6 =	sshrl.u32 s6, $0xC  }
0xa: {  	[sflag:s7] =	ssyncpa.u1 $0x0;
	s10 =	smov.u32 s3;
	s7 =	sadd.s32 $0x2, s6  }
.LBB1_5:
0xb: {  	p1 =	slt.u32 s12, $0x2  }
0xc: {  	p2 =	sgt.s32 @!p1 s14, $0xBEB48  }
0xd: {  	s15 =	smov.u32 s14;
	s16 =	sshra.s32 @!p1 s14, $0x1F;
	p2 =	por !p2, p1  }
0xe: {  	s14 =	sand.u32 @!p1 s16, s14;
	s15 =	simm.s32 @p2 $0xBEB48  }
0xf: {  	s14 =	ssub.s32 @!p1 s15, s14;
	s15 =	ssub.s32 @!p1 $0x0, s13  }
0x10: {  	s17 =	smov.u32 s11;
	s16 =	sadd.s32 @!p1 $0xFFF414B8, s14;
	s13 =	smin.u32 @!p1 s13, s15  }
0x11: {  	s14 =	ssub.s32 @!p1 $0xBEBC8, s14;
	p2 =	sgt.s32 @!p1 s16, $0x7F;
	p3 =	sgt.s32 @!p1 s13, $0x7F  }
0x12: {  	s13 =	ssub.s32 @!p1 $0x80, s13;
	p2 =	por !p2, p1;
	p3 =	por !p3, p1  }
0x13: {  	s15 =	sadd.s32 $0x1000, s10;
	s14 =	simm.s32 @!p2 $0x0;
	s13 =	simm.s32 @!p3 $0x0  }
0x14: {  	p2 =	sgt.s32 s15, $0xBEBC1;
	s13 =	smul.u32 @!p1 s13, s14;
	s14 =	sadd.s32 $0x80, s11  }
0x15: {  	s17 =	smov.u32 @p2 s14  }
0x16: {  	s15 =	smov.u32 @p2 s3;
	p2 =	sgt.s32 s17, $0x7F  }
0x17: {  	s17 =	simm.s32 @p2 $0x0;
	p2 =	sne.s32 s12, s7  }
.Ltmp1:
0x18: {  	p0 =	por !p0, !p0;
	s16 =	simm.s32 @!p1 $0x2;
	(pc) =	sbr.rel @!p2 .LBB1_6-.Ltmp1, $4  }
0x19: {  	s14 =	smov.u32 s8;
	s8 =	smov.u32 s10;
	s13 =	sand.u32 @!p1 $0x3FFFFFFF, s13  }
0x1a: {  	s10 =	smov.u32 s15;
	_ =	swait.ge @!p1 [sflag:s16], s13;
	s18 =	ssub.s32 @!p1 $0x0, s13  }
0x1b: {  	s13 =	smov.u32 s9;
	s12 =	sadd.s32 $0x1, s12;
	[sflag:s16] =	ssyncset.done @!p1 $0x0  }
0x1c: {  	s9 =	smov.u32 s11;
	s11 =	smov.u32 s17;
	[sflag:s16] =	ssyncadd.s32 @!p1 s18  }
.LBB1_1:
0x1d: {  	p1 =	sgt.u32 s12, s6  }
0x1e: {  	s15 =	sshrl.u32 @!p1 s11, $0x3  }
0x1f: {  	s16 =	sshll.u32 @!p1 s10, $0x3;
	s15 =	smul.u32 @!p1 $0x5F6000, s15  }
0x20: {  	s16 =	sand.u32 @!p1 $0xFFFFFC00, s16  }
0x21: {  	s15 =	sadd.s32 @!p1 s15, s16  }
0x22: {  	s16 =	sshrl.u32 @!p1 s15, $0xA  }
0x23: {  	s17 =	sshll.u32 @!p1 s11, $0x7;
	s16 =	smulhi.u32 @!p1 $0x55E47D, s16  }
0x24: {  	s18 =	sand.u32 @!p1 $0x7F, s10;
	s17 =	sand.u32 @!p1 $0x380, s17  }
0x25: {  	s17 =	sor.u32 @!p1 s18, s17;
	s18 =	smul.u32 @!p1 $0xBEC00, s16  }
0x26: {  	s15 =	sor.u32 @!p1 s15, s17;
	s17 =	sxor.u32 @!p1 $0xFFFFFFFF, s12  }
0x27: {  	s17 =	sshll.u32 @!p1 s17, $0xE;
	s16 =	sand.u32 @!p1 $0x7F, s16;
	s15 =	ssub.s32 @!p1 s15, s18  }
0x28: {  	s16 =	smul.u32 @!p1 $0x17D80, s16;
	s18 =	sshrl.u32 @!p1 s15, $0x3;
	s15 =	sand.u32 @!p1 $0x7, s15  }
0x29: {  	s17 =	sand.u32 @!p1 $0x4000, s17;
	s18 =	sadd.s32 @!p1 s2, s18;
	s15 =	sshll.u32 @!p1 s15, $0x12  }
0x2a: {  	s16 =	sadd.s32 @!p1 s16, s18;
	s15 =	sor.u32 @!p1 $0x400, s15;
	s18 =	simm.s32 @!p1 $0x5F6000  }
0x2b: {  	[tilespmem:s17], [sflag:$0x1] =	stream.strided.gather @!p1 [hbm4b:s16+s15], $0x4000, s18, s15, $0x38;
	[tilespmem:$0x10100] =	vst v63  }
0x2c: {  	p1 =	seq.s32 s12, $0x0  }
0x2d: {  	p2 =	sge.u32 @!p1 s12, s7  }
0x2e: {  	p1 =	por p1, p2  }
.Ltmp2:
0x2f: {  	_ = 	snop;
	(pc) =	sbr.rel @p1 .LBB1_5-.Ltmp2, $1  }
0x30: {  	_ =	sdelay $0x3  }
0x31: {  	s15 =	simm.s32 $0x1  }
0x32: {  	_ =	swait.ge [sflag:s5], $0x4000;
	s15 =	simm.s32 @!p0 $0x0  }
0x33: {  	[sflag:s5] =	ssyncset.done $0x0;
	s16 =	sshll.u32 s15, $0xE  }
0x34: {  	[sflag:s5] =	ssyncadd.s32 $0xFFFFC000;
	s16 =	sor.u32 $0x40, s16  }
0x35: {  	s15 =	smul.u32 $0x10200, s15;
	v0 =	vld [tilespmem:s16+$0x30]  }
0x36: {  	v1 =	vld [tilespmem:s16+$0xFFFFFFD0]  }
0x37: {  	s15 =	sshrl.u32 s15, $0x2;
	v5 =	vld [tilespmem:s16+$0xFFFFFFE0]  }
0x38: {  	v6 =	vld [tilespmem:s16+$0xFFFFFFF0];
	s18 =	sor.u32 $0x8000, s15  }
0x39: {  	s31 =	sand.u32 $0x1, s12;
	v4 =	vld [tilespmem:s16+$0x0];
	s17 =	sadd.s32 $0x0, s18  }
0x3a: {  	v3 =	vld [tilespmem:s16+$0x10];
	s15 =	smul.u32 $0x10200, s31;
	[tilespmem:s17+$0x3870 ss:$0x81] =	vst.msk $0xffff, v0  }
0x3b: {  	v2 =	vld [tilespmem:s16+$0x20];
	[tilespmem:s17+$0x810 ss:$0x81] =	vst.msk $0xffff, v1  }
0x3c: {  	s15 =	sshrl.u32 s15, $0x2;
	v0 =	vld [tilespmem:s16+$0xFFFFFFC0];
	[tilespmem:s17+$0x1020 ss:$0x81] =	vst.msk $0xffff, v5;
	s16 =	sadd.s32 $0x80, s16  }
0x3d: {  	s19 =	simm.s32 $0x4;
	s20 =	simm.s32 $0x8;
	s15 =	sor.u32 $0x8000, s15;
	[tilespmem:s17+$0x1830 ss:$0x81] =	vst.msk $0xffff, v6;
	v1 =	vld [tilespmem:s16+$0x30]  }
.LBB1_3:
0x3e: {  	p1 =	sne.s32 s20, $0x1FC;
	v5 =	vld [tilespmem:s16+$0xFFFFFFD0];
	[tilespmem:s17+$0x2040 ss:$0x81] =	vst.msk $0xffff, v4  }
0x3f: {  	v6 =	vld [tilespmem:s16+$0xFFFFFFE0];
	[tilespmem:s17+$0x2850 ss:$0x81] =	vst.msk $0xffff, v3  }
0x40: {  	s21 =	sshra.s32 s19, $0x2;
	s19 =	smov.u32 s20;
	v7 =	vld [tilespmem:s16+$0xFFFFFFF0];
	[tilespmem:s17+$0x3060 ss:$0x81] =	vst.msk $0xffff, v2  }
.Ltmp3:
0x41: {  	v4 =	vld [tilespmem:s16+$0x0];
	[tilespmem:s17+$0x0 ss:$0x81] =	vst.msk $0xffff, v0;
	s17 =	sadd.s32 s21, s18;
	(pc) =	sbr.rel @p1 .LBB1_3-.Ltmp3, $4  }
0x42: {  	v3 =	vld [tilespmem:s16+$0x10];
	[tilespmem:s17+$0x3870 ss:$0x81] =	vst.msk $0xffff, v1  }
0x43: {  	[tilespmem:s17+$0x810 ss:$0x81] =	vst.msk $0xffff, v5;
	v2 =	vld [tilespmem:s16+$0x20]  }
0x44: {  	v0 =	vld [tilespmem:s16+$0xFFFFFFC0];
	[tilespmem:s17+$0x1020 ss:$0x81] =	vst.msk $0xffff, v6;
	s16 =	sadd.s32 $0x80, s16  }
0x45: {  	s20 =	sadd.s32 $0x4, s20;
	v1 =	vld [tilespmem:s16+$0x30];
	[tilespmem:s17+$0x1830 ss:$0x81] =	vst.msk $0xffff, v7  }
0x46: {  	s20 =	sshll.u32 s8, $0x7;
	s21 =	sshll.u32 s9, $0x3;
	s19 =	sshra.s32 s19, $0x2  }
0x47: {  	v5 =	vld [tilespmem:s16+$0xFFFFFFD0];
	[tilespmem:s17+$0x2040 ss:$0x81] =	vst.msk $0xffff, v4;
	p1 =	sgt.s32 s8, $0xBEB48;
	s22 =	sand.u32 $0xFFFFFC00, s20;
	s21 =	sand.u32 $0xFFFFFC00, s21  }
0x48: {  	v58 =	vld [tilespmem:s16+$0xFFFFFFE0];
	s24 =	sshra.s32 s8, $0x1F;
	s20 =	sand.u32 $0x380, s20;
	[tilespmem:s17+$0x2850 ss:$0x81] =	vst.msk $0xffff, v3;
	s21 =	sadd.s32 s21, s22  }
0x49: {  	v59 =	vld [tilespmem:s16+$0xFFFFFFF0];
	s26 =	ssub.s32 $0x0, s9;
	s18 =	sadd.s32 s19, s18;
	[tilespmem:s17+$0x3060 ss:$0x81] =	vst.msk $0xffff, v2;
	s23 =	sor.u32 s20, s21  }
0x4a: {  	v60 =	vld [tilespmem:s16+$0x0];
	s28 =	smin.u32 s9, s26;
	s20 =	smov.u32 s8;
	[tilespmem:s17+$0x0 ss:$0x81] =	vst.msk $0xffff, v0;
	s19 =	sshrl.u32 s23, $0x7  }
0x4b: {  	v61 =	vld [tilespmem:s16+$0x10];
	s21 =	sand.u32 s24, s8;
	s20 =	simm.s32 @!p1 $0xBEB48;
	[tilespmem:s18+$0x3870 ss:$0x81] =	vst.msk $0xffff, v1;
	s25 =	smulhi.u32 $0x2AF3083, s19  }
0x4c: {  	v62 =	vld [tilespmem:s16+$0x20];
	s29 =	sshrl.u32 s9, $0x3;
	p2 =	sgt.s32 s28, $0x7F;
	s20 =	ssub.s32 s20, s21;
	[tilespmem:s18+$0x810 ss:$0x81] =	vst.msk $0xffff, v5  }
0x4d: {  	v63 =	vld [tilespmem:s16+$0xFFFFFFC0];
	[tilespmem:s18+$0x1020 ss:$0x81] =	vst.msk $0xffff, v58;
	s21 =	sadd.s32 $0xFFF414B8, s20;
	s20 =	ssub.s32 $0xBEBC8, s20;
	s17 =	sshrl.u32 s25, $0xD  }
0x4e: {  	[tilespmem:s18+$0x1830 ss:$0x81] =	vst.msk $0xffff, v59;
	p1 =	sgt.s32 s21, $0x7F;
	s27 =	smul.u32 $0xBEBC8, s17;
	s17 =	ssub.s32 $0x80, s28  }
.Ltmp4:
0x4f: {  	[tilespmem:s18+$0x2040 ss:$0x81] =	vst.msk $0xffff, v60;
	s20 =	simm.s32 @p1 $0x0;
	s17 =	simm.s32 @p2 $0x0;
	(pc) =	sbr.rel .LBB1_5-.Ltmp4, $4  }
0x50: {  	s30 =	sand.u32 $0xF, s29;
	[tilespmem:s18+$0x2850 ss:$0x81] =	vst.msk $0xffff, v61;
	s16 =	ssub.s32 s19, s27;
	s17 =	smul.u32 s17, s20  }
0x51: {  	[tilespmem:s18+$0x3060 ss:$0x81] =	vst.msk $0xffff, v62;
	s19 =	sadd.s32 s4, s30;
	s16 =	sshll.u32 s16, $0x4  }
0x52: {  	s31 =	sand.u32 $0x7, s9;
	[tilespmem:s18+$0x0 ss:$0x81] =	vst.msk $0xffff, v63;
	s17 =	sand.u32 $0x3FFFFFFF, s17;
	s16 =	sadd.s32 s16, s19  }
0x53: {  	[hbm4b:s16+s31] =	stream.linear.scatter [tilespmem:s15], [sflag:$0x2], s17, $0x20;
	[tilespmem:$0x10100] =	vst v63  }
.LBB1_6:
0x54: {  	_ =	sfence.sel $0x180000  }
0x55: {  	s2 =	simm.s32 $0x1;
	[bflag:$0x0] =	sbarrier.arrive $0xFFFF  }
0x56: {  	s31 =	simm.s32 $0x2;
	[sflag:s2] =	ssyncpa.u1 $0x1  }
0x57: {  	[sflag:s31] =	ssyncpa.u1 $0x1  }
0x58: {  	p0 =	sne.s32 s1, $0x0;
	_ =	strace $0x9000004A  }
0x59: {  	s0 =	sadd.s32 @!p0 $0x100000, s0;
	[bflag:$0x2] =	sbarrier.arrive $0xFFFF  }
0x5a: {  	[sflag:s0] =	ssyncadd.tile.s32 @!p0 $0x1;
	_ =	shalt  }
.Lfunc_end1:
_tile_overlayer_lowered:
.L_overlay_start_2:
0x5b: {  	(tag) =	ssettag $0x2  }
0x5c: {  	s0 =	rddreg [dreg:$0x0];
	s2 =	stileid.u32  }
0x5d: {  	s1 =	rddreg [dreg:$0x1];
	p0 =	sne.s32 s2, $0x0  }
0x5e: {  	s3 =	rddreg [dreg:$0x2];
	[bflag:$0x3] =	sbarrier.arrive $0xFFFF;
	s2 =	simm.s32 @!p0 $0x1C01  }
0x5f: {  	[timem:s3], [sflag:s2] =	dma.local @!p0 [hbm:s0], s1  }
0x60: {  	s0 =	simm.s32 @!p0 $0x1  }
0x61: {  	_ =	swait.ge @!p0 [sflag:s0], s1  }
0x62: {  	s1 =	ssub.s32 @!p0 $0x0, s1;
	[sflag:s0] =	ssyncset.done @!p0 $0x0  }
0x63: {  	[sflag:s0] =	ssyncadd.s32 @!p0 s1  }
0x64: {  	[bflag:$0x3] =	sbarrier.arrive $0xFFFF  }
0x65: {  	_ =	shalt  }

</sc_bundles>
